<compile_context>
chip_gen: v7x
topology: tpu7x:2x2x1
jax: 0.10.2.dev20260603
libtpu: 0.0.44.dev20260713+nightly
codegen_flags: <defaults>
</compile_context>

<pallas_src>
import functools

import jax
import jax.numpy as jnp
from jax import lax
from jax.experimental import pallas as pl
from jax.experimental.pallas import tpu as pltpu
from jax.experimental.pallas import tpu_sc as plsc

N = 10000
E = 320000
D = 128
BS = 1024
L = 50
ITEM_NUM = 9000
POS = 200

NC = 2
NS = 16
NW = NC * NS
EPW = E // NW
CH = 80
NCH = EPW // CH
NPAIR = (NCH - 1) // 2
NPAD = 10240
RPT = NPAD // NS
RCH = RPT // CH

SEQ_T = BS * L
SPW = SEQ_T // NW
SCH = SPW // CH
GPAIR = SCH // 2
UPW = BS // NW


def _edge_agg_body(src_hbm, dst_hbm, v2e_hbm, z80_hbm,
                   agg_out, deg_out,
                   src0, src1, src2, dst0, dst1, dst2, sd0, sd1, sd2,
                   rows0, rows1, rows2, deg_v,
                   si0, si1, si2, sg0, sg1, sg2, ss,
                   agg_sh):
    c = lax.axis_index("c")
    s = lax.axis_index("s")
    wid = s * NC + c
    base_r = s * RPT
    ebase = wid * EPW

    srcb = (src0, src1, src2)
    dstb = (dst0, dst1, dst2)
    rowb = (rows0, rows1, rows2)
    sib = (si0, si1, si2)
    sgb = (sg0, sg1, sg2)
    sdb = (sd0, sd1, sd2)

    ones16 = jnp.ones((16,), jnp.float32)
    zero16 = jnp.zeros((16,), jnp.float32)

    pltpu.sync_copy(z80_hbm, rows0)

    def zbody(j, carry):
        pltpu.sync_copy(rows0, agg_sh.at[pl.ds(base_r + j * CH, CH)])
        return carry
    lax.fori_loop(0, RCH, zbody, 0)

    def zdeg(j, carry):
        deg_v[pl.ds(j * 16, 16)] = zero16
        return carry
    lax.fori_loop(0, NPAD // 16, zdeg, 0)
    plsc.subcore_barrier()

    def fetch_idx(i, b):
        off = ebase + i * CH
        pltpu.async_copy(src_hbm.at[pl.ds(off, CH)], srcb[b], sib[b])
        pltpu.async_copy(dst_hbm.at[pl.ds(off, CH)], dstb[b], sib[b])

    def wait_idx(i, b):
        off = ebase + i * CH
        pltpu.make_async_copy(src_hbm.at[pl.ds(off, CH)], srcb[b],
                              sib[b]).wait()
        pltpu.make_async_copy(dst_hbm.at[pl.ds(off, CH)], dstb[b],
                              sib[b]).wait()

    def wait_scatter(b3):
        pltpu.make_async_copy(rowb[b3], agg_sh.at[sdb[b3]], ss).wait()

    def body(i, b3, wait_sc, do_fetch, do_gather):
        if wait_sc:
            wait_scatter((b3 - 2) % 3)
        if do_fetch:
            fetch_idx(i + 2, (b3 + 2) % 3)
        if do_gather:
            nb = (b3 + 1) % 3
            wait_idx(i + 1, nb)
            pltpu.async_copy(v2e_hbm.at[srcb[nb]], rowb[nb], sgb[nb])
        pltpu.make_async_copy(v2e_hbm.at[srcb[b3]], rowb[b3],
                              sgb[b3]).wait()
        for k in range(CH // 16):
            idx16 = dstb[b3][pl.ds(k * 16, 16)]
            sdb[b3][pl.ds(k * 16, 16)] = idx16
            plsc.addupdate_scatter(deg_v, [idx16], ones16)
        pltpu.async_copy(rowb[b3], agg_sh.at[sdb[b3]], ss, add=True)

    fetch_idx(0, 0)
    fetch_idx(1, 1)
    wait_idx(0, 0)
    pltpu.async_copy(v2e_hbm.at[src0], rows0, sg0)
    body(0, 0, False, True, True)
    body(1, 1, False, True, True)

    def pbody(g, carry):
        i = 3 * g + 2
        body(i, 2, True, True, True)
        body(i + 1, 0, True, True, True)
        body(i + 2, 1, True, True, True)
        return carry
    lax.fori_loop(0, (NCH - 5) // 3, pbody, 0)

    body(NCH - 3, 2, True, True, True)
    body(NCH - 2, 0, True, False, True)
    body(NCH - 1, 1, True, False, False)
    wait_scatter(0)
    wait_scatter(1)
    plsc.subcore_barrier()

    out_r = c * NPAD + base_r

    def wbody(j, carry):
        pltpu.sync_copy(agg_sh.at[pl.ds(base_r + j * CH, CH)], rows0)
        pltpu.sync_copy(rows0, agg_out.at[pl.ds(out_r + j * CH, CH)])
        return carry
    lax.fori_loop(0, RCH, wbody, 0)
    pltpu.sync_copy(deg_v, deg_out.at[pl.ds(wid * NPAD, NPAD)])


def _edge_agg(src, dst, v2e, z80):
    return pl.kernel(
        _edge_agg_body,
        out_type=[
            jax.ShapeDtypeStruct((NC * NPAD, D), jnp.float32),
            jax.ShapeDtypeStruct((NW * NPAD,), jnp.float32),
        ],
        mesh=plsc.VectorSubcoreMesh(core_axis_name="c", subcore_axis_name="s",
                                    num_cores=NC, num_subcores=NS),
        scratch_types=[
            pltpu.VMEM((CH,), jnp.int32),
            pltpu.VMEM((CH,), jnp.int32),
            pltpu.VMEM((CH,), jnp.int32),
            pltpu.VMEM((CH,), jnp.int32),
            pltpu.VMEM((CH,), jnp.int32),
            pltpu.VMEM((CH,), jnp.int32),
            pltpu.VMEM((CH,), jnp.int32),
            pltpu.VMEM((CH,), jnp.int32),
            pltpu.VMEM((CH,), jnp.int32),
            pltpu.VMEM((CH, D), jnp.float32),
            pltpu.VMEM((CH, D), jnp.float32),
            pltpu.VMEM((CH, D), jnp.float32),
            pltpu.VMEM((NPAD,), jnp.float32),
            pltpu.SemaphoreType.DMA,
            pltpu.SemaphoreType.DMA,
            pltpu.SemaphoreType.DMA,
            pltpu.SemaphoreType.DMA,
            pltpu.SemaphoreType.DMA,
            pltpu.SemaphoreType.DMA,
            pltpu.SemaphoreType.DMA,
            pltpu.VMEM_SHARED((NPAD, D), jnp.float32),
        ],
        compiler_params=pltpu.CompilerParams(needs_layout_passes=False),
    )(src, dst, v2e, z80)


def _gather_body(g_hbm, pos_tab_hbm, seq_hbm, pos_hbm, uidx_hbm,
                 seqg_out, posg_out, userg_out,
                 is0, is1, ip0, ip1, srows0, srows1, prows0, prows1,
                 uidx_v, urows_v,
                 csi0, csi1, cpi0, cpi1, csg0, csg1, cpg0, cpg1,
                 sws, swp, sem):
    c = lax.axis_index("c")
    s = lax.axis_index("s")
    wid = s * NC + c
    gbase = wid * SPW

    def fetch(i, ibuf, idx_hbm, sem_i):
        pltpu.async_copy(idx_hbm.at[pl.ds(gbase + i * CH, CH)], ibuf, sem_i)

    def wait_fetch(i, ibuf, idx_hbm, sem_i):
        pltpu.make_async_copy(idx_hbm.at[pl.ds(gbase + i * CH, CH)], ibuf,
                              sem_i).wait()

    def wait_wb(i, rbuf, out_hbm, sem_w):
        pltpu.make_async_copy(rbuf, out_hbm.at[pl.ds(gbase + i * CH, CH)],
                              sem_w).wait()

    def half(i, ibs, ibp, rbs, rbp, sis, sip, sgs, sgp,
             prev_rbs, prev_rbp, nxt_ibs, nxt_ibp, nxt_sis, nxt_sip,
             wait_prev, prefetch):
        wait_fetch(i, ibs, seq_hbm, sis)
        gs = pltpu.async_copy(g_hbm.at[ibs], rbs, sgs)
        wait_fetch(i, ibp, pos_hbm, sip)
        gp = pltpu.async_copy(pos_tab_hbm.at[ibp], rbp, sgp)
        if wait_prev:
            wait_wb(i - 1, prev_rbs, seqg_out, sws)
            wait_wb(i - 1, prev_rbp, posg_out, swp)
        gs.wait()
        pltpu.async_copy(rbs, seqg_out.at[pl.ds(gbase + i * CH, CH)], sws)
        gp.wait()
        pltpu.async_copy(rbp, posg_out.at[pl.ds(gbase + i * CH, CH)], swp)
        if prefetch:
            fetch(i + 1, nxt_ibs, seq_hbm, nxt_sis)
            fetch(i + 1, nxt_ibp, pos_hbm, nxt_sip)

    fetch(0, is0, seq_hbm, csi0)
    fetch(0, ip0, pos_hbm, cpi0)

    def pair(g, wait_first, prefetch_last):
        i = 2 * g
        half(i, is0, ip0, srows0, prows0, csi0, cpi0, csg0, cpg0,
             srows1, prows1, is1, ip1, csi1, cpi1, wait_first, True)
        half(i + 1, is1, ip1, srows1, prows1, csi1, cpi1, csg1, cpg1,
             srows0, prows0, is0, ip0, csi0, cpi0, True, prefetch_last)

    pair(0, False, True)

    def pbody(g, carry):
        pair(g, True, True)
        return carry
    lax.fori_loop(1, GPAIR - 1, pbody, 0)
    pair(GPAIR - 1, True, False)
    wait_wb(SCH - 1, srows1, seqg_out, sws)
    wait_wb(SCH - 1, prows1, posg_out, swp)

    uoff = wid * UPW
    pltpu.sync_copy(uidx_hbm.at[pl.ds(uoff, UPW)], uidx_v)
    pltpu.async_copy(g_hbm.at[uidx_v], urows_v, sem).wait()
    pltpu.sync_copy(urows_v, userg_out.at[pl.ds(uoff, UPW)])


def _gathers(g, pos_table, seq_flat, pos_flat, uidx):
    return pl.kernel(
        _gather_body,
        out_type=[
            jax.ShapeDtypeStruct((SEQ_T, D), jnp.float32),
            jax.ShapeDtypeStruct((SEQ_T, D), jnp.float32),
            jax.ShapeDtypeStruct((BS, D), jnp.float32),
        ],
        mesh=plsc.VectorSubcoreMesh(core_axis_name="c", subcore_axis_name="s",
                                    num_cores=NC, num_subcores=NS),
        scratch_types=[
            pltpu.VMEM((CH,), jnp.int32),
            pltpu.VMEM((CH,), jnp.int32),
            pltpu.VMEM((CH,), jnp.int32),
            pltpu.VMEM((CH,), jnp.int32),
            pltpu.VMEM((CH, D), jnp.float32),
            pltpu.VMEM((CH, D), jnp.float32),
            pltpu.VMEM((CH, D), jnp.float32),
            pltpu.VMEM((CH, D), jnp.float32),
            pltpu.VMEM((UPW,), jnp.int32),
            pltpu.VMEM((UPW, D), jnp.float32),
            pltpu.SemaphoreType.DMA,
            pltpu.SemaphoreType.DMA,
            pltpu.SemaphoreType.DMA,
            pltpu.SemaphoreType.DMA,
            pltpu.SemaphoreType.DMA,
            pltpu.SemaphoreType.DMA,
            pltpu.SemaphoreType.DMA,
            pltpu.SemaphoreType.DMA,
            pltpu.SemaphoreType.DMA,
            pltpu.SemaphoreType.DMA,
            pltpu.SemaphoreType.DMA,
        ],
    )(g, pos_table, seq_flat, pos_flat, uidx)


_BN = 400


def _sage_body(v2e_ref, agg_ref, deg_ref, ws_ref, wn_ref, b_ref, g_ref):
    x = v2e_ref[...]
    a = agg_ref[0] + agg_ref[1]
    d = jnp.sum(deg_ref[...], axis=0)
    neigh = a / jnp.maximum(d, 1.0)
    h = jnp.dot(x, ws_ref[...], preferred_element_type=jnp.float32)
    h = h + jnp.dot(neigh, wn_ref[...], preferred_element_type=jnp.float32)
    h = jax.nn.relu(h + b_ref[...])
    g_ref[...] = 0.5 * (h + x)


def _sage(v2e, agg, deg, Wself, Wneigh, bneigh):
    return pl.pallas_call(
        _sage_body,
        grid=(N // _BN,),
        in_specs=[
            pl.BlockSpec((_BN, D), lambda i: (i, 0)),
            pl.BlockSpec((NC, _BN, D), lambda i: (0, i, 0)),
            pl.BlockSpec((NW, _BN, 1), lambda i: (0, i, 0)),
            pl.BlockSpec((D, D), lambda i: (0, 0)),
            pl.BlockSpec((D, D), lambda i: (0, 0)),
            pl.BlockSpec((1, D), lambda i: (0, 0)),
        ],
        out_specs=pl.BlockSpec((_BN, D), lambda i: (i, 0)),
        out_shape=jax.ShapeDtypeStruct((N, D), jnp.float32),
    )(v2e, agg, deg, Wself, Wneigh, bneigh)


_BB = 8
_BM = _BB * L


def _attn_body(node_ref, pos_ref, m_ref, u_ref,
               w1a_ref, w1b_ref, g1w_ref, g1b_ref, g2w_ref, w2_ref,
               w3_ref, g3w_ref, g3b_ref, g4w_ref, w4_ref,
               scwa_ref, scwb_ref, scb_ref, out_ref):
    node = node_ref[...]
    posv = pos_ref[...]
    m = m_ref[...]
    u = u_ref[...]

    row = lax.broadcasted_iota(jnp.int32, (_BM, _BB), 0) // L
    col = lax.broadcasted_iota(jnp.int32, (_BM, _BB), 1)
    selT = (row == col).astype(jnp.float32)

    def seg_sum(x):
        return lax.dot_general(selT, x, (((0,), (0,)), ((), ())),
                               preferred_element_type=jnp.float32)

    def expand(x):
        return jnp.dot(selT, x, preferred_element_type=jnp.float32)

    mnode = node * m
    tmp = seg_sum(mnode) / seg_sum(m)
    hsb = expand(jnp.dot(tmp, g2w_ref[...],
                         preferred_element_type=jnp.float32))

    nh = jnp.tanh(jnp.dot(posv, w1a_ref[...], preferred_element_type=jnp.float32)
                  + jnp.dot(node, w1b_ref[...], preferred_element_type=jnp.float32))
    nh = jax.nn.sigmoid(jnp.dot(nh, g1w_ref[...], preferred_element_type=jnp.float32)
                        + g1b_ref[...] + hsb)
    beta = jnp.sum(nh * w2_ref[...], axis=-1, keepdims=True) * m
    sess = seg_sum(beta * node)

    ub = expand(jnp.dot(u, g4w_ref[...], preferred_element_type=jnp.float32))
    nh2 = jnp.tanh(jnp.dot(node, w3_ref[...], preferred_element_type=jnp.float32))
    nh2 = jax.nn.sigmoid(jnp.dot(nh2, g3w_ref[...], preferred_element_type=jnp.float32)
                         + g3b_ref[...] + ub)
    beta2 = jnp.sum(nh2 * w4_ref[...], axis=-1, keepdims=True) * m
    sessu = seg_sum(beta2 * node)

    a1 = jnp.sum(sess * scwa_ref[...], axis=-1, keepdims=True)
    a2 = jnp.sum(sessu * scwb_ref[...], axis=-1, keepdims=True)
    alpha = jax.nn.sigmoid(a1 + a2 + scb_ref[0:1, 0:1])
    out_ref[...] = u + alpha * sess + (1.0 - alpha) * sessu


def _attn(seqg, posg, maskf, userg, w1a, w1b, g1w, g1b, g2w, w2r,
          w3, g3w, g3b, g4w, w4r, scwa, scwb, scb):
    full = lambda shape: pl.BlockSpec(shape, lambda i: tuple(0 for _ in shape))
    return pl.pallas_call(
        _attn_body,
        grid=(BS // _BB,),
        in_specs=[
            pl.BlockSpec((_BM, D), lambda i: (i, 0)),
            pl.BlockSpec((_BM, D), lambda i: (i, 0)),
            pl.BlockSpec((_BM, 1), lambda i: (i, 0)),
            pl.BlockSpec((_BB, D), lambda i: (i, 0)),
            full((D, D)), full((D, D)), full((D, D)), full((1, D)),
            full((D, D)), full((1, D)),
            full((D, D)), full((D, D)), full((1, D)), full((D, D)),
            full((1, D)), full((1, D)), full((1, D)), full((1, D)),
        ],
        out_specs=pl.BlockSpec((_BB, D), lambda i: (i, 0)),
        out_shape=jax.ShapeDtypeStruct((BS, D), jnp.float32),
    )(seqg, posg, maskf, userg, w1a, w1b, g1w, g1b, g2w, w2r,
      w3, g3w, g3b, g4w, w4r, scwa, scwb, scb)


_NV = N - 1
_BV = 1280


def _scores_body(f_ref, v_ref, o_ref):
    o_ref[...] = lax.dot_general(f_ref[...], v_ref[...],
                                 (((1,), (1,)), ((), ())),
                                 preferred_element_type=jnp.float32)


def _scores(femb, v2e_sl):
    return pl.pallas_call(
        _scores_body,
        grid=(pl.cdiv(_NV, _BV),),
        in_specs=[
            pl.BlockSpec((BS, D), lambda i: (0, 0)),
            pl.BlockSpec((_BV, D), lambda i: (i, 0)),
        ],
        out_specs=pl.BlockSpec((BS, _BV), lambda i: (0, i)),
        out_shape=jax.ShapeDtypeStruct((BS, _NV), jnp.float32),
    )(femb, v2e_sl)


def kernel(user, seq, mask, seq_len, pos_idx, edge_index, v2e, pos_table,
           Wself, Wneigh, bneigh, w1, w2, glu1_W, glu1_b, glu2_W, w3, w4,
           glu3_W, glu3_b, glu4_W, sc_W, sc_b):
    src = edge_index[0].astype(jnp.int32)
    dst = edge_index[1].astype(jnp.int32)
    z80 = jnp.zeros((CH, D), jnp.float32)

    agg, deg = _edge_agg(src, dst, v2e, z80)
    agg = agg.reshape(NC, NPAD, D)
    deg = deg.reshape(NW, NPAD, 1)
    g = _sage(v2e, agg, deg, Wself, Wneigh, bneigh.reshape(1, D))

    seq_flat = seq.reshape(SEQ_T).astype(jnp.int32)
    pos_flat = pos_idx.reshape(SEQ_T).astype(jnp.int32)
    uidx = (user[:, 0] + ITEM_NUM).astype(jnp.int32)
    seqg, posg, userg = _gathers(g, pos_table, seq_flat, pos_flat, uidx)

    maskf = mask.astype(jnp.float32).reshape(SEQ_T, 1)
    femb = _attn(
        seqg, posg, maskf, userg,
        w1[:D], w1[D:], glu1_W, glu1_b.reshape(1, D), glu2_W,
        w2.reshape(1, D), w3, glu3_W, glu3_b.reshape(1, D), glu4_W,
        w4.reshape(1, D), sc_W[:D].reshape(1, D), sc_W[D:].reshape(1, D),
        jnp.broadcast_to(sc_b.reshape(1, 1), (1, D)),
    )

    return _scores(femb, v2e[1:])

# --- scband reference (transcript-rebuilt; emitter-appended) ---
"""Pipeline reference for scband-hg-gnn-34059090657513 (READ-ONLY COPY).

The authoritative reference and input builder live on the scoring server;
editing this copy changes nothing except your own understanding.
"""

import jax, jax.numpy as jnp
import numpy as np

N = 10000
E = 320000
D = 128
BS = 1024
L = 50
ITEM_NUM = 9000
POS = 200


def setup_inputs(seed: int = 0):
    key = jax.random.key(seed)
    ks = jax.random.split(key, 24)
    s = 1.0 / np.sqrt(D)

    def u(k, shape):
        return jax.random.uniform(k, shape, jnp.float32, -s, s)

    return {
        "user": jax.random.randint(ks[0], (BS, 1), 0, N - ITEM_NUM),
        "seq": jax.random.randint(ks[1], (BS, L), 0, ITEM_NUM),
        "mask": jax.random.randint(ks[2], (BS, L), 0, 2),
        "seq_len": jax.random.randint(ks[3], (BS,), 1, L),
        "pos_idx": jax.random.randint(ks[4], (BS, L), 0, POS),
        "edge_index": jax.random.randint(ks[5], (2, E), 0, N),
        "v2e": u(ks[6], (N, D)),
        "pos_table": u(ks[7], (POS, D)),
        "Wself": u(ks[8], (D, D)),
        "Wneigh": u(ks[9], (D, D)),
        "bneigh": u(ks[10], (D,)),
        "w1": u(ks[11], (2 * D, D)),
        "w2": u(ks[12], (D, 1)),
        "glu1_W": u(ks[13], (D, D)),
        "glu1_b": u(ks[14], (D,)),
        "glu2_W": u(ks[15], (D, D)),
        "w3": u(ks[16], (D, D)),
        "w4": u(ks[17], (D, 1)),
        "glu3_W": u(ks[18], (D, D)),
        "glu3_b": u(ks[19], (D,)),
        "glu4_W": u(ks[20], (D, D)),
        "sc_W": u(ks[21], (2 * D, 1)),
        "sc_b": u(ks[22], (1,)),
    }


def reference(user, seq, mask, seq_len, pos_idx, edge_index, v2e, pos_table, Wself, Wneigh, bneigh, w1, w2, glu1_W, glu1_b, glu2_W, w3, w4, glu3_W, glu3_b, glu4_W, sc_W, sc_b):
    # SAGEConv('mean'): h = relu(x @ Wself + mean_neigh(x) @ Wneigh + b)
    src = edge_index[0]
    dst = edge_index[1]
    agg = jax.ops.segment_sum(v2e[src], dst, num_segments=N)
    deg = jax.ops.segment_sum(jnp.ones((E,), jnp.float32), dst, num_segments=N)
    neigh = agg / jnp.maximum(deg, 1.0)[:, None]
    h1 = jax.nn.relu(v2e @ Wself + neigh @ Wneigh + bneigh)
    uidx = user + ITEM_NUM
    node_embeds = (h1[seq] + v2e[seq]) / 2.0          # [BS, L, D]
    user_embeds = (h1[uidx] + v2e[uidx]) / 2.0        # [BS, 1, D]
    seq_embeds = user_embeds[:, 0, :]                 # [BS, D]
    maskf = mask.astype(jnp.float32)[..., None]        # [BS, L, 1]
    # compute_hidden_vector
    pos_emb = pos_table[pos_idx]                       # [BS, L, D]
    tmp = jnp.sum(node_embeds * maskf, -2) / jnp.sum(maskf, 1)
    hs = jnp.broadcast_to(tmp[:, None, :], (BS, L, D))
    nh = jnp.tanh(jnp.concatenate([pos_emb, node_embeds], -1) @ w1)
    nh = jax.nn.sigmoid(nh @ glu1_W + glu1_b + hs @ glu2_W)
    beta = (nh @ w2) * maskf
    sess_vec = jnp.sum(beta * node_embeds, 1)
    # sess_user_vector
    hs2 = jnp.broadcast_to(user_embeds, (BS, L, D))
    nh2 = jnp.tanh(node_embeds @ w3)
    nh2 = jax.nn.sigmoid(nh2 @ glu3_W + glu3_b + hs2 @ glu4_W)
    beta2 = (nh2 @ w4) * maskf
    sess_user = jnp.sum(beta2 * node_embeds, 1)
    alpha = jax.nn.sigmoid(jnp.concatenate([sess_vec, sess_user], 1) @ sc_W + sc_b)
    seq_embeds = seq_embeds + alpha * sess_vec + (1.0 - alpha) * sess_user
    scores = seq_embeds @ v2e[1:].T                    # [BS, N-1]
    return scores

if __name__ == "__main__":
    import jax
    _d = setup_inputs()
    print(jax.jit(kernel)(*tuple(_d.values())))

</pallas_src>

<mosaic_0001>
#map = affine_map<(d0, d1) -> (0)>
#map1 = affine_map<(d0, d1) -> (0, 0)>
module attributes {stable_mosaic.version = 14 : i64} {
  func.func @_edge_agg_body(%arg0: i32, %arg1: i32, %arg2: memref<320000xi32, #tpu.memory_space<hbm>>, %arg3: memref<320000xi32, #tpu.memory_space<hbm>>, %arg4: memref<10000x128xf32, #tpu.memory_space<hbm>>, %arg5: memref<80x128xf32, #tpu.memory_space<hbm>>, %arg6: memref<20480x128xf32, #tpu.memory_space<hbm>>, %arg7: memref<327680xf32, #tpu.memory_space<hbm>>, %arg8: memref<80xi32, #tpu.memory_space<vmem>>, %arg9: memref<80xi32, #tpu.memory_space<vmem>>, %arg10: memref<80xi32, #tpu.memory_space<vmem>>, %arg11: memref<80xi32, #tpu.memory_space<vmem>>, %arg12: memref<80xi32, #tpu.memory_space<vmem>>, %arg13: memref<80xi32, #tpu.memory_space<vmem>>, %arg14: memref<80xi32, #tpu.memory_space<vmem>>, %arg15: memref<80xi32, #tpu.memory_space<vmem>>, %arg16: memref<80xi32, #tpu.memory_space<vmem>>, %arg17: memref<80x128xf32, #tpu.memory_space<vmem>>, %arg18: memref<80x128xf32, #tpu.memory_space<vmem>>, %arg19: memref<80x128xf32, #tpu.memory_space<vmem>>, %arg20: memref<10240xf32, #tpu.memory_space<vmem>>, %arg21: memref<!tpu.dma_semaphore, #tpu.memory_space<semaphore_mem>>, %arg22: memref<!tpu.dma_semaphore, #tpu.memory_space<semaphore_mem>>, %arg23: memref<!tpu.dma_semaphore, #tpu.memory_space<semaphore_mem>>, %arg24: memref<!tpu.dma_semaphore, #tpu.memory_space<semaphore_mem>>, %arg25: memref<!tpu.dma_semaphore, #tpu.memory_space<semaphore_mem>>, %arg26: memref<!tpu.dma_semaphore, #tpu.memory_space<semaphore_mem>>, %arg27: memref<!tpu.dma_semaphore, #tpu.memory_space<semaphore_mem>>, %arg28: memref<10240x128xf32, #tpu.memory_space<vmem_shared>>) attributes {dimension_semantics = [#tpu.dimension_semantics<core_parallel>, #tpu.dimension_semantics<subcore_parallel>], iteration_bounds = array<i64: 2, 16>, scalar_prefetch = 0 : i64, scratch_operands = 21 : i64, tpu.core_type = #tpu.core_type<sc_vector_subcore>, window_params = [{transform_indices = #map}, {transform_indices = #map}, {transform_indices = #map1}, {transform_indices = #map1}, {transform_indices = #map1}, {transform_indices = #map}]} {
    %mul3A = arith.constant 2 : i32
    %mul3A_0 = arith.muli %arg1, %mul3A : i32
    %add3A = arith.addi %mul3A_0, %arg0 : i32
    %mul3A_1 = arith.constant 640 : i32
    %mul3A_2 = arith.muli %arg1, %mul3A_1 : i32
    %mul3A_3 = arith.constant 10000 : i32
    %mul3A_4 = arith.muli %add3A, %mul3A_3 : i32
    %broadcast_in_dim3A = arith.constant 1.000000e+00 : f32
    %broadcast_in_dim3A_5 = vector.broadcast %broadcast_in_dim3A : f32 to vector<16xf32>
    %broadcast_in_dim3A_6 = arith.constant 0.000000e+00 : f32
    %broadcast_in_dim3A_7 = vector.broadcast %broadcast_in_dim3A_6 : f32 to vector<16xf32>
    "tpu.region"() ({
      %run_scoped3A = tpu.sem_alloc : memref<!tpu.dma_semaphore, #tpu.memory_space<semaphore_mem>>
      tpu.enqueue_dma source(%arg5 : memref<80x128xf32, #tpu.memory_space<hbm>>) target(%arg17 : memref<80x128xf32, #tpu.memory_space<vmem>>) target_semaphore(%run_scoped3A : memref<!tpu.dma_semaphore, #tpu.memory_space<semaphore_mem>>)
      tpu.wait_dma2 semaphore(%run_scoped3A : memref<!tpu.dma_semaphore, #tpu.memory_space<semaphore_mem>>) src(%arg5 : memref<80x128xf32, #tpu.memory_space<hbm>>) dst(%arg17 : memref<80x128xf32, #tpu.memory_space<vmem>>)
      tpu.yield
    }) : () -> ()
    %scan3A = arith.constant 0 : i32
    %scan3A_8 = arith.constant 0 : i32
    %scan3A_9 = arith.constant 8 : i32
    %scan3A_10 = arith.addi %scan3A_8, %scan3A_9 : i32
    %scan3A_11 = arith.constant 1 : i32
    scf.for %scan3A_253 = %scan3A_8 to %scan3A_10 step %scan3A_11  : i32 {
      %mul3A_254 = arith.constant 80 : i32
      %mul3A_255 = arith.muli %scan3A_253, %mul3A_254 : i32
      %add3A_256 = arith.addi %mul3A_2, %mul3A_255 : i32
      "tpu.region"() ({
        %run_scoped3A = tpu.sem_alloc : memref<!tpu.dma_semaphore, #tpu.memory_space<semaphore_mem>>
        %dma_start3A_257 = arith.constant 0 : i32
        %dma_start3A_258 = tpu.memref_slice %arg28[%add3A_256, %dma_start3A_257] : memref<10240x128xf32, #tpu.memory_space<vmem_shared>> -> memref<80x128xf32, #tpu.memory_space<vmem_shared>>
        %dma_start3A_259 = arith.constant 0 : i32
        %dma_start3A_260 = tpu.memref_slice %arg28[%add3A_256, %dma_start3A_259] : memref<10240x128xf32, #tpu.memory_space<vmem_shared>> -> memref<80x128xf32, #tpu.memory_space<vmem_shared>>
        tpu.enqueue_dma source(%arg17 : memref<80x128xf32, #tpu.memory_space<vmem>>) target(%dma_start3A_260 : memref<80x128xf32, #tpu.memory_space<vmem_shared>>) target_semaphore(%run_scoped3A : memref<!tpu.dma_semaphore, #tpu.memory_space<semaphore_mem>>)
        %dma_wait3A_261 = arith.constant 0 : i32
        %dma_wait3A_262 = tpu.memref_slice %arg28[%add3A_256, %dma_wait3A_261] : memref<10240x128xf32, #tpu.memory_space<vmem_shared>> -> memref<80x128xf32, #tpu.memory_space<vmem_shared>>
        %dma_wait3A_263 = arith.constant 0 : i32
        %dma_wait3A_264 = tpu.memref_slice %arg28[%add3A_256, %dma_wait3A_263] : memref<10240x128xf32, #tpu.memory_space<vmem_shared>> -> memref<80x128xf32, #tpu.memory_space<vmem_shared>>
        tpu.wait_dma2 semaphore(%run_scoped3A : memref<!tpu.dma_semaphore, #tpu.memory_space<semaphore_mem>>) src(%arg17 : memref<80x128xf32, #tpu.memory_space<vmem>>) dst(%dma_wait3A_264 : memref<80x128xf32, #tpu.memory_space<vmem_shared>>)
        tpu.yield
      }) : () -> ()
    }
    %scan3A_12 = arith.constant 8 : i32
    %scan3A_13 = arith.constant 0 : i32
    %scan3A_14 = arith.constant 0 : i32
    %scan3A_15 = arith.constant 640 : i32
    %scan3A_16 = arith.addi %scan3A_14, %scan3A_15 : i32
    %scan3A_17 = arith.constant 1 : i32
    scf.for %scan3A_253 = %scan3A_14 to %scan3A_16 step %scan3A_17  : i32 {
      %mul3A_254 = arith.constant 16 : i32
      %mul3A_255 = arith.muli %scan3A_253, %mul3A_254 : i32
      %swap3A_256 = arith.index_cast %mul3A_255 : i32 to index
      %swap3A_257 = tpu.vector_load %arg20[%swap3A_256] {strides = array<i32>} : memref<10240xf32, #tpu.memory_space<vmem>>, vector<16xf32>,
      tpu.vector_store %arg20[%swap3A_256], %broadcast_in_dim3A_7 {strides = array<i32>} : memref<10240xf32, #tpu.memory_space<vmem>>, vector<16xf32>,
    }
    %scan3A_18 = arith.constant 640 : i32
    %barrier3A = arith.constant 0 : index
    tpu.barrier barrier_id(%barrier3A)
    %add3A_19 = arith.constant 0 : i32
    %add3A_20 = arith.addi %mul3A_4, %add3A_19 : i32
    %dma_start3A = tpu.memref_slice %arg2[%add3A_20] : memref<320000xi32, #tpu.memory_space<hbm>> -> memref<80xi32, #tpu.memory_space<hbm>>
    %dma_start3A_21 = tpu.memref_slice %arg2[%add3A_20] : memref<320000xi32, #tpu.memory_space<hbm>> -> memref<80xi32, #tpu.memory_space<hbm>>
    tpu.enqueue_dma source(%dma_start3A_21 : memref<80xi32, #tpu.memory_space<hbm>>) target(%arg8 : memref<80xi32, #tpu.memory_space<vmem>>) target_semaphore(%arg21 : memref<!tpu.dma_semaphore, #tpu.memory_space<semaphore_mem>>)
    %dma_start3A_22 = tpu.memref_slice %arg3[%add3A_20] : memref<320000xi32, #tpu.memory_space<hbm>> -> memref<80xi32, #tpu.memory_space<hbm>>
    %dma_start3A_23 = tpu.memref_slice %arg3[%add3A_20] : memref<320000xi32, #tpu.memory_space<hbm>> -> memref<80xi32, #tpu.memory_space<hbm>>
    tpu.enqueue_dma source(%dma_start3A_23 : memref<80xi32, #tpu.memory_space<hbm>>) target(%arg11 : memref<80xi32, #tpu.memory_space<vmem>>) target_semaphore(%arg21 : memref<!tpu.dma_semaphore, #tpu.memory_space<semaphore_mem>>)
    %add3A_24 = arith.constant 80 : i32
    %add3A_25 = arith.addi %mul3A_4, %add3A_24 : i32
    %dma_start3A_26 = tpu.memref_slice %arg2[%add3A_25] : memref<320000xi32, #tpu.memory_space<hbm>> -> memref<80xi32, #tpu.memory_space<hbm>>
    %dma_start3A_27 = tpu.memref_slice %arg2[%add3A_25] : memref<320000xi32, #tpu.memory_space<hbm>> -> memref<80xi32, #tpu.memory_space<hbm>>
    tpu.enqueue_dma source(%dma_start3A_27 : memref<80xi32, #tpu.memory_space<hbm>>) target(%arg9 : memref<80xi32, #tpu.memory_space<vmem>>) target_semaphore(%arg22 : memref<!tpu.dma_semaphore, #tpu.memory_space<semaphore_mem>>)
    %dma_start3A_28 = tpu.memref_slice %arg3[%add3A_25] : memref<320000xi32, #tpu.memory_space<hbm>> -> memref<80xi32, #tpu.memory_space<hbm>>
    %dma_start3A_29 = tpu.memref_slice %arg3[%add3A_25] : memref<320000xi32, #tpu.memory_space<hbm>> -> memref<80xi32, #tpu.memory_space<hbm>>
    tpu.enqueue_dma source(%dma_start3A_29 : memref<80xi32, #tpu.memory_space<hbm>>) target(%arg12 : memref<80xi32, #tpu.memory_space<vmem>>) target_semaphore(%arg22 : memref<!tpu.dma_semaphore, #tpu.memory_space<semaphore_mem>>)
    %add3A_30 = arith.constant 0 : i32
    %add3A_31 = arith.addi %mul3A_4, %add3A_30 : i32
    %dma_wait3A = tpu.memref_slice %arg2[%add3A_31] : memref<320000xi32, #tpu.memory_space<hbm>> -> memref<80xi32, #tpu.memory_space<hbm>>
    %dma_wait3A_32 = tpu.memref_slice %arg2[%add3A_31] : memref<320000xi32, #tpu.memory_space<hbm>> -> memref<80xi32, #tpu.memory_space<hbm>>
    tpu.wait_dma2 semaphore(%arg21 : memref<!tpu.dma_semaphore, #tpu.memory_space<semaphore_mem>>) src(%dma_wait3A_32 : memref<80xi32, #tpu.memory_space<hbm>>) dst(%arg8 : memref<80xi32, #tpu.memory_space<vmem>>)
    %dma_wait3A_33 = tpu.memref_slice %arg3[%add3A_31] : memref<320000xi32, #tpu.memory_space<hbm>> -> memref<80xi32, #tpu.memory_space<hbm>>
    %dma_wait3A_34 = tpu.memref_slice %arg3[%add3A_31] : memref<320000xi32, #tpu.memory_space<hbm>> -> memref<80xi32, #tpu.memory_space<hbm>>
    tpu.wait_dma2 semaphore(%arg21 : memref<!tpu.dma_semaphore, #tpu.memory_space<semaphore_mem>>) src(%dma_wait3A_34 : memref<80xi32, #tpu.memory_space<hbm>>) dst(%arg11 : memref<80xi32, #tpu.memory_space<vmem>>)
    %dma_start3A_35 = arith.constant 0 : i32
    %dma_start3A_36 = arith.constant 0 : i32
    %dma_start3A_37 = tpu.memref_slice %arg4[%dma_start3A_35, %dma_start3A_36] : memref<10000x128xf32, #tpu.memory_space<hbm>> -> memref<10000x128xf32, #tpu.memory_space<hbm>>
    tpu.enqueue_indirect_dma source(%dma_start3A_37 : memref<10000x128xf32, #tpu.memory_space<hbm>>) target(%arg17 : memref<80x128xf32, #tpu.memory_space<vmem>>) offsets(%arg8 : memref<80xi32, #tpu.memory_space<vmem>>) semaphore(%arg24 : memref<!tpu.dma_semaphore, #tpu.memory_space<semaphore_mem>>)
    %add3A_38 = arith.constant 160 : i32
    %add3A_39 = arith.addi %mul3A_4, %add3A_38 : i32
    %dma_start3A_40 = tpu.memref_slice %arg2[%add3A_39] : memref<320000xi32, #tpu.memory_space<hbm>> -> memref<80xi32, #tpu.memory_space<hbm>>
    %dma_start3A_41 = tpu.memref_slice %arg2[%add3A_39] : memref<320000xi32, #tpu.memory_space<hbm>> -> memref<80xi32, #tpu.memory_space<hbm>>
    tpu.enqueue_dma source(%dma_start3A_41 : memref<80xi32, #tpu.memory_space<hbm>>) target(%arg10 : memref<80xi32, #tpu.memory_space<vmem>>) target_semaphore(%arg23 : memref<!tpu.dma_semaphore, #tpu.memory_space<semaphore_mem>>)
    %dma_start3A_42 = tpu.memref_slice %arg3[%add3A_39] : memref<320000xi32, #tpu.memory_space<hbm>> -> memref<80xi32, #tpu.memory_space<hbm>>
    %dma_start3A_43 = tpu.memref_slice %arg3[%add3A_39] : memref<320000xi32, #tpu.memory_space<hbm>> -> memref<80xi32, #tpu.memory_space<hbm>>
    tpu.enqueue_dma source(%dma_start3A_43 : memref<80xi32, #tpu.memory_space<hbm>>) target(%arg13 : memref<80xi32, #tpu.memory_space<vmem>>) target_semaphore(%arg23 : memref<!tpu.dma_semaphore, #tpu.memory_space<semaphore_mem>>)
    %add3A_44 = arith.constant 80 : i32
    %add3A_45 = arith.addi %mul3A_4, %add3A_44 : i32
    %dma_wait3A_46 = tpu.memref_slice %arg2[%add3A_45] : memref<320000xi32, #tpu.memory_space<hbm>> -> memref<80xi32, #tpu.memory_space<hbm>>
    %dma_wait3A_47 = tpu.memref_slice %arg2[%add3A_45] : memref<320000xi32, #tpu.memory_space<hbm>> -> memref<80xi32, #tpu.memory_space<hbm>>
    tpu.wait_dma2 semaphore(%arg22 : memref<!tpu.dma_semaphore, #tpu.memory_space<semaphore_mem>>) src(%dma_wait3A_47 : memref<80xi32, #tpu.memory_space<hbm>>) dst(%arg9 : memref<80xi32, #tpu.memory_space<vmem>>)
    %dma_wait3A_48 = tpu.memref_slice %arg3[%add3A_45] : memref<320000xi32, #tpu.memory_space<hbm>> -> memref<80xi32, #tpu.memory_space<hbm>>
    %dma_wait3A_49 = tpu.memref_slice %arg3[%add3A_45] : memref<320000xi32, #tpu.memory_space<hbm>> -> memref<80xi32, #tpu.memory_space<hbm>>
    tpu.wait_dma2 semaphore(%arg22 : memref<!tpu.dma_semaphore, #tpu.memory_space<semaphore_mem>>) src(%dma_wait3A_49 : memref<80xi32, #tpu.memory_space<hbm>>) dst(%arg12 : memref<80xi32, #tpu.memory_space<vmem>>)
    %dma_start3A_50 = arith.constant 0 : i32
    %dma_start3A_51 = arith.constant 0 : i32
    %dma_start3A_52 = tpu.memref_slice %arg4[%dma_start3A_50, %dma_start3A_51] : memref<10000x128xf32, #tpu.memory_space<hbm>> -> memref<10000x128xf32, #tpu.memory_space<hbm>>
    tpu.enqueue_indirect_dma source(%dma_start3A_52 : memref<10000x128xf32, #tpu.memory_space<hbm>>) target(%arg18 : memref<80x128xf32, #tpu.memory_space<vmem>>) offsets(%arg9 : memref<80xi32, #tpu.memory_space<vmem>>) semaphore(%arg25 : memref<!tpu.dma_semaphore, #tpu.memory_space<semaphore_mem>>)
    %dma_wait3A_53 = arith.constant 0 : i32
    %dma_wait3A_54 = arith.constant 0 : i32
    %dma_wait3A_55 = tpu.memref_slice %arg4[%dma_wait3A_53, %dma_wait3A_54] : memref<10000x128xf32, #tpu.memory_space<hbm>> -> memref<10000x128xf32, #tpu.memory_space<hbm>>
    tpu.wait_indirect_dma semaphore(%arg24 : memref<!tpu.dma_semaphore, #tpu.memory_space<semaphore_mem>>) src(%dma_wait3A_55 : memref<10000x128xf32, #tpu.memory_space<hbm>>) dst(%arg17 : memref<80x128xf32, #tpu.memory_space<vmem>>)
    %get3A = arith.constant 0 : index
    %get3A_56 = tpu.vector_load %arg11[%get3A] {strides = array<i32>} : memref<80xi32, #tpu.memory_space<vmem>>, vector<16xi32>,
    %swap3A = arith.constant 0 : index
    %swap3A_57 = tpu.vector_load %arg14[%swap3A] {strides = array<i32>} : memref<80xi32, #tpu.memory_space<vmem>>, vector<16xi32>,
    tpu.vector_store %arg14[%swap3A], %get3A_56 {strides = array<i32>} : memref<80xi32, #tpu.memory_space<vmem>>, vector<16xi32>,
    tpu.vector_store_idx %arg20[%get3A_56], %broadcast_in_dim3A_5 {add = true} : memref<10240xf32, #tpu.memory_space<vmem>>[vector<16xi32>], vector<16xf32>,
    %get3A_58 = arith.constant 16 : index
    %get3A_59 = tpu.vector_load %arg11[%get3A_58] {strides = array<i32>} : memref<80xi32, #tpu.memory_space<vmem>>, vector<16xi32>,
    %swap3A_60 = arith.constant 16 : index
    %swap3A_61 = tpu.vector_load %arg14[%swap3A_60] {strides = array<i32>} : memref<80xi32, #tpu.memory_space<vmem>>, vector<16xi32>,
    tpu.vector_store %arg14[%swap3A_60], %get3A_59 {strides = array<i32>} : memref<80xi32, #tpu.memory_space<vmem>>, vector<16xi32>,
    tpu.vector_store_idx %arg20[%get3A_59], %broadcast_in_dim3A_5 {add = true} : memref<10240xf32, #tpu.memory_space<vmem>>[vector<16xi32>], vector<16xf32>,
    %get3A_62 = arith.constant 32 : index
    %get3A_63 = tpu.vector_load %arg11[%get3A_62] {strides = array<i32>} : memref<80xi32, #tpu.memory_space<vmem>>, vector<16xi32>,
    %swap3A_64 = arith.constant 32 : index
    %swap3A_65 = tpu.vector_load %arg14[%swap3A_64] {strides = array<i32>} : memref<80xi32, #tpu.memory_space<vmem>>, vector<16xi32>,
    tpu.vector_store %arg14[%swap3A_64], %get3A_63 {strides = array<i32>} : memref<80xi32, #tpu.memory_space<vmem>>, vector<16xi32>,
    tpu.vector_store_idx %arg20[%get3A_63], %broadcast_in_dim3A_5 {add = true} : memref<10240xf32, #tpu.memory_space<vmem>>[vector<16xi32>], vector<16xf32>,
    %get3A_66 = arith.constant 48 : index
    %get3A_67 = tpu.vector_load %arg11[%get3A_66] {strides = array<i32>} : memref<80xi32, #tpu.memory_space<vmem>>, vector<16xi32>,
    %swap3A_68 = arith.constant 48 : index
    %swap3A_69 = tpu.vector_load %arg14[%swap3A_68] {strides = array<i32>} : memref<80xi32, #tpu.memory_space<vmem>>, vector<16xi32>,
    tpu.vector_store %arg14[%swap3A_68], %get3A_67 {strides = array<i32>} : memref<80xi32, #tpu.memory_space<vmem>>, vector<16xi32>,
    tpu.vector_store_idx %arg20[%get3A_67], %broadcast_in_dim3A_5 {add = true} : memref<10240xf32, #tpu.memory_space<vmem>>[vector<16xi32>], vector<16xf32>,
    %get3A_70 = arith.constant 64 : index
    %get3A_71 = tpu.vector_load %arg11[%get3A_70] {strides = array<i32>} : memref<80xi32, #tpu.memory_space<vmem>>, vector<16xi32>,
    %swap3A_72 = arith.constant 64 : index
    %swap3A_73 = tpu.vector_load %arg14[%swap3A_72] {strides = array<i32>} : memref<80xi32, #tpu.memory_space<vmem>>, vector<16xi32>,
    tpu.vector_store %arg14[%swap3A_72], %get3A_71 {strides = array<i32>} : memref<80xi32, #tpu.memory_space<vmem>>, vector<16xi32>,
    tpu.vector_store_idx %arg20[%get3A_71], %broadcast_in_dim3A_5 {add = true} : memref<10240xf32, #tpu.memory_space<vmem>>[vector<16xi32>], vector<16xf32>,
    %dma_start3A_74 = arith.constant 0 : i32
    %dma_start3A_75 = arith.constant 0 : i32
    %dma_start3A_76 = tpu.memref_slice %arg28[%dma_start3A_74, %dma_start3A_75] : memref<10240x128xf32, #tpu.memory_space<vmem_shared>> -> memref<10240x128xf32, #tpu.memory_space<vmem_shared>>
    tpu.enqueue_indirect_dma source(%arg17 : memref<80x128xf32, #tpu.memory_space<vmem>>) target(%dma_start3A_76 : memref<10240x128xf32, #tpu.memory_space<vmem_shared>>) offsets(%arg14 : memref<80xi32, #tpu.memory_space<vmem>>) semaphore(%arg27 : memref<!tpu.dma_semaphore, #tpu.memory_space<semaphore_mem>>) {add = true}
    %add3A_77 = arith.constant 240 : i32
    %add3A_78 = arith.addi %mul3A_4, %add3A_77 : i32
    %dma_start3A_79 = tpu.memref_slice %arg2[%add3A_78] : memref<320000xi32, #tpu.memory_space<hbm>> -> memref<80xi32, #tpu.memory_space<hbm>>
    %dma_start3A_80 = tpu.memref_slice %arg2[%add3A_78] : memref<320000xi32, #tpu.memory_space<hbm>> -> memref<80xi32, #tpu.memory_space<hbm>>
    tpu.enqueue_dma source(%dma_start3A_80 : memref<80xi32, #tpu.memory_space<hbm>>) target(%arg8 : memref<80xi32, #tpu.memory_space<vmem>>) target_semaphore(%arg21 : memref<!tpu.dma_semaphore, #tpu.memory_space<semaphore_mem>>)
    %dma_start3A_81 = tpu.memref_slice %arg3[%add3A_78] : memref<320000xi32, #tpu.memory_space<hbm>> -> memref<80xi32, #tpu.memory_space<hbm>>
    %dma_start3A_82 = tpu.memref_slice %arg3[%add3A_78] : memref<320000xi32, #tpu.memory_space<hbm>> -> memref<80xi32, #tpu.memory_space<hbm>>
    tpu.enqueue_dma source(%dma_start3A_82 : memref<80xi32, #tpu.memory_space<hbm>>) target(%arg11 : memref<80xi32, #tpu.memory_space<vmem>>) target_semaphore(%arg21 : memref<!tpu.dma_semaphore, #tpu.memory_space<semaphore_mem>>)
    %add3A_83 = arith.constant 160 : i32
    %add3A_84 = arith.addi %mul3A_4, %add3A_83 : i32
    %dma_wait3A_85 = tpu.memref_slice %arg2[%add3A_84] : memref<320000xi32, #tpu.memory_space<hbm>> -> memref<80xi32, #tpu.memory_space<hbm>>
    %dma_wait3A_86 = tpu.memref_slice %arg2[%add3A_84] : memref<320000xi32, #tpu.memory_space<hbm>> -> memref<80xi32, #tpu.memory_space<hbm>>
    tpu.wait_dma2 semaphore(%arg23 : memref<!tpu.dma_semaphore, #tpu.memory_space<semaphore_mem>>) src(%dma_wait3A_86 : memref<80xi32, #tpu.memory_space<hbm>>) dst(%arg10 : memref<80xi32, #tpu.memory_space<vmem>>)
    %dma_wait3A_87 = tpu.memref_slice %arg3[%add3A_84] : memref<320000xi32, #tpu.memory_space<hbm>> -> memref<80xi32, #tpu.memory_space<hbm>>
    %dma_wait3A_88 = tpu.memref_slice %arg3[%add3A_84] : memref<320000xi32, #tpu.memory_space<hbm>> -> memref<80xi32, #tpu.memory_space<hbm>>
    tpu.wait_dma2 semaphore(%arg23 : memref<!tpu.dma_semaphore, #tpu.memory_space<semaphore_mem>>) src(%dma_wait3A_88 : memref<80xi32, #tpu.memory_space<hbm>>) dst(%arg13 : memref<80xi32, #tpu.memory_space<vmem>>)
    %dma_start3A_89 = arith.constant 0 : i32
    %dma_start3A_90 = arith.constant 0 : i32
    %dma_start3A_91 = tpu.memref_slice %arg4[%dma_start3A_89, %dma_start3A_90] : memref<10000x128xf32, #tpu.memory_space<hbm>> -> memref<10000x128xf32, #tpu.memory_space<hbm>>
    tpu.enqueue_indirect_dma source(%dma_start3A_91 : memref<10000x128xf32, #tpu.memory_space<hbm>>) target(%arg19 : memref<80x128xf32, #tpu.memory_space<vmem>>) offsets(%arg10 : memref<80xi32, #tpu.memory_space<vmem>>) semaphore(%arg26 : memref<!tpu.dma_semaphore, #tpu.memory_space<semaphore_mem>>)
    %dma_wait3A_92 = arith.constant 0 : i32
    %dma_wait3A_93 = arith.constant 0 : i32
    %dma_wait3A_94 = tpu.memref_slice %arg4[%dma_wait3A_92, %dma_wait3A_93] : memref<10000x128xf32, #tpu.memory_space<hbm>> -> memref<10000x128xf32, #tpu.memory_space<hbm>>
    tpu.wait_indirect_dma semaphore(%arg25 : memref<!tpu.dma_semaphore, #tpu.memory_space<semaphore_mem>>) src(%dma_wait3A_94 : memref<10000x128xf32, #tpu.memory_space<hbm>>) dst(%arg18 : memref<80x128xf32, #tpu.memory_space<vmem>>)
    %get3A_95 = arith.constant 0 : index
    %get3A_96 = tpu.vector_load %arg12[%get3A_95] {strides = array<i32>} : memref<80xi32, #tpu.memory_space<vmem>>, vector<16xi32>,
    %swap3A_97 = arith.constant 0 : index
    %swap3A_98 = tpu.vector_load %arg15[%swap3A_97] {strides = array<i32>} : memref<80xi32, #tpu.memory_space<vmem>>, vector<16xi32>,
    tpu.vector_store %arg15[%swap3A_97], %get3A_96 {strides = array<i32>} : memref<80xi32, #tpu.memory_space<vmem>>, vector<16xi32>,
    tpu.vector_store_idx %arg20[%get3A_96], %broadcast_in_dim3A_5 {add = true} : memref<10240xf32, #tpu.memory_space<vmem>>[vector<16xi32>], vector<16xf32>,
    %get3A_99 = arith.constant 16 : index
    %get3A_100 = tpu.vector_load %arg12[%get3A_99] {strides = array<i32>} : memref<80xi32, #tpu.memory_space<vmem>>, vector<16xi32>,
    %swap3A_101 = arith.constant 16 : index
    %swap3A_102 = tpu.vector_load %arg15[%swap3A_101] {strides = array<i32>} : memref<80xi32, #tpu.memory_space<vmem>>, vector<16xi32>,
    tpu.vector_store %arg15[%swap3A_101], %get3A_100 {strides = array<i32>} : memref<80xi32, #tpu.memory_space<vmem>>, vector<16xi32>,
    tpu.vector_store_idx %arg20[%get3A_100], %broadcast_in_dim3A_5 {add = true} : memref<10240xf32, #tpu.memory_space<vmem>>[vector<16xi32>], vector<16xf32>,
    %get3A_103 = arith.constant 32 : index
    %get3A_104 = tpu.vector_load %arg12[%get3A_103] {strides = array<i32>} : memref<80xi32, #tpu.memory_space<vmem>>, vector<16xi32>,
    %swap3A_105 = arith.constant 32 : index
    %swap3A_106 = tpu.vector_load %arg15[%swap3A_105] {strides = array<i32>} : memref<80xi32, #tpu.memory_space<vmem>>, vector<16xi32>,
    tpu.vector_store %arg15[%swap3A_105], %get3A_104 {strides = array<i32>} : memref<80xi32, #tpu.memory_space<vmem>>, vector<16xi32>,
    tpu.vector_store_idx %arg20[%get3A_104], %broadcast_in_dim3A_5 {add = true} : memref<10240xf32, #tpu.memory_space<vmem>>[vector<16xi32>], vector<16xf32>,
    %get3A_107 = arith.constant 48 : index
    %get3A_108 = tpu.vector_load %arg12[%get3A_107] {strides = array<i32>} : memref<80xi32, #tpu.memory_space<vmem>>, vector<16xi32>,
    %swap3A_109 = arith.constant 48 : index
    %swap3A_110 = tpu.vector_load %arg15[%swap3A_109] {strides = array<i32>} : memref<80xi32, #tpu.memory_space<vmem>>, vector<16xi32>,
    tpu.vector_store %arg15[%swap3A_109], %get3A_108 {strides = array<i32>} : memref<80xi32, #tpu.memory_space<vmem>>, vector<16xi32>,
    tpu.vector_store_idx %arg20[%get3A_108], %broadcast_in_dim3A_5 {add = true} : memref<10240xf32, #tpu.memory_space<vmem>>[vector<16xi32>], vector<16xf32>,
    %get3A_111 = arith.constant 64 : index
    %get3A_112 = tpu.vector_load %arg12[%get3A_111] {strides = array<i32>} : memref<80xi32, #tpu.memory_space<vmem>>, vector<16xi32>,
    %swap3A_113 = arith.constant 64 : index
    %swap3A_114 = tpu.vector_load %arg15[%swap3A_113] {strides = array<i32>} : memref<80xi32, #tpu.memory_space<vmem>>, vector<16xi32>,
    tpu.vector_store %arg15[%swap3A_113], %get3A_112 {strides = array<i32>} : memref<80xi32, #tpu.memory_space<vmem>>, vector<16xi32>,
    tpu.vector_store_idx %arg20[%get3A_112], %broadcast_in_dim3A_5 {add = true} : memref<10240xf32, #tpu.memory_space<vmem>>[vector<16xi32>], vector<16xf32>,
    %dma_start3A_115 = arith.constant 0 : i32
    %dma_start3A_116 = arith.constant 0 : i32
    %dma_start3A_117 = tpu.memref_slice %arg28[%dma_start3A_115, %dma_start3A_116] : memref<10240x128xf32, #tpu.memory_space<vmem_shared>> -> memref<10240x128xf32, #tpu.memory_space<vmem_shared>>
    tpu.enqueue_indirect_dma source(%arg18 : memref<80x128xf32, #tpu.memory_space<vmem>>) target(%dma_start3A_117 : memref<10240x128xf32, #tpu.memory_space<vmem_shared>>) offsets(%arg15 : memref<80xi32, #tpu.memory_space<vmem>>) semaphore(%arg27 : memref<!tpu.dma_semaphore, #tpu.memory_space<semaphore_mem>>) {add = true}
    %scan3A_118 = arith.constant 0 : i32
    %scan3A_119 = arith.constant 0 : i32
    %scan3A_120 = arith.constant 40 : i32
    %scan3A_121 = arith.addi %scan3A_119, %scan3A_120 : i32
    %scan3A_122 = arith.constant 1 : i32
    scf.for %scan3A_253 = %scan3A_119 to %scan3A_121 step %scan3A_122  : i32 {
      %mul3A_254 = arith.constant 3 : i32
      %mul3A_255 = arith.muli %mul3A_254, %scan3A_253 : i32
      %add3A_256 = arith.constant 2 : i32
      %add3A_257 = arith.addi %mul3A_255, %add3A_256 : i32
      %dma_wait3A_258 = arith.constant 0 : i32
      %dma_wait3A_259 = arith.constant 0 : i32
      %dma_wait3A_260 = tpu.memref_slice %arg28[%dma_wait3A_258, %dma_wait3A_259] : memref<10240x128xf32, #tpu.memory_space<vmem_shared>> -> memref<10240x128xf32, #tpu.memory_space<vmem_shared>>
      tpu.wait_indirect_dma semaphore(%arg27 : memref<!tpu.dma_semaphore, #tpu.memory_space<semaphore_mem>>) src(%arg17 : memref<80x128xf32, #tpu.memory_space<vmem>>) dst(%dma_wait3A_260 : memref<10240x128xf32, #tpu.memory_space<vmem_shared>>)
      %add3A_261 = arith.constant 2 : i32
      %add3A_262 = arith.addi %add3A_257, %add3A_261 : i32
      %mul3A_263 = arith.constant 80 : i32
      %mul3A_264 = arith.muli %add3A_262, %mul3A_263 : i32
      %add3A_265 = arith.addi %mul3A_4, %mul3A_264 : i32
      %dma_start3A_266 = tpu.memref_slice %arg2[%add3A_265] : memref<320000xi32, #tpu.memory_space<hbm>> -> memref<80xi32, #tpu.memory_space<hbm>>
      %dma_start3A_267 = tpu.memref_slice %arg2[%add3A_265] : memref<320000xi32, #tpu.memory_space<hbm>> -> memref<80xi32, #tpu.memory_space<hbm>>
      tpu.enqueue_dma source(%dma_start3A_267 : memref<80xi32, #tpu.memory_space<hbm>>) target(%arg9 : memref<80xi32, #tpu.memory_space<vmem>>) target_semaphore(%arg22 : memref<!tpu.dma_semaphore, #tpu.memory_space<semaphore_mem>>)
      %dma_start3A_268 = tpu.memref_slice %arg3[%add3A_265] : memref<320000xi32, #tpu.memory_space<hbm>> -> memref<80xi32, #tpu.memory_space<hbm>>
      %dma_start3A_269 = tpu.memref_slice %arg3[%add3A_265] : memref<320000xi32, #tpu.memory_space<hbm>> -> memref<80xi32, #tpu.memory_space<hbm>>
      tpu.enqueue_dma source(%dma_start3A_269 : memref<80xi32, #tpu.memory_space<hbm>>) target(%arg12 : memref<80xi32, #tpu.memory_space<vmem>>) target_semaphore(%arg22 : memref<!tpu.dma_semaphore, #tpu.memory_space<semaphore_mem>>)
      %add3A_270 = arith.constant 1 : i32
      %add3A_271 = arith.addi %add3A_257, %add3A_270 : i32
      %mul3A_272 = arith.constant 80 : i32
      %mul3A_273 = arith.muli %add3A_271, %mul3A_272 : i32
      %add3A_274 = arith.addi %mul3A_4, %mul3A_273 : i32
      %dma_wait3A_275 = tpu.memref_slice %arg2[%add3A_274] : memref<320000xi32, #tpu.memory_space<hbm>> -> memref<80xi32, #tpu.memory_space<hbm>>
      %dma_wait3A_276 = tpu.memref_slice %arg2[%add3A_274] : memref<320000xi32, #tpu.memory_space<hbm>> -> memref<80xi32, #tpu.memory_space<hbm>>
      tpu.wait_dma2 semaphore(%arg21 : memref<!tpu.dma_semaphore, #tpu.memory_space<semaphore_mem>>) src(%dma_wait3A_276 : memref<80xi32, #tpu.memory_space<hbm>>) dst(%arg8 : memref<80xi32, #tpu.memory_space<vmem>>)
      %dma_wait3A_277 = tpu.memref_slice %arg3[%add3A_274] : memref<320000xi32, #tpu.memory_space<hbm>> -> memref<80xi32, #tpu.memory_space<hbm>>
      %dma_wait3A_278 = tpu.memref_slice %arg3[%add3A_274] : memref<320000xi32, #tpu.memory_space<hbm>> -> memref<80xi32, #tpu.memory_space<hbm>>
      tpu.wait_dma2 semaphore(%arg21 : memref<!tpu.dma_semaphore, #tpu.memory_space<semaphore_mem>>) src(%dma_wait3A_278 : memref<80xi32, #tpu.memory_space<hbm>>) dst(%arg11 : memref<80xi32, #tpu.memory_space<vmem>>)
      %dma_start3A_279 = arith.constant 0 : i32
      %dma_start3A_280 = arith.constant 0 : i32
      %dma_start3A_281 = tpu.memref_slice %arg4[%dma_start3A_279, %dma_start3A_280] : memref<10000x128xf32, #tpu.memory_space<hbm>> -> memref<10000x128xf32, #tpu.memory_space<hbm>>
      tpu.enqueue_indirect_dma source(%dma_start3A_281 : memref<10000x128xf32, #tpu.memory_space<hbm>>) target(%arg17 : memref<80x128xf32, #tpu.memory_space<vmem>>) offsets(%arg8 : memref<80xi32, #tpu.memory_space<vmem>>) semaphore(%arg24 : memref<!tpu.dma_semaphore, #tpu.memory_space<semaphore_mem>>)
      %dma_wait3A_282 = arith.constant 0 : i32
      %dma_wait3A_283 = arith.constant 0 : i32
      %dma_wait3A_284 = tpu.memref_slice %arg4[%dma_wait3A_282, %dma_wait3A_283] : memref<10000x128xf32, #tpu.memory_space<hbm>> -> memref<10000x128xf32, #tpu.memory_space<hbm>>
      tpu.wait_indirect_dma semaphore(%arg26 : memref<!tpu.dma_semaphore, #tpu.memory_space<semaphore_mem>>) src(%dma_wait3A_284 : memref<10000x128xf32, #tpu.memory_space<hbm>>) dst(%arg19 : memref<80x128xf32, #tpu.memory_space<vmem>>)
      %get3A_285 = arith.constant 0 : index
      %get3A_286 = tpu.vector_load %arg13[%get3A_285] {strides = array<i32>} : memref<80xi32, #tpu.memory_space<vmem>>, vector<16xi32>,
      %swap3A_287 = arith.constant 0 : index
      %swap3A_288 = tpu.vector_load %arg16[%swap3A_287] {strides = array<i32>} : memref<80xi32, #tpu.memory_space<vmem>>, vector<16xi32>,
      tpu.vector_store %arg16[%swap3A_287], %get3A_286 {strides = array<i32>} : memref<80xi32, #tpu.memory_space<vmem>>, vector<16xi32>,
      tpu.vector_store_idx %arg20[%get3A_286], %broadcast_in_dim3A_5 {add = true} : memref<10240xf32, #tpu.memory_space<vmem>>[vector<16xi32>], vector<16xf32>,
      %get3A_289 = arith.constant 16 : index
      %get3A_290 = tpu.vector_load %arg13[%get3A_289] {strides = array<i32>} : memref<80xi32, #tpu.memory_space<vmem>>, vector<16xi32>,
      %swap3A_291 = arith.constant 16 : index
      %swap3A_292 = tpu.vector_load %arg16[%swap3A_291] {strides = array<i32>} : memref<80xi32, #tpu.memory_space<vmem>>, vector<16xi32>,
      tpu.vector_store %arg16[%swap3A_291], %get3A_290 {strides = array<i32>} : memref<80xi32, #tpu.memory_space<vmem>>, vector<16xi32>,
      tpu.vector_store_idx %arg20[%get3A_290], %broadcast_in_dim3A_5 {add = true} : memref<10240xf32, #tpu.memory_space<vmem>>[vector<16xi32>], vector<16xf32>,
      %get3A_293 = arith.constant 32 : index
      %get3A_294 = tpu.vector_load %arg13[%get3A_293] {strides = array<i32>} : memref<80xi32, #tpu.memory_space<vmem>>, vector<16xi32>,
      %swap3A_295 = arith.constant 32 : index
      %swap3A_296 = tpu.vector_load %arg16[%swap3A_295] {strides = array<i32>} : memref<80xi32, #tpu.memory_space<vmem>>, vector<16xi32>,
      tpu.vector_store %arg16[%swap3A_295], %get3A_294 {strides = array<i32>} : memref<80xi32, #tpu.memory_space<vmem>>, vector<16xi32>,
      tpu.vector_store_idx %arg20[%get3A_294], %broadcast_in_dim3A_5 {add = true} : memref<10240xf32, #tpu.memory_space<vmem>>[vector<16xi32>], vector<16xf32>,
      %get3A_297 = arith.constant 48 : index
      %get3A_298 = tpu.vector_load %arg13[%get3A_297] {strides = array<i32>} : memref<80xi32, #tpu.memory_space<vmem>>, vector<16xi32>,
      %swap3A_299 = arith.constant 48 : index
      %swap3A_300 = tpu.vector_load %arg16[%swap3A_299] {strides = array<i32>} : memref<80xi32, #tpu.memory_space<vmem>>, vector<16xi32>,
      tpu.vector_store %arg16[%swap3A_299], %get3A_298 {strides = array<i32>} : memref<80xi32, #tpu.memory_space<vmem>>, vector<16xi32>,
      tpu.vector_store_idx %arg20[%get3A_298], %broadcast_in_dim3A_5 {add = true} : memref<10240xf32, #tpu.memory_space<vmem>>[vector<16xi32>], vector<16xf32>,
      %get3A_301 = arith.constant 64 : index
      %get3A_302 = tpu.vector_load %arg13[%get3A_301] {strides = array<i32>} : memref<80xi32, #tpu.memory_space<vmem>>, vector<16xi32>,
      %swap3A_303 = arith.constant 64 : index
      %swap3A_304 = tpu.vector_load %arg16[%swap3A_303] {strides = array<i32>} : memref<80xi32, #tpu.memory_space<vmem>>, vector<16xi32>,
      tpu.vector_store %arg16[%swap3A_303], %get3A_302 {strides = array<i32>} : memref<80xi32, #tpu.memory_space<vmem>>, vector<16xi32>,
      tpu.vector_store_idx %arg20[%get3A_302], %broadcast_in_dim3A_5 {add = true} : memref<10240xf32, #tpu.memory_space<vmem>>[vector<16xi32>], vector<16xf32>,
      %dma_start3A_305 = arith.constant 0 : i32
      %dma_start3A_306 = arith.constant 0 : i32
      %dma_start3A_307 = tpu.memref_slice %arg28[%dma_start3A_305, %dma_start3A_306] : memref<10240x128xf32, #tpu.memory_space<vmem_shared>> -> memref<10240x128xf32, #tpu.memory_space<vmem_shared>>
      tpu.enqueue_indirect_dma source(%arg19 : memref<80x128xf32, #tpu.memory_space<vmem>>) target(%dma_start3A_307 : memref<10240x128xf32, #tpu.memory_space<vmem_shared>>) offsets(%arg16 : memref<80xi32, #tpu.memory_space<vmem>>) semaphore(%arg27 : memref<!tpu.dma_semaphore, #tpu.memory_space<semaphore_mem>>) {add = true}
      %add3A_308 = arith.constant 1 : i32
      %add3A_309 = arith.addi %add3A_257, %add3A_308 : i32
      %dma_wait3A_310 = arith.constant 0 : i32
      %dma_wait3A_311 = arith.constant 0 : i32
      %dma_wait3A_312 = tpu.memref_slice %arg28[%dma_wait3A_310, %dma_wait3A_311] : memref<10240x128xf32, #tpu.memory_space<vmem_shared>> -> memref<10240x128xf32, #tpu.memory_space<vmem_shared>>
      tpu.wait_indirect_dma semaphore(%arg27 : memref<!tpu.dma_semaphore, #tpu.memory_space<semaphore_mem>>) src(%arg18 : memref<80x128xf32, #tpu.memory_space<vmem>>) dst(%dma_wait3A_312 : memref<10240x128xf32, #tpu.memory_space<vmem_shared>>)
      %add3A_313 = arith.constant 2 : i32
      %add3A_314 = arith.addi %add3A_309, %add3A_313 : i32
      %mul3A_315 = arith.constant 80 : i32
      %mul3A_316 = arith.muli %add3A_314, %mul3A_315 : i32
      %add3A_317 = arith.addi %mul3A_4, %mul3A_316 : i32
      %dma_start3A_318 = tpu.memref_slice %arg2[%add3A_317] : memref<320000xi32, #tpu.memory_space<hbm>> -> memref<80xi32, #tpu.memory_space<hbm>>
      %dma_start3A_319 = tpu.memref_slice %arg2[%add3A_317] : memref<320000xi32, #tpu.memory_space<hbm>> -> memref<80xi32, #tpu.memory_space<hbm>>
      tpu.enqueue_dma source(%dma_start3A_319 : memref<80xi32, #tpu.memory_space<hbm>>) target(%arg10 : memref<80xi32, #tpu.memory_space<vmem>>) target_semaphore(%arg23 : memref<!tpu.dma_semaphore, #tpu.memory_space<semaphore_mem>>)
      %dma_start3A_320 = tpu.memref_slice %arg3[%add3A_317] : memref<320000xi32, #tpu.memory_space<hbm>> -> memref<80xi32, #tpu.memory_space<hbm>>
      %dma_start3A_321 = tpu.memref_slice %arg3[%add3A_317] : memref<320000xi32, #tpu.memory_space<hbm>> -> memref<80xi32, #tpu.memory_space<hbm>>
      tpu.enqueue_dma source(%dma_start3A_321 : memref<80xi32, #tpu.memory_space<hbm>>) target(%arg13 : memref<80xi32, #tpu.memory_space<vmem>>) target_semaphore(%arg23 : memref<!tpu.dma_semaphore, #tpu.memory_space<semaphore_mem>>)
      %add3A_322 = arith.constant 1 : i32
      %add3A_323 = arith.addi %add3A_309, %add3A_322 : i32
      %mul3A_324 = arith.constant 80 : i32
      %mul3A_325 = arith.muli %add3A_323, %mul3A_324 : i32
      %add3A_326 = arith.addi %mul3A_4, %mul3A_325 : i32
      %dma_wait3A_327 = tpu.memref_slice %arg2[%add3A_326] : memref<320000xi32, #tpu.memory_space<hbm>> -> memref<80xi32, #tpu.memory_space<hbm>>
      %dma_wait3A_328 = tpu.memref_slice %arg2[%add3A_326] : memref<320000xi32, #tpu.memory_space<hbm>> -> memref<80xi32, #tpu.memory_space<hbm>>
      tpu.wait_dma2 semaphore(%arg22 : memref<!tpu.dma_semaphore, #tpu.memory_space<semaphore_mem>>) src(%dma_wait3A_328 : memref<80xi32, #tpu.memory_space<hbm>>) dst(%arg9 : memref<80xi32, #tpu.memory_space<vmem>>)
      %dma_wait3A_329 = tpu.memref_slice %arg3[%add3A_326] : memref<320000xi32, #tpu.memory_space<hbm>> -> memref<80xi32, #tpu.memory_space<hbm>>
      %dma_wait3A_330 = tpu.memref_slice %arg3[%add3A_326] : memref<320000xi32, #tpu.memory_space<hbm>> -> memref<80xi32, #tpu.memory_space<hbm>>
      tpu.wait_dma2 semaphore(%arg22 : memref<!tpu.dma_semaphore, #tpu.memory_space<semaphore_mem>>) src(%dma_wait3A_330 : memref<80xi32, #tpu.memory_space<hbm>>) dst(%arg12 : memref<80xi32, #tpu.memory_space<vmem>>)
      %dma_start3A_331 = arith.constant 0 : i32
      %dma_start3A_332 = arith.constant 0 : i32
      %dma_start3A_333 = tpu.memref_slice %arg4[%dma_start3A_331, %dma_start3A_332] : memref<10000x128xf32, #tpu.memory_space<hbm>> -> memref<10000x128xf32, #tpu.memory_space<hbm>>
      tpu.enqueue_indirect_dma source(%dma_start3A_333 : memref<10000x128xf32, #tpu.memory_space<hbm>>) target(%arg18 : memref<80x128xf32, #tpu.memory_space<vmem>>) offsets(%arg9 : memref<80xi32, #tpu.memory_space<vmem>>) semaphore(%arg25 : memref<!tpu.dma_semaphore, #tpu.memory_space<semaphore_mem>>)
      %dma_wait3A_334 = arith.constant 0 : i32
      %dma_wait3A_335 = arith.constant 0 : i32
      %dma_wait3A_336 = tpu.memref_slice %arg4[%dma_wait3A_334, %dma_wait3A_335] : memref<10000x128xf32, #tpu.memory_space<hbm>> -> memref<10000x128xf32, #tpu.memory_space<hbm>>
      tpu.wait_indirect_dma semaphore(%arg24 : memref<!tpu.dma_semaphore, #tpu.memory_space<semaphore_mem>>) src(%dma_wait3A_336 : memref<10000x128xf32, #tpu.memory_space<hbm>>) dst(%arg17 : memref<80x128xf32, #tpu.memory_space<vmem>>)
      %get3A_337 = arith.constant 0 : index
      %get3A_338 = tpu.vector_load %arg11[%get3A_337] {strides = array<i32>} : memref<80xi32, #tpu.memory_space<vmem>>, vector<16xi32>,
      %swap3A_339 = arith.constant 0 : index
      %swap3A_340 = tpu.vector_load %arg14[%swap3A_339] {strides = array<i32>} : memref<80xi32, #tpu.memory_space<vmem>>, vector<16xi32>,
      tpu.vector_store %arg14[%swap3A_339], %get3A_338 {strides = array<i32>} : memref<80xi32, #tpu.memory_space<vmem>>, vector<16xi32>,
      tpu.vector_store_idx %arg20[%get3A_338], %broadcast_in_dim3A_5 {add = true} : memref<10240xf32, #tpu.memory_space<vmem>>[vector<16xi32>], vector<16xf32>,
      %get3A_341 = arith.constant 16 : index
      %get3A_342 = tpu.vector_load %arg11[%get3A_341] {strides = array<i32>} : memref<80xi32, #tpu.memory_space<vmem>>, vector<16xi32>,
      %swap3A_343 = arith.constant 16 : index
      %swap3A_344 = tpu.vector_load %arg14[%swap3A_343] {strides = array<i32>} : memref<80xi32, #tpu.memory_space<vmem>>, vector<16xi32>,
      tpu.vector_store %arg14[%swap3A_343], %get3A_342 {strides = array<i32>} : memref<80xi32, #tpu.memory_space<vmem>>, vector<16xi32>,
      tpu.vector_store_idx %arg20[%get3A_342], %broadcast_in_dim3A_5 {add = true} : memref<10240xf32, #tpu.memory_space<vmem>>[vector<16xi32>], vector<16xf32>,
      %get3A_345 = arith.constant 32 : index
      %get3A_346 = tpu.vector_load %arg11[%get3A_345] {strides = array<i32>} : memref<80xi32, #tpu.memory_space<vmem>>, vector<16xi32>,
      %swap3A_347 = arith.constant 32 : index
      %swap3A_348 = tpu.vector_load %arg14[%swap3A_347] {strides = array<i32>} : memref<80xi32, #tpu.memory_space<vmem>>, vector<16xi32>,
      tpu.vector_store %arg14[%swap3A_347], %get3A_346 {strides = array<i32>} : memref<80xi32, #tpu.memory_space<vmem>>, vector<16xi32>,
      tpu.vector_store_idx %arg20[%get3A_346], %broadcast_in_dim3A_5 {add = true} : memref<10240xf32, #tpu.memory_space<vmem>>[vector<16xi32>], vector<16xf32>,
      %get3A_349 = arith.constant 48 : index
      %get3A_350 = tpu.vector_load %arg11[%get3A_349] {strides = array<i32>} : memref<80xi32, #tpu.memory_space<vmem>>, vector<16xi32>,
      %swap3A_351 = arith.constant 48 : index
      %swap3A_352 = tpu.vector_load %arg14[%swap3A_351] {strides = array<i32>} : memref<80xi32, #tpu.memory_space<vmem>>, vector<16xi32>,
      tpu.vector_store %arg14[%swap3A_351], %get3A_350 {strides = array<i32>} : memref<80xi32, #tpu.memory_space<vmem>>, vector<16xi32>,
      tpu.vector_store_idx %arg20[%get3A_350], %broadcast_in_dim3A_5 {add = true} : memref<10240xf32, #tpu.memory_space<vmem>>[vector<16xi32>], vector<16xf32>,
      %get3A_353 = arith.constant 64 : index
      %get3A_354 = tpu.vector_load %arg11[%get3A_353] {strides = array<i32>} : memref<80xi32, #tpu.memory_space<vmem>>, vector<16xi32>,
      %swap3A_355 = arith.constant 64 : index
      %swap3A_356 = tpu.vector_load %arg14[%swap3A_355] {strides = array<i32>} : memref<80xi32, #tpu.memory_space<vmem>>, vector<16xi32>,
      tpu.vector_store %arg14[%swap3A_355], %get3A_354 {strides = array<i32>} : memref<80xi32, #tpu.memory_space<vmem>>, vector<16xi32>,
      tpu.vector_store_idx %arg20[%get3A_354], %broadcast_in_dim3A_5 {add = true} : memref<10240xf32, #tpu.memory_space<vmem>>[vector<16xi32>], vector<16xf32>,
      %dma_start3A_357 = arith.constant 0 : i32
      %dma_start3A_358 = arith.constant 0 : i32
      %dma_start3A_359 = tpu.memref_slice %arg28[%dma_start3A_357, %dma_start3A_358] : memref<10240x128xf32, #tpu.memory_space<vmem_shared>> -> memref<10240x128xf32, #tpu.memory_space<vmem_shared>>
      tpu.enqueue_indirect_dma source(%arg17 : memref<80x128xf32, #tpu.memory_space<vmem>>) target(%dma_start3A_359 : memref<10240x128xf32, #tpu.memory_space<vmem_shared>>) offsets(%arg14 : memref<80xi32, #tpu.memory_space<vmem>>) semaphore(%arg27 : memref<!tpu.dma_semaphore, #tpu.memory_space<semaphore_mem>>) {add = true}
      %add3A_360 = arith.constant 2 : i32
      %add3A_361 = arith.addi %add3A_257, %add3A_360 : i32
      %dma_wait3A_362 = arith.constant 0 : i32
      %dma_wait3A_363 = arith.constant 0 : i32
      %dma_wait3A_364 = tpu.memref_slice %arg28[%dma_wait3A_362, %dma_wait3A_363] : memref<10240x128xf32, #tpu.memory_space<vmem_shared>> -> memref<10240x128xf32, #tpu.memory_space<vmem_shared>>
      tpu.wait_indirect_dma semaphore(%arg27 : memref<!tpu.dma_semaphore, #tpu.memory_space<semaphore_mem>>) src(%arg19 : memref<80x128xf32, #tpu.memory_space<vmem>>) dst(%dma_wait3A_364 : memref<10240x128xf32, #tpu.memory_space<vmem_shared>>)
      %add3A_365 = arith.constant 2 : i32
      %add3A_366 = arith.addi %add3A_361, %add3A_365 : i32
      %mul3A_367 = arith.constant 80 : i32
      %mul3A_368 = arith.muli %add3A_366, %mul3A_367 : i32
      %add3A_369 = arith.addi %mul3A_4, %mul3A_368 : i32
      %dma_start3A_370 = tpu.memref_slice %arg2[%add3A_369] : memref<320000xi32, #tpu.memory_space<hbm>> -> memref<80xi32, #tpu.memory_space<hbm>>
      %dma_start3A_371 = tpu.memref_slice %arg2[%add3A_369] : memref<320000xi32, #tpu.memory_space<hbm>> -> memref<80xi32, #tpu.memory_space<hbm>>
      tpu.enqueue_dma source(%dma_start3A_371 : memref<80xi32, #tpu.memory_space<hbm>>) target(%arg8 : memref<80xi32, #tpu.memory_space<vmem>>) target_semaphore(%arg21 : memref<!tpu.dma_semaphore, #tpu.memory_space<semaphore_mem>>)
      %dma_start3A_372 = tpu.memref_slice %arg3[%add3A_369] : memref<320000xi32, #tpu.memory_space<hbm>> -> memref<80xi32, #tpu.memory_space<hbm>>
      %dma_start3A_373 = tpu.memref_slice %arg3[%add3A_369] : memref<320000xi32, #tpu.memory_space<hbm>> -> memref<80xi32, #tpu.memory_space<hbm>>
      tpu.enqueue_dma source(%dma_start3A_373 : memref<80xi32, #tpu.memory_space<hbm>>) target(%arg11 : memref<80xi32, #tpu.memory_space<vmem>>) target_semaphore(%arg21 : memref<!tpu.dma_semaphore, #tpu.memory_space<semaphore_mem>>)
      %add3A_374 = arith.constant 1 : i32
      %add3A_375 = arith.addi %add3A_361, %add3A_374 : i32
      %mul3A_376 = arith.constant 80 : i32
      %mul3A_377 = arith.muli %add3A_375, %mul3A_376 : i32
      %add3A_378 = arith.addi %mul3A_4, %mul3A_377 : i32
      %dma_wait3A_379 = tpu.memref_slice %arg2[%add3A_378] : memref<320000xi32, #tpu.memory_space<hbm>> -> memref<80xi32, #tpu.memory_space<hbm>>
      %dma_wait3A_380 = tpu.memref_slice %arg2[%add3A_378] : memref<320000xi32, #tpu.memory_space<hbm>> -> memref<80xi32, #tpu.memory_space<hbm>>
      tpu.wait_dma2 semaphore(%arg23 : memref<!tpu.dma_semaphore, #tpu.memory_space<semaphore_mem>>) src(%dma_wait3A_380 : memref<80xi32, #tpu.memory_space<hbm>>) dst(%arg10 : memref<80xi32, #tpu.memory_space<vmem>>)
      %dma_wait3A_381 = tpu.memref_slice %arg3[%add3A_378] : memref<320000xi32, #tpu.memory_space<hbm>> -> memref<80xi32, #tpu.memory_space<hbm>>
      %dma_wait3A_382 = tpu.memref_slice %arg3[%add3A_378] : memref<320000xi32, #tpu.memory_space<hbm>> -> memref<80xi32, #tpu.memory_space<hbm>>
      tpu.wait_dma2 semaphore(%arg23 : memref<!tpu.dma_semaphore, #tpu.memory_space<semaphore_mem>>) src(%dma_wait3A_382 : memref<80xi32, #tpu.memory_space<hbm>>) dst(%arg13 : memref<80xi32, #tpu.memory_space<vmem>>)
      %dma_start3A_383 = arith.constant 0 : i32
      %dma_start3A_384 = arith.constant 0 : i32
      %dma_start3A_385 = tpu.memref_slice %arg4[%dma_start3A_383, %dma_start3A_384] : memref<10000x128xf32, #tpu.memory_space<hbm>> -> memref<10000x128xf32, #tpu.memory_space<hbm>>
      tpu.enqueue_indirect_dma source(%dma_start3A_385 : memref<10000x128xf32, #tpu.memory_space<hbm>>) target(%arg19 : memref<80x128xf32, #tpu.memory_space<vmem>>) offsets(%arg10 : memref<80xi32, #tpu.memory_space<vmem>>) semaphore(%arg26 : memref<!tpu.dma_semaphore, #tpu.memory_space<semaphore_mem>>)
      %dma_wait3A_386 = arith.constant 0 : i32
      %dma_wait3A_387 = arith.constant 0 : i32
      %dma_wait3A_388 = tpu.memref_slice %arg4[%dma_wait3A_386, %dma_wait3A_387] : memref<10000x128xf32, #tpu.memory_space<hbm>> -> memref<10000x128xf32, #tpu.memory_space<hbm>>
      tpu.wait_indirect_dma semaphore(%arg25 : memref<!tpu.dma_semaphore, #tpu.memory_space<semaphore_mem>>) src(%dma_wait3A_388 : memref<10000x128xf32, #tpu.memory_space<hbm>>) dst(%arg18 : memref<80x128xf32, #tpu.memory_space<vmem>>)
      %get3A_389 = arith.constant 0 : index
      %get3A_390 = tpu.vector_load %arg12[%get3A_389] {strides = array<i32>} : memref<80xi32, #tpu.memory_space<vmem>>, vector<16xi32>,
      %swap3A_391 = arith.constant 0 : index
      %swap3A_392 = tpu.vector_load %arg15[%swap3A_391] {strides = array<i32>} : memref<80xi32, #tpu.memory_space<vmem>>, vector<16xi32>,
      tpu.vector_store %arg15[%swap3A_391], %get3A_390 {strides = array<i32>} : memref<80xi32, #tpu.memory_space<vmem>>, vector<16xi32>,
      tpu.vector_store_idx %arg20[%get3A_390], %broadcast_in_dim3A_5 {add = true} : memref<10240xf32, #tpu.memory_space<vmem>>[vector<16xi32>], vector<16xf32>,
      %get3A_393 = arith.constant 16 : index
      %get3A_394 = tpu.vector_load %arg12[%get3A_393] {strides = array<i32>} : memref<80xi32, #tpu.memory_space<vmem>>, vector<16xi32>,
      %swap3A_395 = arith.constant 16 : index
      %swap3A_396 = tpu.vector_load %arg15[%swap3A_395] {strides = array<i32>} : memref<80xi32, #tpu.memory_space<vmem>>, vector<16xi32>,
      tpu.vector_store %arg15[%swap3A_395], %get3A_394 {strides = array<i32>} : memref<80xi32, #tpu.memory_space<vmem>>, vector<16xi32>,
      tpu.vector_store_idx %arg20[%get3A_394], %broadcast_in_dim3A_5 {add = true} : memref<10240xf32, #tpu.memory_space<vmem>>[vector<16xi32>], vector<16xf32>,
      %get3A_397 = arith.constant 32 : index
      %get3A_398 = tpu.vector_load %arg12[%get3A_397] {strides = array<i32>} : memref<80xi32, #tpu.memory_space<vmem>>, vector<16xi32>,
      %swap3A_399 = arith.constant 32 : index
      %swap3A_400 = tpu.vector_load %arg15[%swap3A_399] {strides = array<i32>} : memref<80xi32, #tpu.memory_space<vmem>>, vector<16xi32>,
      tpu.vector_store %arg15[%swap3A_399], %get3A_398 {strides = array<i32>} : memref<80xi32, #tpu.memory_space<vmem>>, vector<16xi32>,
      tpu.vector_store_idx %arg20[%get3A_398], %broadcast_in_dim3A_5 {add = true} : memref<10240xf32, #tpu.memory_space<vmem>>[vector<16xi32>], vector<16xf32>,
      %get3A_401 = arith.constant 48 : index
      %get3A_402 = tpu.vector_load %arg12[%get3A_401] {strides = array<i32>} : memref<80xi32, #tpu.memory_space<vmem>>, vector<16xi32>,
      %swap3A_403 = arith.constant 48 : index
      %swap3A_404 = tpu.vector_load %arg15[%swap3A_403] {strides = array<i32>} : memref<80xi32, #tpu.memory_space<vmem>>, vector<16xi32>,
      tpu.vector_store %arg15[%swap3A_403], %get3A_402 {strides = array<i32>} : memref<80xi32, #tpu.memory_space<vmem>>, vector<16xi32>,
      tpu.vector_store_idx %arg20[%get3A_402], %broadcast_in_dim3A_5 {add = true} : memref<10240xf32, #tpu.memory_space<vmem>>[vector<16xi32>], vector<16xf32>,
      %get3A_405 = arith.constant 64 : index
      %get3A_406 = tpu.vector_load %arg12[%get3A_405] {strides = array<i32>} : memref<80xi32, #tpu.memory_space<vmem>>, vector<16xi32>,
      %swap3A_407 = arith.constant 64 : index
      %swap3A_408 = tpu.vector_load %arg15[%swap3A_407] {strides = array<i32>} : memref<80xi32, #tpu.memory_space<vmem>>, vector<16xi32>,
      tpu.vector_store %arg15[%swap3A_407], %get3A_406 {strides = array<i32>} : memref<80xi32, #tpu.memory_space<vmem>>, vector<16xi32>,
      tpu.vector_store_idx %arg20[%get3A_406], %broadcast_in_dim3A_5 {add = true} : memref<10240xf32, #tpu.memory_space<vmem>>[vector<16xi32>], vector<16xf32>,
      %dma_start3A_409 = arith.constant 0 : i32
      %dma_start3A_410 = arith.constant 0 : i32
      %dma_start3A_411 = tpu.memref_slice %arg28[%dma_start3A_409, %dma_start3A_410] : memref<10240x128xf32, #tpu.memory_space<vmem_shared>> -> memref<10240x128xf32, #tpu.memory_space<vmem_shared>>
      tpu.enqueue_indirect_dma source(%arg18 : memref<80x128xf32, #tpu.memory_space<vmem>>) target(%dma_start3A_411 : memref<10240x128xf32, #tpu.memory_space<vmem_shared>>) offsets(%arg15 : memref<80xi32, #tpu.memory_space<vmem>>) semaphore(%arg27 : memref<!tpu.dma_semaphore, #tpu.memory_space<semaphore_mem>>) {add = true}
    }
    %scan3A_123 = arith.constant 40 : i32
    %dma_wait3A_124 = arith.constant 0 : i32
    %dma_wait3A_125 = arith.constant 0 : i32
    %dma_wait3A_126 = tpu.memref_slice %arg28[%dma_wait3A_124, %dma_wait3A_125] : memref<10240x128xf32, #tpu.memory_space<vmem_shared>> -> memref<10240x128xf32, #tpu.memory_space<vmem_shared>>
    tpu.wait_indirect_dma semaphore(%arg27 : memref<!tpu.dma_semaphore, #tpu.memory_space<semaphore_mem>>) src(%arg17 : memref<80x128xf32, #tpu.memory_space<vmem>>) dst(%dma_wait3A_126 : memref<10240x128xf32, #tpu.memory_space<vmem_shared>>)
    %add3A_127 = arith.constant 9920 : i32
    %add3A_128 = arith.addi %mul3A_4, %add3A_127 : i32
    %dma_start3A_129 = tpu.memref_slice %arg2[%add3A_128] : memref<320000xi32, #tpu.memory_space<hbm>> -> memref<80xi32, #tpu.memory_space<hbm>>
    %dma_start3A_130 = tpu.memref_slice %arg2[%add3A_128] : memref<320000xi32, #tpu.memory_space<hbm>> -> memref<80xi32, #tpu.memory_space<hbm>>
    tpu.enqueue_dma source(%dma_start3A_130 : memref<80xi32, #tpu.memory_space<hbm>>) target(%arg9 : memref<80xi32, #tpu.memory_space<vmem>>) target_semaphore(%arg22 : memref<!tpu.dma_semaphore, #tpu.memory_space<semaphore_mem>>)
    %dma_start3A_131 = tpu.memref_slice %arg3[%add3A_128] : memref<320000xi32, #tpu.memory_space<hbm>> -> memref<80xi32, #tpu.memory_space<hbm>>
    %dma_start3A_132 = tpu.memref_slice %arg3[%add3A_128] : memref<320000xi32, #tpu.memory_space<hbm>> -> memref<80xi32, #tpu.memory_space<hbm>>
    tpu.enqueue_dma source(%dma_start3A_132 : memref<80xi32, #tpu.memory_space<hbm>>) target(%arg12 : memref<80xi32, #tpu.memory_space<vmem>>) target_semaphore(%arg22 : memref<!tpu.dma_semaphore, #tpu.memory_space<semaphore_mem>>)
    %add3A_133 = arith.constant 9840 : i32
    %add3A_134 = arith.addi %mul3A_4, %add3A_133 : i32
    %dma_wait3A_135 = tpu.memref_slice %arg2[%add3A_134] : memref<320000xi32, #tpu.memory_space<hbm>> -> memref<80xi32, #tpu.memory_space<hbm>>
    %dma_wait3A_136 = tpu.memref_slice %arg2[%add3A_134] : memref<320000xi32, #tpu.memory_space<hbm>> -> memref<80xi32, #tpu.memory_space<hbm>>
    tpu.wait_dma2 semaphore(%arg21 : memref<!tpu.dma_semaphore, #tpu.memory_space<semaphore_mem>>) src(%dma_wait3A_136 : memref<80xi32, #tpu.memory_space<hbm>>) dst(%arg8 : memref<80xi32, #tpu.memory_space<vmem>>)
    %dma_wait3A_137 = tpu.memref_slice %arg3[%add3A_134] : memref<320000xi32, #tpu.memory_space<hbm>> -> memref<80xi32, #tpu.memory_space<hbm>>
    %dma_wait3A_138 = tpu.memref_slice %arg3[%add3A_134] : memref<320000xi32, #tpu.memory_space<hbm>> -> memref<80xi32, #tpu.memory_space<hbm>>
    tpu.wait_dma2 semaphore(%arg21 : memref<!tpu.dma_semaphore, #tpu.memory_space<semaphore_mem>>) src(%dma_wait3A_138 : memref<80xi32, #tpu.memory_space<hbm>>) dst(%arg11 : memref<80xi32, #tpu.memory_space<vmem>>)
    %dma_start3A_139 = arith.constant 0 : i32
    %dma_start3A_140 = arith.constant 0 : i32
    %dma_start3A_141 = tpu.memref_slice %arg4[%dma_start3A_139, %dma_start3A_140] : memref<10000x128xf32, #tpu.memory_space<hbm>> -> memref<10000x128xf32, #tpu.memory_space<hbm>>
    tpu.enqueue_indirect_dma source(%dma_start3A_141 : memref<10000x128xf32, #tpu.memory_space<hbm>>) target(%arg17 : memref<80x128xf32, #tpu.memory_space<vmem>>) offsets(%arg8 : memref<80xi32, #tpu.memory_space<vmem>>) semaphore(%arg24 : memref<!tpu.dma_semaphore, #tpu.memory_space<semaphore_mem>>)
    %dma_wait3A_142 = arith.constant 0 : i32
    %dma_wait3A_143 = arith.constant 0 : i32
    %dma_wait3A_144 = tpu.memref_slice %arg4[%dma_wait3A_142, %dma_wait3A_143] : memref<10000x128xf32, #tpu.memory_space<hbm>> -> memref<10000x128xf32, #tpu.memory_space<hbm>>
    tpu.wait_indirect_dma semaphore(%arg26 : memref<!tpu.dma_semaphore, #tpu.memory_space<semaphore_mem>>) src(%dma_wait3A_144 : memref<10000x128xf32, #tpu.memory_space<hbm>>) dst(%arg19 : memref<80x128xf32, #tpu.memory_space<vmem>>)
    %get3A_145 = arith.constant 0 : index
    %get3A_146 = tpu.vector_load %arg13[%get3A_145] {strides = array<i32>} : memref<80xi32, #tpu.memory_space<vmem>>, vector<16xi32>,
    %swap3A_147 = arith.constant 0 : index
    %swap3A_148 = tpu.vector_load %arg16[%swap3A_147] {strides = array<i32>} : memref<80xi32, #tpu.memory_space<vmem>>, vector<16xi32>,
    tpu.vector_store %arg16[%swap3A_147], %get3A_146 {strides = array<i32>} : memref<80xi32, #tpu.memory_space<vmem>>, vector<16xi32>,
    tpu.vector_store_idx %arg20[%get3A_146], %broadcast_in_dim3A_5 {add = true} : memref<10240xf32, #tpu.memory_space<vmem>>[vector<16xi32>], vector<16xf32>,
    %get3A_149 = arith.constant 16 : index
    %get3A_150 = tpu.vector_load %arg13[%get3A_149] {strides = array<i32>} : memref<80xi32, #tpu.memory_space<vmem>>, vector<16xi32>,
    %swap3A_151 = arith.constant 16 : index
    %swap3A_152 = tpu.vector_load %arg16[%swap3A_151] {strides = array<i32>} : memref<80xi32, #tpu.memory_space<vmem>>, vector<16xi32>,
    tpu.vector_store %arg16[%swap3A_151], %get3A_150 {strides = array<i32>} : memref<80xi32, #tpu.memory_space<vmem>>, vector<16xi32>,
    tpu.vector_store_idx %arg20[%get3A_150], %broadcast_in_dim3A_5 {add = true} : memref<10240xf32, #tpu.memory_space<vmem>>[vector<16xi32>], vector<16xf32>,
    %get3A_153 = arith.constant 32 : index
    %get3A_154 = tpu.vector_load %arg13[%get3A_153] {strides = array<i32>} : memref<80xi32, #tpu.memory_space<vmem>>, vector<16xi32>,
    %swap3A_155 = arith.constant 32 : index
    %swap3A_156 = tpu.vector_load %arg16[%swap3A_155] {strides = array<i32>} : memref<80xi32, #tpu.memory_space<vmem>>, vector<16xi32>,
    tpu.vector_store %arg16[%swap3A_155], %get3A_154 {strides = array<i32>} : memref<80xi32, #tpu.memory_space<vmem>>, vector<16xi32>,
    tpu.vector_store_idx %arg20[%get3A_154], %broadcast_in_dim3A_5 {add = true} : memref<10240xf32, #tpu.memory_space<vmem>>[vector<16xi32>], vector<16xf32>,
    %get3A_157 = arith.constant 48 : index
    %get3A_158 = tpu.vector_load %arg13[%get3A_157] {strides = array<i32>} : memref<80xi32, #tpu.memory_space<vmem>>, vector<16xi32>,
    %swap3A_159 = arith.constant 48 : index
    %swap3A_160 = tpu.vector_load %arg16[%swap3A_159] {strides = array<i32>} : memref<80xi32, #tpu.memory_space<vmem>>, vector<16xi32>,
    tpu.vector_store %arg16[%swap3A_159], %get3A_158 {strides = array<i32>} : memref<80xi32, #tpu.memory_space<vmem>>, vector<16xi32>,
    tpu.vector_store_idx %arg20[%get3A_158], %broadcast_in_dim3A_5 {add = true} : memref<10240xf32, #tpu.memory_space<vmem>>[vector<16xi32>], vector<16xf32>,
    %get3A_161 = arith.constant 64 : index
    %get3A_162 = tpu.vector_load %arg13[%get3A_161] {strides = array<i32>} : memref<80xi32, #tpu.memory_space<vmem>>, vector<16xi32>,
    %swap3A_163 = arith.constant 64 : index
    %swap3A_164 = tpu.vector_load %arg16[%swap3A_163] {strides = array<i32>} : memref<80xi32, #tpu.memory_space<vmem>>, vector<16xi32>,
    tpu.vector_store %arg16[%swap3A_163], %get3A_162 {strides = array<i32>} : memref<80xi32, #tpu.memory_space<vmem>>, vector<16xi32>,
    tpu.vector_store_idx %arg20[%get3A_162], %broadcast_in_dim3A_5 {add = true} : memref<10240xf32, #tpu.memory_space<vmem>>[vector<16xi32>], vector<16xf32>,
    %dma_start3A_165 = arith.constant 0 : i32
    %dma_start3A_166 = arith.constant 0 : i32
    %dma_start3A_167 = tpu.memref_slice %arg28[%dma_start3A_165, %dma_start3A_166] : memref<10240x128xf32, #tpu.memory_space<vmem_shared>> -> memref<10240x128xf32, #tpu.memory_space<vmem_shared>>
    tpu.enqueue_indirect_dma source(%arg19 : memref<80x128xf32, #tpu.memory_space<vmem>>) target(%dma_start3A_167 : memref<10240x128xf32, #tpu.memory_space<vmem_shared>>) offsets(%arg16 : memref<80xi32, #tpu.memory_space<vmem>>) semaphore(%arg27 : memref<!tpu.dma_semaphore, #tpu.memory_space<semaphore_mem>>) {add = true}
    %dma_wait3A_168 = arith.constant 0 : i32
    %dma_wait3A_169 = arith.constant 0 : i32
    %dma_wait3A_170 = tpu.memref_slice %arg28[%dma_wait3A_168, %dma_wait3A_169] : memref<10240x128xf32, #tpu.memory_space<vmem_shared>> -> memref<10240x128xf32, #tpu.memory_space<vmem_shared>>
    tpu.wait_indirect_dma semaphore(%arg27 : memref<!tpu.dma_semaphore, #tpu.memory_space<semaphore_mem>>) src(%arg18 : memref<80x128xf32, #tpu.memory_space<vmem>>) dst(%dma_wait3A_170 : memref<10240x128xf32, #tpu.memory_space<vmem_shared>>)
    %add3A_171 = arith.constant 9920 : i32
    %add3A_172 = arith.addi %mul3A_4, %add3A_171 : i32
    %dma_wait3A_173 = tpu.memref_slice %arg2[%add3A_172] : memref<320000xi32, #tpu.memory_space<hbm>> -> memref<80xi32, #tpu.memory_space<hbm>>
    %dma_wait3A_174 = tpu.memref_slice %arg2[%add3A_172] : memref<320000xi32, #tpu.memory_space<hbm>> -> memref<80xi32, #tpu.memory_space<hbm>>
    tpu.wait_dma2 semaphore(%arg22 : memref<!tpu.dma_semaphore, #tpu.memory_space<semaphore_mem>>) src(%dma_wait3A_174 : memref<80xi32, #tpu.memory_space<hbm>>) dst(%arg9 : memref<80xi32, #tpu.memory_space<vmem>>)
    %dma_wait3A_175 = tpu.memref_slice %arg3[%add3A_172] : memref<320000xi32, #tpu.memory_space<hbm>> -> memref<80xi32, #tpu.memory_space<hbm>>
    %dma_wait3A_176 = tpu.memref_slice %arg3[%add3A_172] : memref<320000xi32, #tpu.memory_space<hbm>> -> memref<80xi32, #tpu.memory_space<hbm>>
    tpu.wait_dma2 semaphore(%arg22 : memref<!tpu.dma_semaphore, #tpu.memory_space<semaphore_mem>>) src(%dma_wait3A_176 : memref<80xi32, #tpu.memory_space<hbm>>) dst(%arg12 : memref<80xi32, #tpu.memory_space<vmem>>)
    %dma_start3A_177 = arith.constant 0 : i32
    %dma_start3A_178 = arith.constant 0 : i32
    %dma_start3A_179 = tpu.memref_slice %arg4[%dma_start3A_177, %dma_start3A_178] : memref<10000x128xf32, #tpu.memory_space<hbm>> -> memref<10000x128xf32, #tpu.memory_space<hbm>>
    tpu.enqueue_indirect_dma source(%dma_start3A_179 : memref<10000x128xf32, #tpu.memory_space<hbm>>) target(%arg18 : memref<80x128xf32, #tpu.memory_space<vmem>>) offsets(%arg9 : memref<80xi32, #tpu.memory_space<vmem>>) semaphore(%arg25 : memref<!tpu.dma_semaphore, #tpu.memory_space<semaphore_mem>>)
    %dma_wait3A_180 = arith.constant 0 : i32
    %dma_wait3A_181 = arith.constant 0 : i32
    %dma_wait3A_182 = tpu.memref_slice %arg4[%dma_wait3A_180, %dma_wait3A_181] : memref<10000x128xf32, #tpu.memory_space<hbm>> -> memref<10000x128xf32, #tpu.memory_space<hbm>>
    tpu.wait_indirect_dma semaphore(%arg24 : memref<!tpu.dma_semaphore, #tpu.memory_space<semaphore_mem>>) src(%dma_wait3A_182 : memref<10000x128xf32, #tpu.memory_space<hbm>>) dst(%arg17 : memref<80x128xf32, #tpu.memory_space<vmem>>)
    %get3A_183 = arith.constant 0 : index
    %get3A_184 = tpu.vector_load %arg11[%get3A_183] {strides = array<i32>} : memref<80xi32, #tpu.memory_space<vmem>>, vector<16xi32>,
    %swap3A_185 = arith.constant 0 : index
    %swap3A_186 = tpu.vector_load %arg14[%swap3A_185] {strides = array<i32>} : memref<80xi32, #tpu.memory_space<vmem>>, vector<16xi32>,
    tpu.vector_store %arg14[%swap3A_185], %get3A_184 {strides = array<i32>} : memref<80xi32, #tpu.memory_space<vmem>>, vector<16xi32>,
    tpu.vector_store_idx %arg20[%get3A_184], %broadcast_in_dim3A_5 {add = true} : memref<10240xf32, #tpu.memory_space<vmem>>[vector<16xi32>], vector<16xf32>,
    %get3A_187 = arith.constant 16 : index
    %get3A_188 = tpu.vector_load %arg11[%get3A_187] {strides = array<i32>} : memref<80xi32, #tpu.memory_space<vmem>>, vector<16xi32>,
    %swap3A_189 = arith.constant 16 : index
    %swap3A_190 = tpu.vector_load %arg14[%swap3A_189] {strides = array<i32>} : memref<80xi32, #tpu.memory_space<vmem>>, vector<16xi32>,
    tpu.vector_store %arg14[%swap3A_189], %get3A_188 {strides = array<i32>} : memref<80xi32, #tpu.memory_space<vmem>>, vector<16xi32>,
    tpu.vector_store_idx %arg20[%get3A_188], %broadcast_in_dim3A_5 {add = true} : memref<10240xf32, #tpu.memory_space<vmem>>[vector<16xi32>], vector<16xf32>,
    %get3A_191 = arith.constant 32 : index
    %get3A_192 = tpu.vector_load %arg11[%get3A_191] {strides = array<i32>} : memref<80xi32, #tpu.memory_space<vmem>>, vector<16xi32>,
    %swap3A_193 = arith.constant 32 : index
    %swap3A_194 = tpu.vector_load %arg14[%swap3A_193] {strides = array<i32>} : memref<80xi32, #tpu.memory_space<vmem>>, vector<16xi32>,
    tpu.vector_store %arg14[%swap3A_193], %get3A_192 {strides = array<i32>} : memref<80xi32, #tpu.memory_space<vmem>>, vector<16xi32>,
    tpu.vector_store_idx %arg20[%get3A_192], %broadcast_in_dim3A_5 {add = true} : memref<10240xf32, #tpu.memory_space<vmem>>[vector<16xi32>], vector<16xf32>,
    %get3A_195 = arith.constant 48 : index
    %get3A_196 = tpu.vector_load %arg11[%get3A_195] {strides = array<i32>} : memref<80xi32, #tpu.memory_space<vmem>>, vector<16xi32>,
    %swap3A_197 = arith.constant 48 : index
    %swap3A_198 = tpu.vector_load %arg14[%swap3A_197] {strides = array<i32>} : memref<80xi32, #tpu.memory_space<vmem>>, vector<16xi32>,
    tpu.vector_store %arg14[%swap3A_197], %get3A_196 {strides = array<i32>} : memref<80xi32, #tpu.memory_space<vmem>>, vector<16xi32>,
    tpu.vector_store_idx %arg20[%get3A_196], %broadcast_in_dim3A_5 {add = true} : memref<10240xf32, #tpu.memory_space<vmem>>[vector<16xi32>], vector<16xf32>,
    %get3A_199 = arith.constant 64 : index
    %get3A_200 = tpu.vector_load %arg11[%get3A_199] {strides = array<i32>} : memref<80xi32, #tpu.memory_space<vmem>>, vector<16xi32>,
    %swap3A_201 = arith.constant 64 : index
    %swap3A_202 = tpu.vector_load %arg14[%swap3A_201] {strides = array<i32>} : memref<80xi32, #tpu.memory_space<vmem>>, vector<16xi32>,
    tpu.vector_store %arg14[%swap3A_201], %get3A_200 {strides = array<i32>} : memref<80xi32, #tpu.memory_space<vmem>>, vector<16xi32>,
    tpu.vector_store_idx %arg20[%get3A_200], %broadcast_in_dim3A_5 {add = true} : memref<10240xf32, #tpu.memory_space<vmem>>[vector<16xi32>], vector<16xf32>,
    %dma_start3A_203 = arith.constant 0 : i32
    %dma_start3A_204 = arith.constant 0 : i32
    %dma_start3A_205 = tpu.memref_slice %arg28[%dma_start3A_203, %dma_start3A_204] : memref<10240x128xf32, #tpu.memory_space<vmem_shared>> -> memref<10240x128xf32, #tpu.memory_space<vmem_shared>>
    tpu.enqueue_indirect_dma source(%arg17 : memref<80x128xf32, #tpu.memory_space<vmem>>) target(%dma_start3A_205 : memref<10240x128xf32, #tpu.memory_space<vmem_shared>>) offsets(%arg14 : memref<80xi32, #tpu.memory_space<vmem>>) semaphore(%arg27 : memref<!tpu.dma_semaphore, #tpu.memory_space<semaphore_mem>>) {add = true}
    %dma_wait3A_206 = arith.constant 0 : i32
    %dma_wait3A_207 = arith.constant 0 : i32
    %dma_wait3A_208 = tpu.memref_slice %arg28[%dma_wait3A_206, %dma_wait3A_207] : memref<10240x128xf32, #tpu.memory_space<vmem_shared>> -> memref<10240x128xf32, #tpu.memory_space<vmem_shared>>
    tpu.wait_indirect_dma semaphore(%arg27 : memref<!tpu.dma_semaphore, #tpu.memory_space<semaphore_mem>>) src(%arg19 : memref<80x128xf32, #tpu.memory_space<vmem>>) dst(%dma_wait3A_208 : memref<10240x128xf32, #tpu.memory_space<vmem_shared>>)
    %dma_wait3A_209 = arith.constant 0 : i32
    %dma_wait3A_210 = arith.constant 0 : i32
    %dma_wait3A_211 = tpu.memref_slice %arg4[%dma_wait3A_209, %dma_wait3A_210] : memref<10000x128xf32, #tpu.memory_space<hbm>> -> memref<10000x128xf32, #tpu.memory_space<hbm>>
    tpu.wait_indirect_dma semaphore(%arg25 : memref<!tpu.dma_semaphore, #tpu.memory_space<semaphore_mem>>) src(%dma_wait3A_211 : memref<10000x128xf32, #tpu.memory_space<hbm>>) dst(%arg18 : memref<80x128xf32, #tpu.memory_space<vmem>>)
    %get3A_212 = arith.constant 0 : index
    %get3A_213 = tpu.vector_load %arg12[%get3A_212] {strides = array<i32>} : memref<80xi32, #tpu.memory_space<vmem>>, vector<16xi32>,
    %swap3A_214 = arith.constant 0 : index
    %swap3A_215 = tpu.vector_load %arg15[%swap3A_214] {strides = array<i32>} : memref<80xi32, #tpu.memory_space<vmem>>, vector<16xi32>,
    tpu.vector_store %arg15[%swap3A_214], %get3A_213 {strides = array<i32>} : memref<80xi32, #tpu.memory_space<vmem>>, vector<16xi32>,
    tpu.vector_store_idx %arg20[%get3A_213], %broadcast_in_dim3A_5 {add = true} : memref<10240xf32, #tpu.memory_space<vmem>>[vector<16xi32>], vector<16xf32>,
    %get3A_216 = arith.constant 16 : index
    %get3A_217 = tpu.vector_load %arg12[%get3A_216] {strides = array<i32>} : memref<80xi32, #tpu.memory_space<vmem>>, vector<16xi32>,
    %swap3A_218 = arith.constant 16 : index
    %swap3A_219 = tpu.vector_load %arg15[%swap3A_218] {strides = array<i32>} : memref<80xi32, #tpu.memory_space<vmem>>, vector<16xi32>,
    tpu.vector_store %arg15[%swap3A_218], %get3A_217 {strides = array<i32>} : memref<80xi32, #tpu.memory_space<vmem>>, vector<16xi32>,
    tpu.vector_store_idx %arg20[%get3A_217], %broadcast_in_dim3A_5 {add = true} : memref<10240xf32, #tpu.memory_space<vmem>>[vector<16xi32>], vector<16xf32>,
    %get3A_220 = arith.constant 32 : index
    %get3A_221 = tpu.vector_load %arg12[%get3A_220] {strides = array<i32>} : memref<80xi32, #tpu.memory_space<vmem>>, vector<16xi32>,
    %swap3A_222 = arith.constant 32 : index
    %swap3A_223 = tpu.vector_load %arg15[%swap3A_222] {strides = array<i32>} : memref<80xi32, #tpu.memory_space<vmem>>, vector<16xi32>,
    tpu.vector_store %arg15[%swap3A_222], %get3A_221 {strides = array<i32>} : memref<80xi32, #tpu.memory_space<vmem>>, vector<16xi32>,
    tpu.vector_store_idx %arg20[%get3A_221], %broadcast_in_dim3A_5 {add = true} : memref<10240xf32, #tpu.memory_space<vmem>>[vector<16xi32>], vector<16xf32>,
    %get3A_224 = arith.constant 48 : index
    %get3A_225 = tpu.vector_load %arg12[%get3A_224] {strides = array<i32>} : memref<80xi32, #tpu.memory_space<vmem>>, vector<16xi32>,
    %swap3A_226 = arith.constant 48 : index
    %swap3A_227 = tpu.vector_load %arg15[%swap3A_226] {strides = array<i32>} : memref<80xi32, #tpu.memory_space<vmem>>, vector<16xi32>,
    tpu.vector_store %arg15[%swap3A_226], %get3A_225 {strides = array<i32>} : memref<80xi32, #tpu.memory_space<vmem>>, vector<16xi32>,
    tpu.vector_store_idx %arg20[%get3A_225], %broadcast_in_dim3A_5 {add = true} : memref<10240xf32, #tpu.memory_space<vmem>>[vector<16xi32>], vector<16xf32>,
    %get3A_228 = arith.constant 64 : index
    %get3A_229 = tpu.vector_load %arg12[%get3A_228] {strides = array<i32>} : memref<80xi32, #tpu.memory_space<vmem>>, vector<16xi32>,
    %swap3A_230 = arith.constant 64 : index
    %swap3A_231 = tpu.vector_load %arg15[%swap3A_230] {strides = array<i32>} : memref<80xi32, #tpu.memory_space<vmem>>, vector<16xi32>,
    tpu.vector_store %arg15[%swap3A_230], %get3A_229 {strides = array<i32>} : memref<80xi32, #tpu.memory_space<vmem>>, vector<16xi32>,
    tpu.vector_store_idx %arg20[%get3A_229], %broadcast_in_dim3A_5 {add = true} : memref<10240xf32, #tpu.memory_space<vmem>>[vector<16xi32>], vector<16xf32>,
    %dma_start3A_232 = arith.constant 0 : i32
    %dma_start3A_233 = arith.constant 0 : i32
    %dma_start3A_234 = tpu.memref_slice %arg28[%dma_start3A_232, %dma_start3A_233] : memref<10240x128xf32, #tpu.memory_space<vmem_shared>> -> memref<10240x128xf32, #tpu.memory_space<vmem_shared>>
    tpu.enqueue_indirect_dma source(%arg18 : memref<80x128xf32, #tpu.memory_space<vmem>>) target(%dma_start3A_234 : memref<10240x128xf32, #tpu.memory_space<vmem_shared>>) offsets(%arg15 : memref<80xi32, #tpu.memory_space<vmem>>) semaphore(%arg27 : memref<!tpu.dma_semaphore, #tpu.memory_space<semaphore_mem>>) {add = true}
    %dma_wait3A_235 = arith.constant 0 : i32
    %dma_wait3A_236 = arith.constant 0 : i32
    %dma_wait3A_237 = tpu.memref_slice %arg28[%dma_wait3A_235, %dma_wait3A_236] : memref<10240x128xf32, #tpu.memory_space<vmem_shared>> -> memref<10240x128xf32, #tpu.memory_space<vmem_shared>>
    tpu.wait_indirect_dma semaphore(%arg27 : memref<!tpu.dma_semaphore, #tpu.memory_space<semaphore_mem>>) src(%arg17 : memref<80x128xf32, #tpu.memory_space<vmem>>) dst(%dma_wait3A_237 : memref<10240x128xf32, #tpu.memory_space<vmem_shared>>)
    %dma_wait3A_238 = arith.constant 0 : i32
    %dma_wait3A_239 = arith.constant 0 : i32
    %dma_wait3A_240 = tpu.memref_slice %arg28[%dma_wait3A_238, %dma_wait3A_239] : memref<10240x128xf32, #tpu.memory_space<vmem_shared>> -> memref<10240x128xf32, #tpu.memory_space<vmem_shared>>
    tpu.wait_indirect_dma semaphore(%arg27 : memref<!tpu.dma_semaphore, #tpu.memory_space<semaphore_mem>>) src(%arg18 : memref<80x128xf32, #tpu.memory_space<vmem>>) dst(%dma_wait3A_240 : memref<10240x128xf32, #tpu.memory_space<vmem_shared>>)
    %barrier3A_241 = arith.constant 0 : index
    tpu.barrier barrier_id(%barrier3A_241)
    %mul3A_242 = arith.constant 10240 : i32
    %mul3A_243 = arith.muli %arg0, %mul3A_242 : i32
    %add3A_244 = arith.addi %mul3A_243, %mul3A_2 : i32
    %scan3A_245 = arith.constant 0 : i32
    %scan3A_246 = arith.constant 0 : i32
    %scan3A_247 = arith.constant 8 : i32
    %scan3A_248 = arith.addi %scan3A_246, %scan3A_247 : i32
    %scan3A_249 = arith.constant 1 : i32
    scf.for %scan3A_253 = %scan3A_246 to %scan3A_248 step %scan3A_249  : i32 {
      %mul3A_254 = arith.constant 80 : i32
      %mul3A_255 = arith.muli %scan3A_253, %mul3A_254 : i32
      %add3A_256 = arith.addi %mul3A_2, %mul3A_255 : i32
      "tpu.region"() ({
        %run_scoped3A = tpu.sem_alloc : memref<!tpu.dma_semaphore, #tpu.memory_space<semaphore_mem>>
        %dma_start3A_260 = arith.constant 0 : i32
        %dma_start3A_261 = tpu.memref_slice %arg28[%add3A_256, %dma_start3A_260] : memref<10240x128xf32, #tpu.memory_space<vmem_shared>> -> memref<80x128xf32, #tpu.memory_space<vmem_shared>>
        %dma_start3A_262 = arith.constant 0 : i32
        %dma_start3A_263 = tpu.memref_slice %arg28[%add3A_256, %dma_start3A_262] : memref<10240x128xf32, #tpu.memory_space<vmem_shared>> -> memref<80x128xf32, #tpu.memory_space<vmem_shared>>
        tpu.enqueue_dma source(%dma_start3A_263 : memref<80x128xf32, #tpu.memory_space<vmem_shared>>) target(%arg17 : memref<80x128xf32, #tpu.memory_space<vmem>>) target_semaphore(%run_scoped3A : memref<!tpu.dma_semaphore, #tpu.memory_space<semaphore_mem>>)
        %dma_wait3A_264 = arith.constant 0 : i32
        %dma_wait3A_265 = tpu.memref_slice %arg28[%add3A_256, %dma_wait3A_264] : memref<10240x128xf32, #tpu.memory_space<vmem_shared>> -> memref<80x128xf32, #tpu.memory_space<vmem_shared>>
        %dma_wait3A_266 = arith.constant 0 : i32
        %dma_wait3A_267 = tpu.memref_slice %arg28[%add3A_256, %dma_wait3A_266] : memref<10240x128xf32, #tpu.memory_space<vmem_shared>> -> memref<80x128xf32, #tpu.memory_space<vmem_shared>>
        tpu.wait_dma2 semaphore(%run_scoped3A : memref<!tpu.dma_semaphore, #tpu.memory_space<semaphore_mem>>) src(%dma_wait3A_267 : memref<80x128xf32, #tpu.memory_space<vmem_shared>>) dst(%arg17 : memref<80x128xf32, #tpu.memory_space<vmem>>)
        tpu.yield
      }) : () -> ()
      %mul3A_257 = arith.constant 80 : i32
      %mul3A_258 = arith.muli %scan3A_253, %mul3A_257 : i32
      %add3A_259 = arith.addi %add3A_244, %mul3A_258 : i32
      "tpu.region"() ({
        %run_scoped3A = tpu.sem_alloc : memref<!tpu.dma_semaphore, #tpu.memory_space<semaphore_mem>>
        %dma_start3A_260 = arith.constant 0 : i32
        %dma_start3A_261 = tpu.memref_slice %arg6[%add3A_259, %dma_start3A_260] : memref<20480x128xf32, #tpu.memory_space<hbm>> -> memref<80x128xf32, #tpu.memory_space<hbm>>
        %dma_start3A_262 = arith.constant 0 : i32
        %dma_start3A_263 = tpu.memref_slice %arg6[%add3A_259, %dma_start3A_262] : memref<20480x128xf32, #tpu.memory_space<hbm>> -> memref<80x128xf32, #tpu.memory_space<hbm>>
        tpu.enqueue_dma source(%arg17 : memref<80x128xf32, #tpu.memory_space<vmem>>) target(%dma_start3A_263 : memref<80x128xf32, #tpu.memory_space<hbm>>) target_semaphore(%run_scoped3A : memref<!tpu.dma_semaphore, #tpu.memory_space<semaphore_mem>>)
        %dma_wait3A_264 = arith.constant 0 : i32
        %dma_wait3A_265 = tpu.memref_slice %arg6[%add3A_259, %dma_wait3A_264] : memref<20480x128xf32, #tpu.memory_space<hbm>> -> memref<80x128xf32, #tpu.memory_space<hbm>>
        %dma_wait3A_266 = arith.constant 0 : i32
        %dma_wait3A_267 = tpu.memref_slice %arg6[%add3A_259, %dma_wait3A_266] : memref<20480x128xf32, #tpu.memory_space<hbm>> -> memref<80x128xf32, #tpu.memory_space<hbm>>
        tpu.wait_dma2 semaphore(%run_scoped3A : memref<!tpu.dma_semaphore, #tpu.memory_space<semaphore_mem>>) src(%arg17 : memref<80x128xf32, #tpu.memory_space<vmem>>) dst(%dma_wait3A_267 : memref<80x128xf32, #tpu.memory_space<hbm>>)
        tpu.yield
      }) : () -> ()
    }
    %scan3A_250 = arith.constant 8 : i32
    %mul3A_251 = arith.constant 10240 : i32
    %mul3A_252 = arith.muli %add3A, %mul3A_251 : i32
    "tpu.region"() ({
      %run_scoped3A = tpu.sem_alloc : memref<!tpu.dma_semaphore, #tpu.memory_space<semaphore_mem>>
      %dma_start3A_253 = tpu.memref_slice %arg7[%mul3A_252] : memref<327680xf32, #tpu.memory_space<hbm>> -> memref<10240xf32, #tpu.memory_space<hbm>>
      %dma_start3A_254 = tpu.memref_slice %arg7[%mul3A_252] : memref<327680xf32, #tpu.memory_space<hbm>> -> memref<10240xf32, #tpu.memory_space<hbm>>
      tpu.enqueue_dma source(%arg20 : memref<10240xf32, #tpu.memory_space<vmem>>) target(%dma_start3A_254 : memref<10240xf32, #tpu.memory_space<hbm>>) target_semaphore(%run_scoped3A : memref<!tpu.dma_semaphore, #tpu.memory_space<semaphore_mem>>)
      %dma_wait3A_255 = tpu.memref_slice %arg7[%mul3A_252] : memref<327680xf32, #tpu.memory_space<hbm>> -> memref<10240xf32, #tpu.memory_space<hbm>>
      %dma_wait3A_256 = tpu.memref_slice %arg7[%mul3A_252] : memref<327680xf32, #tpu.memory_space<hbm>> -> memref<10240xf32, #tpu.memory_space<hbm>>
      tpu.wait_dma2 semaphore(%run_scoped3A : memref<!tpu.dma_semaphore, #tpu.memory_space<semaphore_mem>>) src(%arg20 : memref<10240xf32, #tpu.memory_space<vmem>>) dst(%dma_wait3A_256 : memref<10240xf32, #tpu.memory_space<hbm>>)
      tpu.yield
    }) : () -> ()
    return
  }
}

#map = affine_map<(d0, d1) -> (0, 0)>
#map1 = affine_map<(d0, d1) -> (0)>
module attributes {stable_mosaic.version = 14 : i64} {
  func.func @_gather_body(%arg0: i32, %arg1: i32, %arg2: memref<10000x128xf32, #tpu.memory_space<hbm>>, %arg3: memref<200x128xf32, #tpu.memory_space<hbm>>, %arg4: memref<51200xi32, #tpu.memory_space<hbm>>, %arg5: memref<51200xi32, #tpu.memory_space<hbm>>, %arg6: memref<1024xi32, #tpu.memory_space<hbm>>, %arg7: memref<51200x128xf32, #tpu.memory_space<hbm>>, %arg8: memref<51200x128xf32, #tpu.memory_space<hbm>>, %arg9: memref<1024x128xf32, #tpu.memory_space<hbm>>, %arg10: memref<80xi32, #tpu.memory_space<vmem>>, %arg11: memref<80xi32, #tpu.memory_space<vmem>>, %arg12: memref<80xi32, #tpu.memory_space<vmem>>, %arg13: memref<80xi32, #tpu.memory_space<vmem>>, %arg14: memref<80x128xf32, #tpu.memory_space<vmem>>, %arg15: memref<80x128xf32, #tpu.memory_space<vmem>>, %arg16: memref<80x128xf32, #tpu.memory_space<vmem>>, %arg17: memref<80x128xf32, #tpu.memory_space<vmem>>, %arg18: memref<32xi32, #tpu.memory_space<vmem>>, %arg19: memref<32x128xf32, #tpu.memory_space<vmem>>, %arg20: memref<!tpu.dma_semaphore, #tpu.memory_space<semaphore_mem>>, %arg21: memref<!tpu.dma_semaphore, #tpu.memory_space<semaphore_mem>>, %arg22: memref<!tpu.dma_semaphore, #tpu.memory_space<semaphore_mem>>, %arg23: memref<!tpu.dma_semaphore, #tpu.memory_space<semaphore_mem>>, %arg24: memref<!tpu.dma_semaphore, #tpu.memory_space<semaphore_mem>>, %arg25: memref<!tpu.dma_semaphore, #tpu.memory_space<semaphore_mem>>, %arg26: memref<!tpu.dma_semaphore, #tpu.memory_space<semaphore_mem>>, %arg27: memref<!tpu.dma_semaphore, #tpu.memory_space<semaphore_mem>>, %arg28: memref<!tpu.dma_semaphore, #tpu.memory_space<semaphore_mem>>, %arg29: memref<!tpu.dma_semaphore, #tpu.memory_space<semaphore_mem>>, %arg30: memref<!tpu.dma_semaphore, #tpu.memory_space<semaphore_mem>>) attributes {dimension_semantics = [#tpu.dimension_semantics<core_parallel>, #tpu.dimension_semantics<subcore_parallel>], iteration_bounds = array<i64: 2, 16>, scalar_prefetch = 0 : i64, scratch_operands = 21 : i64, tpu.core_type = #tpu.core_type<sc_vector_subcore>, window_params = [{transform_indices = #map}, {transform_indices = #map}, {transform_indices = #map1}, {transform_indices = #map1}, {transform_indices = #map1}, {transform_indices = #map}, {transform_indices = #map}, {transform_indices = #map}]} {
    %mul3A = arith.constant 2 : i32
    %mul3A_0 = arith.muli %arg1, %mul3A : i32
    %add3A = arith.addi %mul3A_0, %arg0 : i32
    %mul3A_1 = arith.constant 1600 : i32
    %mul3A_2 = arith.muli %add3A, %mul3A_1 : i32
    %add3A_3 = arith.constant 0 : i32
    %add3A_4 = arith.addi %mul3A_2, %add3A_3 : i32
    %dma_start3A = tpu.memref_slice %arg4[%add3A_4] : memref<51200xi32, #tpu.memory_space<hbm>> -> memref<80xi32, #tpu.memory_space<hbm>>
    %dma_start3A_5 = tpu.memref_slice %arg4[%add3A_4] : memref<51200xi32, #tpu.memory_space<hbm>> -> memref<80xi32, #tpu.memory_space<hbm>>
    tpu.enqueue_dma source(%dma_start3A_5 : memref<80xi32, #tpu.memory_space<hbm>>) target(%arg10 : memref<80xi32, #tpu.memory_space<vmem>>) target_semaphore(%arg20 : memref<!tpu.dma_semaphore, #tpu.memory_space<semaphore_mem>>)
    %add3A_6 = arith.constant 0 : i32
    %add3A_7 = arith.addi %mul3A_2, %add3A_6 : i32
    %dma_start3A_8 = tpu.memref_slice %arg5[%add3A_7] : memref<51200xi32, #tpu.memory_space<hbm>> -> memref<80xi32, #tpu.memory_space<hbm>>
    %dma_start3A_9 = tpu.memref_slice %arg5[%add3A_7] : memref<51200xi32, #tpu.memory_space<hbm>> -> memref<80xi32, #tpu.memory_space<hbm>>
    tpu.enqueue_dma source(%dma_start3A_9 : memref<80xi32, #tpu.memory_space<hbm>>) target(%arg12 : memref<80xi32, #tpu.memory_space<vmem>>) target_semaphore(%arg22 : memref<!tpu.dma_semaphore, #tpu.memory_space<semaphore_mem>>)
    %add3A_10 = arith.constant 0 : i32
    %add3A_11 = arith.addi %mul3A_2, %add3A_10 : i32
    %dma_wait3A = tpu.memref_slice %arg4[%add3A_11] : memref<51200xi32, #tpu.memory_space<hbm>> -> memref<80xi32, #tpu.memory_space<hbm>>
    %dma_wait3A_12 = tpu.memref_slice %arg4[%add3A_11] : memref<51200xi32, #tpu.memory_space<hbm>> -> memref<80xi32, #tpu.memory_space<hbm>>
    tpu.wait_dma2 semaphore(%arg20 : memref<!tpu.dma_semaphore, #tpu.memory_space<semaphore_mem>>) src(%dma_wait3A_12 : memref<80xi32, #tpu.memory_space<hbm>>) dst(%arg10 : memref<80xi32, #tpu.memory_space<vmem>>)
    %dma_start3A_13 = arith.constant 0 : i32
    %dma_start3A_14 = arith.constant 0 : i32
    %dma_start3A_15 = tpu.memref_slice %arg2[%dma_start3A_13, %dma_start3A_14] : memref<10000x128xf32, #tpu.memory_space<hbm>> -> memref<10000x128xf32, #tpu.memory_space<hbm>>
    tpu.enqueue_indirect_dma source(%dma_start3A_15 : memref<10000x128xf32, #tpu.memory_space<hbm>>) target(%arg14 : memref<80x128xf32, #tpu.memory_space<vmem>>) offsets(%arg10 : memref<80xi32, #tpu.memory_space<vmem>>) semaphore(%arg24 : memref<!tpu.dma_semaphore, #tpu.memory_space<semaphore_mem>>)
    %add3A_16 = arith.constant 0 : i32
    %add3A_17 = arith.addi %mul3A_2, %add3A_16 : i32
    %dma_wait3A_18 = tpu.memref_slice %arg5[%add3A_17] : memref<51200xi32, #tpu.memory_space<hbm>> -> memref<80xi32, #tpu.memory_space<hbm>>
    %dma_wait3A_19 = tpu.memref_slice %arg5[%add3A_17] : memref<51200xi32, #tpu.memory_space<hbm>> -> memref<80xi32, #tpu.memory_space<hbm>>
    tpu.wait_dma2 semaphore(%arg22 : memref<!tpu.dma_semaphore, #tpu.memory_space<semaphore_mem>>) src(%dma_wait3A_19 : memref<80xi32, #tpu.memory_space<hbm>>) dst(%arg12 : memref<80xi32, #tpu.memory_space<vmem>>)
    %dma_start3A_20 = arith.constant 0 : i32
    %dma_start3A_21 = arith.constant 0 : i32
    %dma_start3A_22 = tpu.memref_slice %arg3[%dma_start3A_20, %dma_start3A_21] : memref<200x128xf32, #tpu.memory_space<hbm>> -> memref<200x128xf32, #tpu.memory_space<hbm>>
    tpu.enqueue_indirect_dma source(%dma_start3A_22 : memref<200x128xf32, #tpu.memory_space<hbm>>) target(%arg16 : memref<80x128xf32, #tpu.memory_space<vmem>>) offsets(%arg12 : memref<80xi32, #tpu.memory_space<vmem>>) semaphore(%arg26 : memref<!tpu.dma_semaphore, #tpu.memory_space<semaphore_mem>>)
    %dma_wait3A_23 = arith.constant 0 : i32
    %dma_wait3A_24 = arith.constant 0 : i32
    %dma_wait3A_25 = tpu.memref_slice %arg2[%dma_wait3A_23, %dma_wait3A_24] : memref<10000x128xf32, #tpu.memory_space<hbm>> -> memref<10000x128xf32, #tpu.memory_space<hbm>>
    tpu.wait_indirect_dma semaphore(%arg24 : memref<!tpu.dma_semaphore, #tpu.memory_space<semaphore_mem>>) src(%dma_wait3A_25 : memref<10000x128xf32, #tpu.memory_space<hbm>>) dst(%arg14 : memref<80x128xf32, #tpu.memory_space<vmem>>)
    %add3A_26 = arith.constant 0 : i32
    %add3A_27 = arith.addi %mul3A_2, %add3A_26 : i32
    %dma_start3A_28 = arith.constant 0 : i32
    %dma_start3A_29 = tpu.memref_slice %arg7[%add3A_27, %dma_start3A_28] : memref<51200x128xf32, #tpu.memory_space<hbm>> -> memref<80x128xf32, #tpu.memory_space<hbm>>
    %dma_start3A_30 = arith.constant 0 : i32
    %dma_start3A_31 = tpu.memref_slice %arg7[%add3A_27, %dma_start3A_30] : memref<51200x128xf32, #tpu.memory_space<hbm>> -> memref<80x128xf32, #tpu.memory_space<hbm>>
    tpu.enqueue_dma source(%arg14 : memref<80x128xf32, #tpu.memory_space<vmem>>) target(%dma_start3A_31 : memref<80x128xf32, #tpu.memory_space<hbm>>) target_semaphore(%arg28 : memref<!tpu.dma_semaphore, #tpu.memory_space<semaphore_mem>>)
    %dma_wait3A_32 = arith.constant 0 : i32
    %dma_wait3A_33 = arith.constant 0 : i32
    %dma_wait3A_34 = tpu.memref_slice %arg3[%dma_wait3A_32, %dma_wait3A_33] : memref<200x128xf32, #tpu.memory_space<hbm>> -> memref<200x128xf32, #tpu.memory_space<hbm>>
    tpu.wait_indirect_dma semaphore(%arg26 : memref<!tpu.dma_semaphore, #tpu.memory_space<semaphore_mem>>) src(%dma_wait3A_34 : memref<200x128xf32, #tpu.memory_space<hbm>>) dst(%arg16 : memref<80x128xf32, #tpu.memory_space<vmem>>)
    %add3A_35 = arith.constant 0 : i32
    %add3A_36 = arith.addi %mul3A_2, %add3A_35 : i32
    %dma_start3A_37 = arith.constant 0 : i32
    %dma_start3A_38 = tpu.memref_slice %arg8[%add3A_36, %dma_start3A_37] : memref<51200x128xf32, #tpu.memory_space<hbm>> -> memref<80x128xf32, #tpu.memory_space<hbm>>
    %dma_start3A_39 = arith.constant 0 : i32
    %dma_start3A_40 = tpu.memref_slice %arg8[%add3A_36, %dma_start3A_39] : memref<51200x128xf32, #tpu.memory_space<hbm>> -> memref<80x128xf32, #tpu.memory_space<hbm>>
    tpu.enqueue_dma source(%arg16 : memref<80x128xf32, #tpu.memory_space<vmem>>) target(%dma_start3A_40 : memref<80x128xf32, #tpu.memory_space<hbm>>) target_semaphore(%arg29 : memref<!tpu.dma_semaphore, #tpu.memory_space<semaphore_mem>>)
    %add3A_41 = arith.constant 80 : i32
    %add3A_42 = arith.addi %mul3A_2, %add3A_41 : i32
    %dma_start3A_43 = tpu.memref_slice %arg4[%add3A_42] : memref<51200xi32, #tpu.memory_space<hbm>> -> memref<80xi32, #tpu.memory_space<hbm>>
    %dma_start3A_44 = tpu.memref_slice %arg4[%add3A_42] : memref<51200xi32, #tpu.memory_space<hbm>> -> memref<80xi32, #tpu.memory_space<hbm>>
    tpu.enqueue_dma source(%dma_start3A_44 : memref<80xi32, #tpu.memory_space<hbm>>) target(%arg11 : memref<80xi32, #tpu.memory_space<vmem>>) target_semaphore(%arg21 : memref<!tpu.dma_semaphore, #tpu.memory_space<semaphore_mem>>)
    %add3A_45 = arith.constant 80 : i32
    %add3A_46 = arith.addi %mul3A_2, %add3A_45 : i32
    %dma_start3A_47 = tpu.memref_slice %arg5[%add3A_46] : memref<51200xi32, #tpu.memory_space<hbm>> -> memref<80xi32, #tpu.memory_space<hbm>>
    %dma_start3A_48 = tpu.memref_slice %arg5[%add3A_46] : memref<51200xi32, #tpu.memory_space<hbm>> -> memref<80xi32, #tpu.memory_space<hbm>>
    tpu.enqueue_dma source(%dma_start3A_48 : memref<80xi32, #tpu.memory_space<hbm>>) target(%arg13 : memref<80xi32, #tpu.memory_space<vmem>>) target_semaphore(%arg23 : memref<!tpu.dma_semaphore, #tpu.memory_space<semaphore_mem>>)
    %add3A_49 = arith.constant 80 : i32
    %add3A_50 = arith.addi %mul3A_2, %add3A_49 : i32
    %dma_wait3A_51 = tpu.memref_slice %arg4[%add3A_50] : memref<51200xi32, #tpu.memory_space<hbm>> -> memref<80xi32, #tpu.memory_space<hbm>>
    %dma_wait3A_52 = tpu.memref_slice %arg4[%add3A_50] : memref<51200xi32, #tpu.memory_space<hbm>> -> memref<80xi32, #tpu.memory_space<hbm>>
    tpu.wait_dma2 semaphore(%arg21 : memref<!tpu.dma_semaphore, #tpu.memory_space<semaphore_mem>>) src(%dma_wait3A_52 : memref<80xi32, #tpu.memory_space<hbm>>) dst(%arg11 : memref<80xi32, #tpu.memory_space<vmem>>)
    %dma_start3A_53 = arith.constant 0 : i32
    %dma_start3A_54 = arith.constant 0 : i32
    %dma_start3A_55 = tpu.memref_slice %arg2[%dma_start3A_53, %dma_start3A_54] : memref<10000x128xf32, #tpu.memory_space<hbm>> -> memref<10000x128xf32, #tpu.memory_space<hbm>>
    tpu.enqueue_indirect_dma source(%dma_start3A_55 : memref<10000x128xf32, #tpu.memory_space<hbm>>) target(%arg15 : memref<80x128xf32, #tpu.memory_space<vmem>>) offsets(%arg11 : memref<80xi32, #tpu.memory_space<vmem>>) semaphore(%arg25 : memref<!tpu.dma_semaphore, #tpu.memory_space<semaphore_mem>>)
    %add3A_56 = arith.constant 80 : i32
    %add3A_57 = arith.addi %mul3A_2, %add3A_56 : i32
    %dma_wait3A_58 = tpu.memref_slice %arg5[%add3A_57] : memref<51200xi32, #tpu.memory_space<hbm>> -> memref<80xi32, #tpu.memory_space<hbm>>
    %dma_wait3A_59 = tpu.memref_slice %arg5[%add3A_57] : memref<51200xi32, #tpu.memory_space<hbm>> -> memref<80xi32, #tpu.memory_space<hbm>>
    tpu.wait_dma2 semaphore(%arg23 : memref<!tpu.dma_semaphore, #tpu.memory_space<semaphore_mem>>) src(%dma_wait3A_59 : memref<80xi32, #tpu.memory_space<hbm>>) dst(%arg13 : memref<80xi32, #tpu.memory_space<vmem>>)
    %dma_start3A_60 = arith.constant 0 : i32
    %dma_start3A_61 = arith.constant 0 : i32
    %dma_start3A_62 = tpu.memref_slice %arg3[%dma_start3A_60, %dma_start3A_61] : memref<200x128xf32, #tpu.memory_space<hbm>> -> memref<200x128xf32, #tpu.memory_space<hbm>>
    tpu.enqueue_indirect_dma source(%dma_start3A_62 : memref<200x128xf32, #tpu.memory_space<hbm>>) target(%arg17 : memref<80x128xf32, #tpu.memory_space<vmem>>) offsets(%arg13 : memref<80xi32, #tpu.memory_space<vmem>>) semaphore(%arg27 : memref<!tpu.dma_semaphore, #tpu.memory_space<semaphore_mem>>)
    %add3A_63 = arith.constant 0 : i32
    %add3A_64 = arith.addi %mul3A_2, %add3A_63 : i32
    %dma_wait3A_65 = arith.constant 0 : i32
    %dma_wait3A_66 = tpu.memref_slice %arg7[%add3A_64, %dma_wait3A_65] : memref<51200x128xf32, #tpu.memory_space<hbm>> -> memref<80x128xf32, #tpu.memory_space<hbm>>
    %dma_wait3A_67 = arith.constant 0 : i32
    %dma_wait3A_68 = tpu.memref_slice %arg7[%add3A_64, %dma_wait3A_67] : memref<51200x128xf32, #tpu.memory_space<hbm>> -> memref<80x128xf32, #tpu.memory_space<hbm>>
    tpu.wait_dma2 semaphore(%arg28 : memref<!tpu.dma_semaphore, #tpu.memory_space<semaphore_mem>>) src(%arg14 : memref<80x128xf32, #tpu.memory_space<vmem>>) dst(%dma_wait3A_68 : memref<80x128xf32, #tpu.memory_space<hbm>>)
    %add3A_69 = arith.constant 0 : i32
    %add3A_70 = arith.addi %mul3A_2, %add3A_69 : i32
    %dma_wait3A_71 = arith.constant 0 : i32
    %dma_wait3A_72 = tpu.memref_slice %arg8[%add3A_70, %dma_wait3A_71] : memref<51200x128xf32, #tpu.memory_space<hbm>> -> memref<80x128xf32, #tpu.memory_space<hbm>>
    %dma_wait3A_73 = arith.constant 0 : i32
    %dma_wait3A_74 = tpu.memref_slice %arg8[%add3A_70, %dma_wait3A_73] : memref<51200x128xf32, #tpu.memory_space<hbm>> -> memref<80x128xf32, #tpu.memory_space<hbm>>
    tpu.wait_dma2 semaphore(%arg29 : memref<!tpu.dma_semaphore, #tpu.memory_space<semaphore_mem>>) src(%arg16 : memref<80x128xf32, #tpu.memory_space<vmem>>) dst(%dma_wait3A_74 : memref<80x128xf32, #tpu.memory_space<hbm>>)
    %dma_wait3A_75 = arith.constant 0 : i32
    %dma_wait3A_76 = arith.constant 0 : i32
    %dma_wait3A_77 = tpu.memref_slice %arg2[%dma_wait3A_75, %dma_wait3A_76] : memref<10000x128xf32, #tpu.memory_space<hbm>> -> memref<10000x128xf32, #tpu.memory_space<hbm>>
    tpu.wait_indirect_dma semaphore(%arg25 : memref<!tpu.dma_semaphore, #tpu.memory_space<semaphore_mem>>) src(%dma_wait3A_77 : memref<10000x128xf32, #tpu.memory_space<hbm>>) dst(%arg15 : memref<80x128xf32, #tpu.memory_space<vmem>>)
    %add3A_78 = arith.constant 80 : i32
    %add3A_79 = arith.addi %mul3A_2, %add3A_78 : i32
    %dma_start3A_80 = arith.constant 0 : i32
    %dma_start3A_81 = tpu.memref_slice %arg7[%add3A_79, %dma_start3A_80] : memref<51200x128xf32, #tpu.memory_space<hbm>> -> memref<80x128xf32, #tpu.memory_space<hbm>>
    %dma_start3A_82 = arith.constant 0 : i32
    %dma_start3A_83 = tpu.memref_slice %arg7[%add3A_79, %dma_start3A_82] : memref<51200x128xf32, #tpu.memory_space<hbm>> -> memref<80x128xf32, #tpu.memory_space<hbm>>
    tpu.enqueue_dma source(%arg15 : memref<80x128xf32, #tpu.memory_space<vmem>>) target(%dma_start3A_83 : memref<80x128xf32, #tpu.memory_space<hbm>>) target_semaphore(%arg28 : memref<!tpu.dma_semaphore, #tpu.memory_space<semaphore_mem>>)
    %dma_wait3A_84 = arith.constant 0 : i32
    %dma_wait3A_85 = arith.constant 0 : i32
    %dma_wait3A_86 = tpu.memref_slice %arg3[%dma_wait3A_84, %dma_wait3A_85] : memref<200x128xf32, #tpu.memory_space<hbm>> -> memref<200x128xf32, #tpu.memory_space<hbm>>
    tpu.wait_indirect_dma semaphore(%arg27 : memref<!tpu.dma_semaphore, #tpu.memory_space<semaphore_mem>>) src(%dma_wait3A_86 : memref<200x128xf32, #tpu.memory_space<hbm>>) dst(%arg17 : memref<80x128xf32, #tpu.memory_space<vmem>>)
    %add3A_87 = arith.constant 80 : i32
    %add3A_88 = arith.addi %mul3A_2, %add3A_87 : i32
    %dma_start3A_89 = arith.constant 0 : i32
    %dma_start3A_90 = tpu.memref_slice %arg8[%add3A_88, %dma_start3A_89] : memref<51200x128xf32, #tpu.memory_space<hbm>> -> memref<80x128xf32, #tpu.memory_space<hbm>>
    %dma_start3A_91 = arith.constant 0 : i32
    %dma_start3A_92 = tpu.memref_slice %arg8[%add3A_88, %dma_start3A_91] : memref<51200x128xf32, #tpu.memory_space<hbm>> -> memref<80x128xf32, #tpu.memory_space<hbm>>
    tpu.enqueue_dma source(%arg17 : memref<80x128xf32, #tpu.memory_space<vmem>>) target(%dma_start3A_92 : memref<80x128xf32, #tpu.memory_space<hbm>>) target_semaphore(%arg29 : memref<!tpu.dma_semaphore, #tpu.memory_space<semaphore_mem>>)
    %add3A_93 = arith.constant 160 : i32
    %add3A_94 = arith.addi %mul3A_2, %add3A_93 : i32
    %dma_start3A_95 = tpu.memref_slice %arg4[%add3A_94] : memref<51200xi32, #tpu.memory_space<hbm>> -> memref<80xi32, #tpu.memory_space<hbm>>
    %dma_start3A_96 = tpu.memref_slice %arg4[%add3A_94] : memref<51200xi32, #tpu.memory_space<hbm>> -> memref<80xi32, #tpu.memory_space<hbm>>
    tpu.enqueue_dma source(%dma_start3A_96 : memref<80xi32, #tpu.memory_space<hbm>>) target(%arg10 : memref<80xi32, #tpu.memory_space<vmem>>) target_semaphore(%arg20 : memref<!tpu.dma_semaphore, #tpu.memory_space<semaphore_mem>>)
    %add3A_97 = arith.constant 160 : i32
    %add3A_98 = arith.addi %mul3A_2, %add3A_97 : i32
    %dma_start3A_99 = tpu.memref_slice %arg5[%add3A_98] : memref<51200xi32, #tpu.memory_space<hbm>> -> memref<80xi32, #tpu.memory_space<hbm>>
    %dma_start3A_100 = tpu.memref_slice %arg5[%add3A_98] : memref<51200xi32, #tpu.memory_space<hbm>> -> memref<80xi32, #tpu.memory_space<hbm>>
    tpu.enqueue_dma source(%dma_start3A_100 : memref<80xi32, #tpu.memory_space<hbm>>) target(%arg12 : memref<80xi32, #tpu.memory_space<vmem>>) target_semaphore(%arg22 : memref<!tpu.dma_semaphore, #tpu.memory_space<semaphore_mem>>)
    %scan3A = arith.constant 0 : i32
    %scan3A_101 = arith.constant 1 : i32
    %scan3A_102 = arith.constant 8 : i32
    %scan3A_103 = arith.addi %scan3A_101, %scan3A_102 : i32
    %scan3A_104 = arith.constant 1 : i32
    scf.for %scan3A_222 = %scan3A_101 to %scan3A_103 step %scan3A_104  : i32 {
      %mul3A_223 = arith.constant 2 : i32
      %mul3A_224 = arith.muli %mul3A_223, %scan3A_222 : i32
      %mul3A_225 = arith.constant 80 : i32
      %mul3A_226 = arith.muli %mul3A_224, %mul3A_225 : i32
      %add3A_227 = arith.addi %mul3A_2, %mul3A_226 : i32
      %dma_wait3A_228 = tpu.memref_slice %arg4[%add3A_227] : memref<51200xi32, #tpu.memory_space<hbm>> -> memref<80xi32, #tpu.memory_space<hbm>>
      %dma_wait3A_229 = tpu.memref_slice %arg4[%add3A_227] : memref<51200xi32, #tpu.memory_space<hbm>> -> memref<80xi32, #tpu.memory_space<hbm>>
      tpu.wait_dma2 semaphore(%arg20 : memref<!tpu.dma_semaphore, #tpu.memory_space<semaphore_mem>>) src(%dma_wait3A_229 : memref<80xi32, #tpu.memory_space<hbm>>) dst(%arg10 : memref<80xi32, #tpu.memory_space<vmem>>)
      %dma_start3A_230 = arith.constant 0 : i32
      %dma_start3A_231 = arith.constant 0 : i32
      %dma_start3A_232 = tpu.memref_slice %arg2[%dma_start3A_230, %dma_start3A_231] : memref<10000x128xf32, #tpu.memory_space<hbm>> -> memref<10000x128xf32, #tpu.memory_space<hbm>>
      tpu.enqueue_indirect_dma source(%dma_start3A_232 : memref<10000x128xf32, #tpu.memory_space<hbm>>) target(%arg14 : memref<80x128xf32, #tpu.memory_space<vmem>>) offsets(%arg10 : memref<80xi32, #tpu.memory_space<vmem>>) semaphore(%arg24 : memref<!tpu.dma_semaphore, #tpu.memory_space<semaphore_mem>>)
      %mul3A_233 = arith.constant 80 : i32
      %mul3A_234 = arith.muli %mul3A_224, %mul3A_233 : i32
      %add3A_235 = arith.addi %mul3A_2, %mul3A_234 : i32
      %dma_wait3A_236 = tpu.memref_slice %arg5[%add3A_235] : memref<51200xi32, #tpu.memory_space<hbm>> -> memref<80xi32, #tpu.memory_space<hbm>>
      %dma_wait3A_237 = tpu.memref_slice %arg5[%add3A_235] : memref<51200xi32, #tpu.memory_space<hbm>> -> memref<80xi32, #tpu.memory_space<hbm>>
      tpu.wait_dma2 semaphore(%arg22 : memref<!tpu.dma_semaphore, #tpu.memory_space<semaphore_mem>>) src(%dma_wait3A_237 : memref<80xi32, #tpu.memory_space<hbm>>) dst(%arg12 : memref<80xi32, #tpu.memory_space<vmem>>)
      %dma_start3A_238 = arith.constant 0 : i32
      %dma_start3A_239 = arith.constant 0 : i32
      %dma_start3A_240 = tpu.memref_slice %arg3[%dma_start3A_238, %dma_start3A_239] : memref<200x128xf32, #tpu.memory_space<hbm>> -> memref<200x128xf32, #tpu.memory_space<hbm>>
      tpu.enqueue_indirect_dma source(%dma_start3A_240 : memref<200x128xf32, #tpu.memory_space<hbm>>) target(%arg16 : memref<80x128xf32, #tpu.memory_space<vmem>>) offsets(%arg12 : memref<80xi32, #tpu.memory_space<vmem>>) semaphore(%arg26 : memref<!tpu.dma_semaphore, #tpu.memory_space<semaphore_mem>>)
      %sub3A = arith.constant 1 : i32
      %sub3A_241 = arith.subi %mul3A_224, %sub3A : i32
      %mul3A_242 = arith.constant 80 : i32
      %mul3A_243 = arith.muli %sub3A_241, %mul3A_242 : i32
      %add3A_244 = arith.addi %mul3A_2, %mul3A_243 : i32
      %dma_wait3A_245 = arith.constant 0 : i32
      %dma_wait3A_246 = tpu.memref_slice %arg7[%add3A_244, %dma_wait3A_245] : memref<51200x128xf32, #tpu.memory_space<hbm>> -> memref<80x128xf32, #tpu.memory_space<hbm>>
      %dma_wait3A_247 = arith.constant 0 : i32
      %dma_wait3A_248 = tpu.memref_slice %arg7[%add3A_244, %dma_wait3A_247] : memref<51200x128xf32, #tpu.memory_space<hbm>> -> memref<80x128xf32, #tpu.memory_space<hbm>>
      tpu.wait_dma2 semaphore(%arg28 : memref<!tpu.dma_semaphore, #tpu.memory_space<semaphore_mem>>) src(%arg15 : memref<80x128xf32, #tpu.memory_space<vmem>>) dst(%dma_wait3A_248 : memref<80x128xf32, #tpu.memory_space<hbm>>)
      %sub3A_249 = arith.constant 1 : i32
      %sub3A_250 = arith.subi %mul3A_224, %sub3A_249 : i32
      %mul3A_251 = arith.constant 80 : i32
      %mul3A_252 = arith.muli %sub3A_250, %mul3A_251 : i32
      %add3A_253 = arith.addi %mul3A_2, %mul3A_252 : i32
      %dma_wait3A_254 = arith.constant 0 : i32
      %dma_wait3A_255 = tpu.memref_slice %arg8[%add3A_253, %dma_wait3A_254] : memref<51200x128xf32, #tpu.memory_space<hbm>> -> memref<80x128xf32, #tpu.memory_space<hbm>>
      %dma_wait3A_256 = arith.constant 0 : i32
      %dma_wait3A_257 = tpu.memref_slice %arg8[%add3A_253, %dma_wait3A_256] : memref<51200x128xf32, #tpu.memory_space<hbm>> -> memref<80x128xf32, #tpu.memory_space<hbm>>
      tpu.wait_dma2 semaphore(%arg29 : memref<!tpu.dma_semaphore, #tpu.memory_space<semaphore_mem>>) src(%arg17 : memref<80x128xf32, #tpu.memory_space<vmem>>) dst(%dma_wait3A_257 : memref<80x128xf32, #tpu.memory_space<hbm>>)
      %dma_wait3A_258 = arith.constant 0 : i32
      %dma_wait3A_259 = arith.constant 0 : i32
      %dma_wait3A_260 = tpu.memref_slice %arg2[%dma_wait3A_258, %dma_wait3A_259] : memref<10000x128xf32, #tpu.memory_space<hbm>> -> memref<10000x128xf32, #tpu.memory_space<hbm>>
      tpu.wait_indirect_dma semaphore(%arg24 : memref<!tpu.dma_semaphore, #tpu.memory_space<semaphore_mem>>) src(%dma_wait3A_260 : memref<10000x128xf32, #tpu.memory_space<hbm>>) dst(%arg14 : memref<80x128xf32, #tpu.memory_space<vmem>>)
      %mul3A_261 = arith.constant 80 : i32
      %mul3A_262 = arith.muli %mul3A_224, %mul3A_261 : i32
      %add3A_263 = arith.addi %mul3A_2, %mul3A_262 : i32
      %dma_start3A_264 = arith.constant 0 : i32
      %dma_start3A_265 = tpu.memref_slice %arg7[%add3A_263, %dma_start3A_264] : memref<51200x128xf32, #tpu.memory_space<hbm>> -> memref<80x128xf32, #tpu.memory_space<hbm>>
      %dma_start3A_266 = arith.constant 0 : i32
      %dma_start3A_267 = tpu.memref_slice %arg7[%add3A_263, %dma_start3A_266] : memref<51200x128xf32, #tpu.memory_space<hbm>> -> memref<80x128xf32, #tpu.memory_space<hbm>>
      tpu.enqueue_dma source(%arg14 : memref<80x128xf32, #tpu.memory_space<vmem>>) target(%dma_start3A_267 : memref<80x128xf32, #tpu.memory_space<hbm>>) target_semaphore(%arg28 : memref<!tpu.dma_semaphore, #tpu.memory_space<semaphore_mem>>)
      %dma_wait3A_268 = arith.constant 0 : i32
      %dma_wait3A_269 = arith.constant 0 : i32
      %dma_wait3A_270 = tpu.memref_slice %arg3[%dma_wait3A_268, %dma_wait3A_269] : memref<200x128xf32, #tpu.memory_space<hbm>> -> memref<200x128xf32, #tpu.memory_space<hbm>>
      tpu.wait_indirect_dma semaphore(%arg26 : memref<!tpu.dma_semaphore, #tpu.memory_space<semaphore_mem>>) src(%dma_wait3A_270 : memref<200x128xf32, #tpu.memory_space<hbm>>) dst(%arg16 : memref<80x128xf32, #tpu.memory_space<vmem>>)
      %mul3A_271 = arith.constant 80 : i32
      %mul3A_272 = arith.muli %mul3A_224, %mul3A_271 : i32
      %add3A_273 = arith.addi %mul3A_2, %mul3A_272 : i32
      %dma_start3A_274 = arith.constant 0 : i32
      %dma_start3A_275 = tpu.memref_slice %arg8[%add3A_273, %dma_start3A_274] : memref<51200x128xf32, #tpu.memory_space<hbm>> -> memref<80x128xf32, #tpu.memory_space<hbm>>
      %dma_start3A_276 = arith.constant 0 : i32
      %dma_start3A_277 = tpu.memref_slice %arg8[%add3A_273, %dma_start3A_276] : memref<51200x128xf32, #tpu.memory_space<hbm>> -> memref<80x128xf32, #tpu.memory_space<hbm>>
      tpu.enqueue_dma source(%arg16 : memref<80x128xf32, #tpu.memory_space<vmem>>) target(%dma_start3A_277 : memref<80x128xf32, #tpu.memory_space<hbm>>) target_semaphore(%arg29 : memref<!tpu.dma_semaphore, #tpu.memory_space<semaphore_mem>>)
      %add3A_278 = arith.constant 1 : i32
      %add3A_279 = arith.addi %mul3A_224, %add3A_278 : i32
      %mul3A_280 = arith.constant 80 : i32
      %mul3A_281 = arith.muli %add3A_279, %mul3A_280 : i32
      %add3A_282 = arith.addi %mul3A_2, %mul3A_281 : i32
      %dma_start3A_283 = tpu.memref_slice %arg4[%add3A_282] : memref<51200xi32, #tpu.memory_space<hbm>> -> memref<80xi32, #tpu.memory_space<hbm>>
      %dma_start3A_284 = tpu.memref_slice %arg4[%add3A_282] : memref<51200xi32, #tpu.memory_space<hbm>> -> memref<80xi32, #tpu.memory_space<hbm>>
      tpu.enqueue_dma source(%dma_start3A_284 : memref<80xi32, #tpu.memory_space<hbm>>) target(%arg11 : memref<80xi32, #tpu.memory_space<vmem>>) target_semaphore(%arg21 : memref<!tpu.dma_semaphore, #tpu.memory_space<semaphore_mem>>)
      %add3A_285 = arith.constant 1 : i32
      %add3A_286 = arith.addi %mul3A_224, %add3A_285 : i32
      %mul3A_287 = arith.constant 80 : i32
      %mul3A_288 = arith.muli %add3A_286, %mul3A_287 : i32
      %add3A_289 = arith.addi %mul3A_2, %mul3A_288 : i32
      %dma_start3A_290 = tpu.memref_slice %arg5[%add3A_289] : memref<51200xi32, #tpu.memory_space<hbm>> -> memref<80xi32, #tpu.memory_space<hbm>>
      %dma_start3A_291 = tpu.memref_slice %arg5[%add3A_289] : memref<51200xi32, #tpu.memory_space<hbm>> -> memref<80xi32, #tpu.memory_space<hbm>>
      tpu.enqueue_dma source(%dma_start3A_291 : memref<80xi32, #tpu.memory_space<hbm>>) target(%arg13 : memref<80xi32, #tpu.memory_space<vmem>>) target_semaphore(%arg23 : memref<!tpu.dma_semaphore, #tpu.memory_space<semaphore_mem>>)
      %add3A_292 = arith.constant 1 : i32
      %add3A_293 = arith.addi %mul3A_224, %add3A_292 : i32
      %mul3A_294 = arith.constant 80 : i32
      %mul3A_295 = arith.muli %add3A_293, %mul3A_294 : i32
      %add3A_296 = arith.addi %mul3A_2, %mul3A_295 : i32
      %dma_wait3A_297 = tpu.memref_slice %arg4[%add3A_296] : memref<51200xi32, #tpu.memory_space<hbm>> -> memref<80xi32, #tpu.memory_space<hbm>>
      %dma_wait3A_298 = tpu.memref_slice %arg4[%add3A_296] : memref<51200xi32, #tpu.memory_space<hbm>> -> memref<80xi32, #tpu.memory_space<hbm>>
      tpu.wait_dma2 semaphore(%arg21 : memref<!tpu.dma_semaphore, #tpu.memory_space<semaphore_mem>>) src(%dma_wait3A_298 : memref<80xi32, #tpu.memory_space<hbm>>) dst(%arg11 : memref<80xi32, #tpu.memory_space<vmem>>)
      %dma_start3A_299 = arith.constant 0 : i32
      %dma_start3A_300 = arith.constant 0 : i32
      %dma_start3A_301 = tpu.memref_slice %arg2[%dma_start3A_299, %dma_start3A_300] : memref<10000x128xf32, #tpu.memory_space<hbm>> -> memref<10000x128xf32, #tpu.memory_space<hbm>>
      tpu.enqueue_indirect_dma source(%dma_start3A_301 : memref<10000x128xf32, #tpu.memory_space<hbm>>) target(%arg15 : memref<80x128xf32, #tpu.memory_space<vmem>>) offsets(%arg11 : memref<80xi32, #tpu.memory_space<vmem>>) semaphore(%arg25 : memref<!tpu.dma_semaphore, #tpu.memory_space<semaphore_mem>>)
      %mul3A_302 = arith.constant 80 : i32
      %mul3A_303 = arith.muli %add3A_293, %mul3A_302 : i32
      %add3A_304 = arith.addi %mul3A_2, %mul3A_303 : i32
      %dma_wait3A_305 = tpu.memref_slice %arg5[%add3A_304] : memref<51200xi32, #tpu.memory_space<hbm>> -> memref<80xi32, #tpu.memory_space<hbm>>
      %dma_wait3A_306 = tpu.memref_slice %arg5[%add3A_304] : memref<51200xi32, #tpu.memory_space<hbm>> -> memref<80xi32, #tpu.memory_space<hbm>>
      tpu.wait_dma2 semaphore(%arg23 : memref<!tpu.dma_semaphore, #tpu.memory_space<semaphore_mem>>) src(%dma_wait3A_306 : memref<80xi32, #tpu.memory_space<hbm>>) dst(%arg13 : memref<80xi32, #tpu.memory_space<vmem>>)
      %dma_start3A_307 = arith.constant 0 : i32
      %dma_start3A_308 = arith.constant 0 : i32
      %dma_start3A_309 = tpu.memref_slice %arg3[%dma_start3A_307, %dma_start3A_308] : memref<200x128xf32, #tpu.memory_space<hbm>> -> memref<200x128xf32, #tpu.memory_space<hbm>>
      tpu.enqueue_indirect_dma source(%dma_start3A_309 : memref<200x128xf32, #tpu.memory_space<hbm>>) target(%arg17 : memref<80x128xf32, #tpu.memory_space<vmem>>) offsets(%arg13 : memref<80xi32, #tpu.memory_space<vmem>>) semaphore(%arg27 : memref<!tpu.dma_semaphore, #tpu.memory_space<semaphore_mem>>)
      %sub3A_310 = arith.constant 1 : i32
      %sub3A_311 = arith.subi %add3A_293, %sub3A_310 : i32
      %mul3A_312 = arith.constant 80 : i32
      %mul3A_313 = arith.muli %sub3A_311, %mul3A_312 : i32
      %add3A_314 = arith.addi %mul3A_2, %mul3A_313 : i32
      %dma_wait3A_315 = arith.constant 0 : i32
      %dma_wait3A_316 = tpu.memref_slice %arg7[%add3A_314, %dma_wait3A_315] : memref<51200x128xf32, #tpu.memory_space<hbm>> -> memref<80x128xf32, #tpu.memory_space<hbm>>
      %dma_wait3A_317 = arith.constant 0 : i32
      %dma_wait3A_318 = tpu.memref_slice %arg7[%add3A_314, %dma_wait3A_317] : memref<51200x128xf32, #tpu.memory_space<hbm>> -> memref<80x128xf32, #tpu.memory_space<hbm>>
      tpu.wait_dma2 semaphore(%arg28 : memref<!tpu.dma_semaphore, #tpu.memory_space<semaphore_mem>>) src(%arg14 : memref<80x128xf32, #tpu.memory_space<vmem>>) dst(%dma_wait3A_318 : memref<80x128xf32, #tpu.memory_space<hbm>>)
      %sub3A_319 = arith.constant 1 : i32
      %sub3A_320 = arith.subi %add3A_293, %sub3A_319 : i32
      %mul3A_321 = arith.constant 80 : i32
      %mul3A_322 = arith.muli %sub3A_320, %mul3A_321 : i32
      %add3A_323 = arith.addi %mul3A_2, %mul3A_322 : i32
      %dma_wait3A_324 = arith.constant 0 : i32
      %dma_wait3A_325 = tpu.memref_slice %arg8[%add3A_323, %dma_wait3A_324] : memref<51200x128xf32, #tpu.memory_space<hbm>> -> memref<80x128xf32, #tpu.memory_space<hbm>>
      %dma_wait3A_326 = arith.constant 0 : i32
      %dma_wait3A_327 = tpu.memref_slice %arg8[%add3A_323, %dma_wait3A_326] : memref<51200x128xf32, #tpu.memory_space<hbm>> -> memref<80x128xf32, #tpu.memory_space<hbm>>
      tpu.wait_dma2 semaphore(%arg29 : memref<!tpu.dma_semaphore, #tpu.memory_space<semaphore_mem>>) src(%arg16 : memref<80x128xf32, #tpu.memory_space<vmem>>) dst(%dma_wait3A_327 : memref<80x128xf32, #tpu.memory_space<hbm>>)
      %dma_wait3A_328 = arith.constant 0 : i32
      %dma_wait3A_329 = arith.constant 0 : i32
      %dma_wait3A_330 = tpu.memref_slice %arg2[%dma_wait3A_328, %dma_wait3A_329] : memref<10000x128xf32, #tpu.memory_space<hbm>> -> memref<10000x128xf32, #tpu.memory_space<hbm>>
      tpu.wait_indirect_dma semaphore(%arg25 : memref<!tpu.dma_semaphore, #tpu.memory_space<semaphore_mem>>) src(%dma_wait3A_330 : memref<10000x128xf32, #tpu.memory_space<hbm>>) dst(%arg15 : memref<80x128xf32, #tpu.memory_space<vmem>>)
      %mul3A_331 = arith.constant 80 : i32
      %mul3A_332 = arith.muli %add3A_293, %mul3A_331 : i32
      %add3A_333 = arith.addi %mul3A_2, %mul3A_332 : i32
      %dma_start3A_334 = arith.constant 0 : i32
      %dma_start3A_335 = tpu.memref_slice %arg7[%add3A_333, %dma_start3A_334] : memref<51200x128xf32, #tpu.memory_space<hbm>> -> memref<80x128xf32, #tpu.memory_space<hbm>>
      %dma_start3A_336 = arith.constant 0 : i32
      %dma_start3A_337 = tpu.memref_slice %arg7[%add3A_333, %dma_start3A_336] : memref<51200x128xf32, #tpu.memory_space<hbm>> -> memref<80x128xf32, #tpu.memory_space<hbm>>
      tpu.enqueue_dma source(%arg15 : memref<80x128xf32, #tpu.memory_space<vmem>>) target(%dma_start3A_337 : memref<80x128xf32, #tpu.memory_space<hbm>>) target_semaphore(%arg28 : memref<!tpu.dma_semaphore, #tpu.memory_space<semaphore_mem>>)
      %dma_wait3A_338 = arith.constant 0 : i32
      %dma_wait3A_339 = arith.constant 0 : i32
      %dma_wait3A_340 = tpu.memref_slice %arg3[%dma_wait3A_338, %dma_wait3A_339] : memref<200x128xf32, #tpu.memory_space<hbm>> -> memref<200x128xf32, #tpu.memory_space<hbm>>
      tpu.wait_indirect_dma semaphore(%arg27 : memref<!tpu.dma_semaphore, #tpu.memory_space<semaphore_mem>>) src(%dma_wait3A_340 : memref<200x128xf32, #tpu.memory_space<hbm>>) dst(%arg17 : memref<80x128xf32, #tpu.memory_space<vmem>>)
      %mul3A_341 = arith.constant 80 : i32
      %mul3A_342 = arith.muli %add3A_293, %mul3A_341 : i32
      %add3A_343 = arith.addi %mul3A_2, %mul3A_342 : i32
      %dma_start3A_344 = arith.constant 0 : i32
      %dma_start3A_345 = tpu.memref_slice %arg8[%add3A_343, %dma_start3A_344] : memref<51200x128xf32, #tpu.memory_space<hbm>> -> memref<80x128xf32, #tpu.memory_space<hbm>>
      %dma_start3A_346 = arith.constant 0 : i32
      %dma_start3A_347 = tpu.memref_slice %arg8[%add3A_343, %dma_start3A_346] : memref<51200x128xf32, #tpu.memory_space<hbm>> -> memref<80x128xf32, #tpu.memory_space<hbm>>
      tpu.enqueue_dma source(%arg17 : memref<80x128xf32, #tpu.memory_space<vmem>>) target(%dma_start3A_347 : memref<80x128xf32, #tpu.memory_space<hbm>>) target_semaphore(%arg29 : memref<!tpu.dma_semaphore, #tpu.memory_space<semaphore_mem>>)
      %add3A_348 = arith.constant 1 : i32
      %add3A_349 = arith.addi %add3A_293, %add3A_348 : i32
      %mul3A_350 = arith.constant 80 : i32
      %mul3A_351 = arith.muli %add3A_349, %mul3A_350 : i32
      %add3A_352 = arith.addi %mul3A_2, %mul3A_351 : i32
      %dma_start3A_353 = tpu.memref_slice %arg4[%add3A_352] : memref<51200xi32, #tpu.memory_space<hbm>> -> memref<80xi32, #tpu.memory_space<hbm>>
      %dma_start3A_354 = tpu.memref_slice %arg4[%add3A_352] : memref<51200xi32, #tpu.memory_space<hbm>> -> memref<80xi32, #tpu.memory_space<hbm>>
      tpu.enqueue_dma source(%dma_start3A_354 : memref<80xi32, #tpu.memory_space<hbm>>) target(%arg10 : memref<80xi32, #tpu.memory_space<vmem>>) target_semaphore(%arg20 : memref<!tpu.dma_semaphore, #tpu.memory_space<semaphore_mem>>)
      %add3A_355 = arith.constant 1 : i32
      %add3A_356 = arith.addi %add3A_293, %add3A_355 : i32
      %mul3A_357 = arith.constant 80 : i32
      %mul3A_358 = arith.muli %add3A_356, %mul3A_357 : i32
      %add3A_359 = arith.addi %mul3A_2, %mul3A_358 : i32
      %dma_start3A_360 = tpu.memref_slice %arg5[%add3A_359] : memref<51200xi32, #tpu.memory_space<hbm>> -> memref<80xi32, #tpu.memory_space<hbm>>
      %dma_start3A_361 = tpu.memref_slice %arg5[%add3A_359] : memref<51200xi32, #tpu.memory_space<hbm>> -> memref<80xi32, #tpu.memory_space<hbm>>
      tpu.enqueue_dma source(%dma_start3A_361 : memref<80xi32, #tpu.memory_space<hbm>>) target(%arg12 : memref<80xi32, #tpu.memory_space<vmem>>) target_semaphore(%arg22 : memref<!tpu.dma_semaphore, #tpu.memory_space<semaphore_mem>>)
    }
    %scan3A_105 = arith.constant 8 : i32
    %add3A_106 = arith.constant 1440 : i32
    %add3A_107 = arith.addi %mul3A_2, %add3A_106 : i32
    %dma_wait3A_108 = tpu.memref_slice %arg4[%add3A_107] : memref<51200xi32, #tpu.memory_space<hbm>> -> memref<80xi32, #tpu.memory_space<hbm>>
    %dma_wait3A_109 = tpu.memref_slice %arg4[%add3A_107] : memref<51200xi32, #tpu.memory_space<hbm>> -> memref<80xi32, #tpu.memory_space<hbm>>
    tpu.wait_dma2 semaphore(%arg20 : memref<!tpu.dma_semaphore, #tpu.memory_space<semaphore_mem>>) src(%dma_wait3A_109 : memref<80xi32, #tpu.memory_space<hbm>>) dst(%arg10 : memref<80xi32, #tpu.memory_space<vmem>>)
    %dma_start3A_110 = arith.constant 0 : i32
    %dma_start3A_111 = arith.constant 0 : i32
    %dma_start3A_112 = tpu.memref_slice %arg2[%dma_start3A_110, %dma_start3A_111] : memref<10000x128xf32, #tpu.memory_space<hbm>> -> memref<10000x128xf32, #tpu.memory_space<hbm>>
    tpu.enqueue_indirect_dma source(%dma_start3A_112 : memref<10000x128xf32, #tpu.memory_space<hbm>>) target(%arg14 : memref<80x128xf32, #tpu.memory_space<vmem>>) offsets(%arg10 : memref<80xi32, #tpu.memory_space<vmem>>) semaphore(%arg24 : memref<!tpu.dma_semaphore, #tpu.memory_space<semaphore_mem>>)
    %add3A_113 = arith.constant 1440 : i32
    %add3A_114 = arith.addi %mul3A_2, %add3A_113 : i32
    %dma_wait3A_115 = tpu.memref_slice %arg5[%add3A_114] : memref<51200xi32, #tpu.memory_space<hbm>> -> memref<80xi32, #tpu.memory_space<hbm>>
    %dma_wait3A_116 = tpu.memref_slice %arg5[%add3A_114] : memref<51200xi32, #tpu.memory_space<hbm>> -> memref<80xi32, #tpu.memory_space<hbm>>
    tpu.wait_dma2 semaphore(%arg22 : memref<!tpu.dma_semaphore, #tpu.memory_space<semaphore_mem>>) src(%dma_wait3A_116 : memref<80xi32, #tpu.memory_space<hbm>>) dst(%arg12 : memref<80xi32, #tpu.memory_space<vmem>>)
    %dma_start3A_117 = arith.constant 0 : i32
    %dma_start3A_118 = arith.constant 0 : i32
    %dma_start3A_119 = tpu.memref_slice %arg3[%dma_start3A_117, %dma_start3A_118] : memref<200x128xf32, #tpu.memory_space<hbm>> -> memref<200x128xf32, #tpu.memory_space<hbm>>
    tpu.enqueue_indirect_dma source(%dma_start3A_119 : memref<200x128xf32, #tpu.memory_space<hbm>>) target(%arg16 : memref<80x128xf32, #tpu.memory_space<vmem>>) offsets(%arg12 : memref<80xi32, #tpu.memory_space<vmem>>) semaphore(%arg26 : memref<!tpu.dma_semaphore, #tpu.memory_space<semaphore_mem>>)
    %add3A_120 = arith.constant 1360 : i32
    %add3A_121 = arith.addi %mul3A_2, %add3A_120 : i32
    %dma_wait3A_122 = arith.constant 0 : i32
    %dma_wait3A_123 = tpu.memref_slice %arg7[%add3A_121, %dma_wait3A_122] : memref<51200x128xf32, #tpu.memory_space<hbm>> -> memref<80x128xf32, #tpu.memory_space<hbm>>
    %dma_wait3A_124 = arith.constant 0 : i32
    %dma_wait3A_125 = tpu.memref_slice %arg7[%add3A_121, %dma_wait3A_124] : memref<51200x128xf32, #tpu.memory_space<hbm>> -> memref<80x128xf32, #tpu.memory_space<hbm>>
    tpu.wait_dma2 semaphore(%arg28 : memref<!tpu.dma_semaphore, #tpu.memory_space<semaphore_mem>>) src(%arg15 : memref<80x128xf32, #tpu.memory_space<vmem>>) dst(%dma_wait3A_125 : memref<80x128xf32, #tpu.memory_space<hbm>>)
    %add3A_126 = arith.constant 1360 : i32
    %add3A_127 = arith.addi %mul3A_2, %add3A_126 : i32
    %dma_wait3A_128 = arith.constant 0 : i32
    %dma_wait3A_129 = tpu.memref_slice %arg8[%add3A_127, %dma_wait3A_128] : memref<51200x128xf32, #tpu.memory_space<hbm>> -> memref<80x128xf32, #tpu.memory_space<hbm>>
    %dma_wait3A_130 = arith.constant 0 : i32
    %dma_wait3A_131 = tpu.memref_slice %arg8[%add3A_127, %dma_wait3A_130] : memref<51200x128xf32, #tpu.memory_space<hbm>> -> memref<80x128xf32, #tpu.memory_space<hbm>>
    tpu.wait_dma2 semaphore(%arg29 : memref<!tpu.dma_semaphore, #tpu.memory_space<semaphore_mem>>) src(%arg17 : memref<80x128xf32, #tpu.memory_space<vmem>>) dst(%dma_wait3A_131 : memref<80x128xf32, #tpu.memory_space<hbm>>)
    %dma_wait3A_132 = arith.constant 0 : i32
    %dma_wait3A_133 = arith.constant 0 : i32
    %dma_wait3A_134 = tpu.memref_slice %arg2[%dma_wait3A_132, %dma_wait3A_133] : memref<10000x128xf32, #tpu.memory_space<hbm>> -> memref<10000x128xf32, #tpu.memory_space<hbm>>
    tpu.wait_indirect_dma semaphore(%arg24 : memref<!tpu.dma_semaphore, #tpu.memory_space<semaphore_mem>>) src(%dma_wait3A_134 : memref<10000x128xf32, #tpu.memory_space<hbm>>) dst(%arg14 : memref<80x128xf32, #tpu.memory_space<vmem>>)
    %add3A_135 = arith.constant 1440 : i32
    %add3A_136 = arith.addi %mul3A_2, %add3A_135 : i32
    %dma_start3A_137 = arith.constant 0 : i32
    %dma_start3A_138 = tpu.memref_slice %arg7[%add3A_136, %dma_start3A_137] : memref<51200x128xf32, #tpu.memory_space<hbm>> -> memref<80x128xf32, #tpu.memory_space<hbm>>
    %dma_start3A_139 = arith.constant 0 : i32
    %dma_start3A_140 = tpu.memref_slice %arg7[%add3A_136, %dma_start3A_139] : memref<51200x128xf32, #tpu.memory_space<hbm>> -> memref<80x128xf32, #tpu.memory_space<hbm>>
    tpu.enqueue_dma source(%arg14 : memref<80x128xf32, #tpu.memory_space<vmem>>) target(%dma_start3A_140 : memref<80x128xf32, #tpu.memory_space<hbm>>) target_semaphore(%arg28 : memref<!tpu.dma_semaphore, #tpu.memory_space<semaphore_mem>>)
    %dma_wait3A_141 = arith.constant 0 : i32
    %dma_wait3A_142 = arith.constant 0 : i32
    %dma_wait3A_143 = tpu.memref_slice %arg3[%dma_wait3A_141, %dma_wait3A_142] : memref<200x128xf32, #tpu.memory_space<hbm>> -> memref<200x128xf32, #tpu.memory_space<hbm>>
    tpu.wait_indirect_dma semaphore(%arg26 : memref<!tpu.dma_semaphore, #tpu.memory_space<semaphore_mem>>) src(%dma_wait3A_143 : memref<200x128xf32, #tpu.memory_space<hbm>>) dst(%arg16 : memref<80x128xf32, #tpu.memory_space<vmem>>)
    %add3A_144 = arith.constant 1440 : i32
    %add3A_145 = arith.addi %mul3A_2, %add3A_144 : i32
    %dma_start3A_146 = arith.constant 0 : i32
    %dma_start3A_147 = tpu.memref_slice %arg8[%add3A_145, %dma_start3A_146] : memref<51200x128xf32, #tpu.memory_space<hbm>> -> memref<80x128xf32, #tpu.memory_space<hbm>>
    %dma_start3A_148 = arith.constant 0 : i32
    %dma_start3A_149 = tpu.memref_slice %arg8[%add3A_145, %dma_start3A_148] : memref<51200x128xf32, #tpu.memory_space<hbm>> -> memref<80x128xf32, #tpu.memory_space<hbm>>
    tpu.enqueue_dma source(%arg16 : memref<80x128xf32, #tpu.memory_space<vmem>>) target(%dma_start3A_149 : memref<80x128xf32, #tpu.memory_space<hbm>>) target_semaphore(%arg29 : memref<!tpu.dma_semaphore, #tpu.memory_space<semaphore_mem>>)
    %add3A_150 = arith.constant 1520 : i32
    %add3A_151 = arith.addi %mul3A_2, %add3A_150 : i32
    %dma_start3A_152 = tpu.memref_slice %arg4[%add3A_151] : memref<51200xi32, #tpu.memory_space<hbm>> -> memref<80xi32, #tpu.memory_space<hbm>>
    %dma_start3A_153 = tpu.memref_slice %arg4[%add3A_151] : memref<51200xi32, #tpu.memory_space<hbm>> -> memref<80xi32, #tpu.memory_space<hbm>>
    tpu.enqueue_dma source(%dma_start3A_153 : memref<80xi32, #tpu.memory_space<hbm>>) target(%arg11 : memref<80xi32, #tpu.memory_space<vmem>>) target_semaphore(%arg21 : memref<!tpu.dma_semaphore, #tpu.memory_space<semaphore_mem>>)
    %add3A_154 = arith.constant 1520 : i32
    %add3A_155 = arith.addi %mul3A_2, %add3A_154 : i32
    %dma_start3A_156 = tpu.memref_slice %arg5[%add3A_155] : memref<51200xi32, #tpu.memory_space<hbm>> -> memref<80xi32, #tpu.memory_space<hbm>>
    %dma_start3A_157 = tpu.memref_slice %arg5[%add3A_155] : memref<51200xi32, #tpu.memory_space<hbm>> -> memref<80xi32, #tpu.memory_space<hbm>>
    tpu.enqueue_dma source(%dma_start3A_157 : memref<80xi32, #tpu.memory_space<hbm>>) target(%arg13 : memref<80xi32, #tpu.memory_space<vmem>>) target_semaphore(%arg23 : memref<!tpu.dma_semaphore, #tpu.memory_space<semaphore_mem>>)
    %add3A_158 = arith.constant 1520 : i32
    %add3A_159 = arith.addi %mul3A_2, %add3A_158 : i32
    %dma_wait3A_160 = tpu.memref_slice %arg4[%add3A_159] : memref<51200xi32, #tpu.memory_space<hbm>> -> memref<80xi32, #tpu.memory_space<hbm>>
    %dma_wait3A_161 = tpu.memref_slice %arg4[%add3A_159] : memref<51200xi32, #tpu.memory_space<hbm>> -> memref<80xi32, #tpu.memory_space<hbm>>
    tpu.wait_dma2 semaphore(%arg21 : memref<!tpu.dma_semaphore, #tpu.memory_space<semaphore_mem>>) src(%dma_wait3A_161 : memref<80xi32, #tpu.memory_space<hbm>>) dst(%arg11 : memref<80xi32, #tpu.memory_space<vmem>>)
    %dma_start3A_162 = arith.constant 0 : i32
    %dma_start3A_163 = arith.constant 0 : i32
    %dma_start3A_164 = tpu.memref_slice %arg2[%dma_start3A_162, %dma_start3A_163] : memref<10000x128xf32, #tpu.memory_space<hbm>> -> memref<10000x128xf32, #tpu.memory_space<hbm>>
    tpu.enqueue_indirect_dma source(%dma_start3A_164 : memref<10000x128xf32, #tpu.memory_space<hbm>>) target(%arg15 : memref<80x128xf32, #tpu.memory_space<vmem>>) offsets(%arg11 : memref<80xi32, #tpu.memory_space<vmem>>) semaphore(%arg25 : memref<!tpu.dma_semaphore, #tpu.memory_space<semaphore_mem>>)
    %add3A_165 = arith.constant 1520 : i32
    %add3A_166 = arith.addi %mul3A_2, %add3A_165 : i32
    %dma_wait3A_167 = tpu.memref_slice %arg5[%add3A_166] : memref<51200xi32, #tpu.memory_space<hbm>> -> memref<80xi32, #tpu.memory_space<hbm>>
    %dma_wait3A_168 = tpu.memref_slice %arg5[%add3A_166] : memref<51200xi32, #tpu.memory_space<hbm>> -> memref<80xi32, #tpu.memory_space<hbm>>
    tpu.wait_dma2 semaphore(%arg23 : memref<!tpu.dma_semaphore, #tpu.memory_space<semaphore_mem>>) src(%dma_wait3A_168 : memref<80xi32, #tpu.memory_space<hbm>>) dst(%arg13 : memref<80xi32, #tpu.memory_space<vmem>>)
    %dma_start3A_169 = arith.constant 0 : i32
    %dma_start3A_170 = arith.constant 0 : i32
    %dma_start3A_171 = tpu.memref_slice %arg3[%dma_start3A_169, %dma_start3A_170] : memref<200x128xf32, #tpu.memory_space<hbm>> -> memref<200x128xf32, #tpu.memory_space<hbm>>
    tpu.enqueue_indirect_dma source(%dma_start3A_171 : memref<200x128xf32, #tpu.memory_space<hbm>>) target(%arg17 : memref<80x128xf32, #tpu.memory_space<vmem>>) offsets(%arg13 : memref<80xi32, #tpu.memory_space<vmem>>) semaphore(%arg27 : memref<!tpu.dma_semaphore, #tpu.memory_space<semaphore_mem>>)
    %add3A_172 = arith.constant 1440 : i32
    %add3A_173 = arith.addi %mul3A_2, %add3A_172 : i32
    %dma_wait3A_174 = arith.constant 0 : i32
    %dma_wait3A_175 = tpu.memref_slice %arg7[%add3A_173, %dma_wait3A_174] : memref<51200x128xf32, #tpu.memory_space<hbm>> -> memref<80x128xf32, #tpu.memory_space<hbm>>
    %dma_wait3A_176 = arith.constant 0 : i32
    %dma_wait3A_177 = tpu.memref_slice %arg7[%add3A_173, %dma_wait3A_176] : memref<51200x128xf32, #tpu.memory_space<hbm>> -> memref<80x128xf32, #tpu.memory_space<hbm>>
    tpu.wait_dma2 semaphore(%arg28 : memref<!tpu.dma_semaphore, #tpu.memory_space<semaphore_mem>>) src(%arg14 : memref<80x128xf32, #tpu.memory_space<vmem>>) dst(%dma_wait3A_177 : memref<80x128xf32, #tpu.memory_space<hbm>>)
    %add3A_178 = arith.constant 1440 : i32
    %add3A_179 = arith.addi %mul3A_2, %add3A_178 : i32
    %dma_wait3A_180 = arith.constant 0 : i32
    %dma_wait3A_181 = tpu.memref_slice %arg8[%add3A_179, %dma_wait3A_180] : memref<51200x128xf32, #tpu.memory_space<hbm>> -> memref<80x128xf32, #tpu.memory_space<hbm>>
    %dma_wait3A_182 = arith.constant 0 : i32
    %dma_wait3A_183 = tpu.memref_slice %arg8[%add3A_179, %dma_wait3A_182] : memref<51200x128xf32, #tpu.memory_space<hbm>> -> memref<80x128xf32, #tpu.memory_space<hbm>>
    tpu.wait_dma2 semaphore(%arg29 : memref<!tpu.dma_semaphore, #tpu.memory_space<semaphore_mem>>) src(%arg16 : memref<80x128xf32, #tpu.memory_space<vmem>>) dst(%dma_wait3A_183 : memref<80x128xf32, #tpu.memory_space<hbm>>)
    %dma_wait3A_184 = arith.constant 0 : i32
    %dma_wait3A_185 = arith.constant 0 : i32
    %dma_wait3A_186 = tpu.memref_slice %arg2[%dma_wait3A_184, %dma_wait3A_185] : memref<10000x128xf32, #tpu.memory_space<hbm>> -> memref<10000x128xf32, #tpu.memory_space<hbm>>
    tpu.wait_indirect_dma semaphore(%arg25 : memref<!tpu.dma_semaphore, #tpu.memory_space<semaphore_mem>>) src(%dma_wait3A_186 : memref<10000x128xf32, #tpu.memory_space<hbm>>) dst(%arg15 : memref<80x128xf32, #tpu.memory_space<vmem>>)
    %add3A_187 = arith.constant 1520 : i32
    %add3A_188 = arith.addi %mul3A_2, %add3A_187 : i32
    %dma_start3A_189 = arith.constant 0 : i32
    %dma_start3A_190 = tpu.memref_slice %arg7[%add3A_188, %dma_start3A_189] : memref<51200x128xf32, #tpu.memory_space<hbm>> -> memref<80x128xf32, #tpu.memory_space<hbm>>
    %dma_start3A_191 = arith.constant 0 : i32
    %dma_start3A_192 = tpu.memref_slice %arg7[%add3A_188, %dma_start3A_191] : memref<51200x128xf32, #tpu.memory_space<hbm>> -> memref<80x128xf32, #tpu.memory_space<hbm>>
    tpu.enqueue_dma source(%arg15 : memref<80x128xf32, #tpu.memory_space<vmem>>) target(%dma_start3A_192 : memref<80x128xf32, #tpu.memory_space<hbm>>) target_semaphore(%arg28 : memref<!tpu.dma_semaphore, #tpu.memory_space<semaphore_mem>>)
    %dma_wait3A_193 = arith.constant 0 : i32
    %dma_wait3A_194 = arith.constant 0 : i32
    %dma_wait3A_195 = tpu.memref_slice %arg3[%dma_wait3A_193, %dma_wait3A_194] : memref<200x128xf32, #tpu.memory_space<hbm>> -> memref<200x128xf32, #tpu.memory_space<hbm>>
    tpu.wait_indirect_dma semaphore(%arg27 : memref<!tpu.dma_semaphore, #tpu.memory_space<semaphore_mem>>) src(%dma_wait3A_195 : memref<200x128xf32, #tpu.memory_space<hbm>>) dst(%arg17 : memref<80x128xf32, #tpu.memory_space<vmem>>)
    %add3A_196 = arith.constant 1520 : i32
    %add3A_197 = arith.addi %mul3A_2, %add3A_196 : i32
    %dma_start3A_198 = arith.constant 0 : i32
    %dma_start3A_199 = tpu.memref_slice %arg8[%add3A_197, %dma_start3A_198] : memref<51200x128xf32, #tpu.memory_space<hbm>> -> memref<80x128xf32, #tpu.memory_space<hbm>>
    %dma_start3A_200 = arith.constant 0 : i32
    %dma_start3A_201 = tpu.memref_slice %arg8[%add3A_197, %dma_start3A_200] : memref<51200x128xf32, #tpu.memory_space<hbm>> -> memref<80x128xf32, #tpu.memory_space<hbm>>
    tpu.enqueue_dma source(%arg17 : memref<80x128xf32, #tpu.memory_space<vmem>>) target(%dma_start3A_201 : memref<80x128xf32, #tpu.memory_space<hbm>>) target_semaphore(%arg29 : memref<!tpu.dma_semaphore, #tpu.memory_space<semaphore_mem>>)
    %add3A_202 = arith.constant 1520 : i32
    %add3A_203 = arith.addi %mul3A_2, %add3A_202 : i32
    %dma_wait3A_204 = arith.constant 0 : i32
    %dma_wait3A_205 = tpu.memref_slice %arg7[%add3A_203, %dma_wait3A_204] : memref<51200x128xf32, #tpu.memory_space<hbm>> -> memref<80x128xf32, #tpu.memory_space<hbm>>
    %dma_wait3A_206 = arith.constant 0 : i32
    %dma_wait3A_207 = tpu.memref_slice %arg7[%add3A_203, %dma_wait3A_206] : memref<51200x128xf32, #tpu.memory_space<hbm>> -> memref<80x128xf32, #tpu.memory_space<hbm>>
    tpu.wait_dma2 semaphore(%arg28 : memref<!tpu.dma_semaphore, #tpu.memory_space<semaphore_mem>>) src(%arg15 : memref<80x128xf32, #tpu.memory_space<vmem>>) dst(%dma_wait3A_207 : memref<80x128xf32, #tpu.memory_space<hbm>>)
    %add3A_208 = arith.constant 1520 : i32
    %add3A_209 = arith.addi %mul3A_2, %add3A_208 : i32
    %dma_wait3A_210 = arith.constant 0 : i32
    %dma_wait3A_211 = tpu.memref_slice %arg8[%add3A_209, %dma_wait3A_210] : memref<51200x128xf32, #tpu.memory_space<hbm>> -> memref<80x128xf32, #tpu.memory_space<hbm>>
    %dma_wait3A_212 = arith.constant 0 : i32
    %dma_wait3A_213 = tpu.memref_slice %arg8[%add3A_209, %dma_wait3A_212] : memref<51200x128xf32, #tpu.memory_space<hbm>> -> memref<80x128xf32, #tpu.memory_space<hbm>>
    tpu.wait_dma2 semaphore(%arg29 : memref<!tpu.dma_semaphore, #tpu.memory_space<semaphore_mem>>) src(%arg17 : memref<80x128xf32, #tpu.memory_space<vmem>>) dst(%dma_wait3A_213 : memref<80x128xf32, #tpu.memory_space<hbm>>)
    %mul3A_214 = arith.constant 32 : i32
    %mul3A_215 = arith.muli %add3A, %mul3A_214 : i32
    "tpu.region"() ({
      %run_scoped3A = tpu.sem_alloc : memref<!tpu.dma_semaphore, #tpu.memory_space<semaphore_mem>>
      %dma_start3A_222 = tpu.memref_slice %arg6[%mul3A_215] : memref<1024xi32, #tpu.memory_space<hbm>> -> memref<32xi32, #tpu.memory_space<hbm>>
      %dma_start3A_223 = tpu.memref_slice %arg6[%mul3A_215] : memref<1024xi32, #tpu.memory_space<hbm>> -> memref<32xi32, #tpu.memory_space<hbm>>
      tpu.enqueue_dma source(%dma_start3A_223 : memref<32xi32, #tpu.memory_space<hbm>>) target(%arg18 : memref<32xi32, #tpu.memory_space<vmem>>) target_semaphore(%run_scoped3A : memref<!tpu.dma_semaphore, #tpu.memory_space<semaphore_mem>>)
      %dma_wait3A_224 = tpu.memref_slice %arg6[%mul3A_215] : memref<1024xi32, #tpu.memory_space<hbm>> -> memref<32xi32, #tpu.memory_space<hbm>>
      %dma_wait3A_225 = tpu.memref_slice %arg6[%mul3A_215] : memref<1024xi32, #tpu.memory_space<hbm>> -> memref<32xi32, #tpu.memory_space<hbm>>
      tpu.wait_dma2 semaphore(%run_scoped3A : memref<!tpu.dma_semaphore, #tpu.memory_space<semaphore_mem>>) src(%dma_wait3A_225 : memref<32xi32, #tpu.memory_space<hbm>>) dst(%arg18 : memref<32xi32, #tpu.memory_space<vmem>>)
      tpu.yield
    }) : () -> ()
    %dma_start3A_216 = arith.constant 0 : i32
    %dma_start3A_217 = arith.constant 0 : i32
    %dma_start3A_218 = tpu.memref_slice %arg2[%dma_start3A_216, %dma_start3A_217] : memref<10000x128xf32, #tpu.memory_space<hbm>> -> memref<10000x128xf32, #tpu.memory_space<hbm>>
    tpu.enqueue_indirect_dma source(%dma_start3A_218 : memref<10000x128xf32, #tpu.memory_space<hbm>>) target(%arg19 : memref<32x128xf32, #tpu.memory_space<vmem>>) offsets(%arg18 : memref<32xi32, #tpu.memory_space<vmem>>) semaphore(%arg30 : memref<!tpu.dma_semaphore, #tpu.memory_space<semaphore_mem>>)
    %dma_wait3A_219 = arith.constant 0 : i32
    %dma_wait3A_220 = arith.constant 0 : i32
    %dma_wait3A_221 = tpu.memref_slice %arg2[%dma_wait3A_219, %dma_wait3A_220] : memref<10000x128xf32, #tpu.memory_space<hbm>> -> memref<10000x128xf32, #tpu.memory_space<hbm>>
    tpu.wait_indirect_dma semaphore(%arg30 : memref<!tpu.dma_semaphore, #tpu.memory_space<semaphore_mem>>) src(%dma_wait3A_221 : memref<10000x128xf32, #tpu.memory_space<hbm>>) dst(%arg19 : memref<32x128xf32, #tpu.memory_space<vmem>>)
    "tpu.region"() ({
      %run_scoped3A = tpu.sem_alloc : memref<!tpu.dma_semaphore, #tpu.memory_space<semaphore_mem>>
      %dma_start3A_222 = arith.constant 0 : i32
      %dma_start3A_223 = tpu.memref_slice %arg9[%mul3A_215, %dma_start3A_222] : memref<1024x128xf32, #tpu.memory_space<hbm>> -> memref<32x128xf32, #tpu.memory_space<hbm>>
      %dma_start3A_224 = arith.constant 0 : i32
      %dma_start3A_225 = tpu.memref_slice %arg9[%mul3A_215, %dma_start3A_224] : memref<1024x128xf32, #tpu.memory_space<hbm>> -> memref<32x128xf32, #tpu.memory_space<hbm>>
      tpu.enqueue_dma source(%arg19 : memref<32x128xf32, #tpu.memory_space<vmem>>) target(%dma_start3A_225 : memref<32x128xf32, #tpu.memory_space<hbm>>) target_semaphore(%run_scoped3A : memref<!tpu.dma_semaphore, #tpu.memory_space<semaphore_mem>>)
      %dma_wait3A_226 = arith.constant 0 : i32
      %dma_wait3A_227 = tpu.memref_slice %arg9[%mul3A_215, %dma_wait3A_226] : memref<1024x128xf32, #tpu.memory_space<hbm>> -> memref<32x128xf32, #tpu.memory_space<hbm>>
      %dma_wait3A_228 = arith.constant 0 : i32
      %dma_wait3A_229 = tpu.memref_slice %arg9[%mul3A_215, %dma_wait3A_228] : memref<1024x128xf32, #tpu.memory_space<hbm>> -> memref<32x128xf32, #tpu.memory_space<hbm>>
      tpu.wait_dma2 semaphore(%run_scoped3A : memref<!tpu.dma_semaphore, #tpu.memory_space<semaphore_mem>>) src(%arg19 : memref<32x128xf32, #tpu.memory_space<vmem>>) dst(%dma_wait3A_229 : memref<32x128xf32, #tpu.memory_space<hbm>>)
      tpu.yield
    }) : () -> ()
    return
  }
}

module attributes {stable_mosaic.version = 14 : i64} {
  func.func @_sage_body(%arg0: i32, %arg1: memref<400x128xf32, #tpu.memory_space<vmem>>, %arg2: memref<2x400x128xf32, #tpu.memory_space<vmem>>, %arg3: memref<32x400x1xf32, #tpu.memory_space<vmem>>, %arg4: memref<128x128xf32, #tpu.memory_space<vmem>>, %arg5: memref<128x128xf32, #tpu.memory_space<vmem>>, %arg6: memref<1x128xf32, #tpu.memory_space<vmem>>, %arg7: memref<400x128xf32, #tpu.memory_space<vmem>>) attributes {dimension_semantics = [#tpu.dimension_semantics<arbitrary>], iteration_bounds = array<i64: 25>, scalar_prefetch = 0 : i64, scratch_operands = 0 : i64, tpu.core_type = #tpu.core_type<tc>, window_params = [{transform_indices = @transform_0, window_bounds = array<i64: 400, 128>}, {transform_indices = @transform_1, window_bounds = array<i64: 2, 400, 128>}, {transform_indices = @transform_2, window_bounds = array<i64: 32, 400, 1>}, {pipeline_mode = #tpu.pipeline_mode<synchronous>, transform_indices = @transform_3, window_bounds = array<i64: 128, 128>}, {pipeline_mode = #tpu.pipeline_mode<synchronous>, transform_indices = @transform_4, window_bounds = array<i64: 128, 128>}, {pipeline_mode = #tpu.pipeline_mode<synchronous>, transform_indices = @transform_5, window_bounds = array<i64: 1, 128>}, {transform_indices = @transform_6, window_bounds = array<i64: 400, 128>}]} {
    %get3A = arith.constant 0 : index
    %get3A_0 = arith.constant 0 : index
    %get3A_1 = vector.load %arg1[%get3A, %get3A_0] : memref<400x128xf32, #tpu.memory_space<vmem>>, vector<400x128xf32>
    %get3A_2 = arith.constant 0 : index
    %get3A_3 = arith.constant 0 : index
    %get3A_4 = arith.constant 0 : index
    %get3A_5 = vector.load %arg2[%get3A_2, %get3A_3, %get3A_4] : memref<2x400x128xf32, #tpu.memory_space<vmem>>, vector<1x400x128xf32>
    %get3A_6 = vector.shape_cast %get3A_5 : vector<1x400x128xf32> to vector<400x128xf32>
    %get3A_7 = arith.constant 1 : index
    %get3A_8 = arith.constant 0 : index
    %get3A_9 = arith.constant 0 : index
    %get3A_10 = vector.load %arg2[%get3A_7, %get3A_8, %get3A_9] : memref<2x400x128xf32, #tpu.memory_space<vmem>>, vector<1x400x128xf32>
    %get3A_11 = vector.shape_cast %get3A_10 : vector<1x400x128xf32> to vector<400x128xf32>
    %add3A = arith.addf %get3A_6, %get3A_11 : vector<400x128xf32>
    %get3A_12 = arith.constant 0 : index
    %get3A_13 = arith.constant 0 : index
    %get3A_14 = arith.constant 0 : index
    %get3A_15 = vector.load %arg3[%get3A_12, %get3A_13, %get3A_14] : memref<32x400x1xf32, #tpu.memory_space<vmem>>, vector<32x400x1xf32>
    %reduce_sum3A = arith.constant dense<0.000000e+00> : vector<400x1xf32>
    %reduce_sum3A_16 = vector.multi_reduction <add>, %get3A_15, %reduce_sum3A [0] : vector<32x400x1xf32> to vector<400x1xf32>
    %max3A = arith.constant 1.000000e+00 : f32
    %max3A_17 = vector.broadcast %max3A : f32 to vector<400x1xf32>
    %max3A_18 = arith.maximumf %reduce_sum3A_16, %max3A_17 : vector<400x1xf32>
    %div3A = vector.broadcast %max3A_18 : vector<400x1xf32> to vector<400x128xf32>
    %div3A_19 = arith.divf %add3A, %div3A : vector<400x128xf32>
    %get3A_20 = arith.constant 0 : index
    %get3A_21 = arith.constant 0 : index
    %get3A_22 = vector.load %arg4[%get3A_20, %get3A_21] : memref<128x128xf32, #tpu.memory_space<vmem>>, vector<128x128xf32>
    %dot_general3A = arith.constant dense<0.000000e+00> : vector<400x128xf32>
    %dot_general3A_23 = tpu.matmul %get3A_1, %get3A_22, %dot_general3A {dimension_numbers = #tpu.dot_dimension_numbers<[1], [0], [0], [1], [0, 0, 1, 1], [], []>, transpose_lhs_hint = false} : vector<400x128xf32>, vector<128x128xf32>, vector<400x128xf32> -> vector<400x128xf32>
    %get3A_24 = arith.constant 0 : index
    %get3A_25 = arith.constant 0 : index
    %get3A_26 = vector.load %arg5[%get3A_24, %get3A_25] : memref<128x128xf32, #tpu.memory_space<vmem>>, vector<128x128xf32>
    %dot_general3A_27 = arith.constant dense<0.000000e+00> : vector<400x128xf32>
    %dot_general3A_28 = tpu.matmul %div3A_19, %get3A_26, %dot_general3A_27 {dimension_numbers = #tpu.dot_dimension_numbers<[1], [0], [0], [1], [0, 0, 1, 1], [], []>, transpose_lhs_hint = false} : vector<400x128xf32>, vector<128x128xf32>, vector<400x128xf32> -> vector<400x128xf32>
    %add3A_29 = arith.addf %dot_general3A_23, %dot_general3A_28 : vector<400x128xf32>
    %get3A_30 = arith.constant 0 : index
    %get3A_31 = arith.constant 0 : index
    %get3A_32 = vector.load %arg6[%get3A_30, %get3A_31] : memref<1x128xf32, #tpu.memory_space<vmem>>, vector<1x128xf32>
    %add3A_33 = vector.broadcast %get3A_32 : vector<1x128xf32> to vector<400x128xf32>
    %add3A_34 = arith.addf %add3A_29, %add3A_33 : vector<400x128xf32>
    %max3A_35 = arith.constant 0.000000e+00 : f32
    %max3A_36 = vector.broadcast %max3A_35 : f32 to vector<400x128xf32>
    %max3A_37 = arith.maximumf %add3A_34, %max3A_36 : vector<400x128xf32>
    %add3A_38 = arith.addf %max3A_37, %get3A_1 : vector<400x128xf32>
    %mul3A = arith.constant 5.000000e-01 : f32
    %mul3A_39 = vector.broadcast %mul3A : f32 to vector<400x128xf32>
    %mul3A_40 = arith.mulf %mul3A_39, %add3A_38 : vector<400x128xf32>
    %swap3A = arith.constant 0 : index
    %swap3A_41 = arith.constant 0 : index
    %swap3A_42 = vector.load %arg7[%swap3A, %swap3A_41] : memref<400x128xf32, #tpu.memory_space<vmem>>, vector<400x128xf32>
    tpu.vector_store %arg7[%swap3A, %swap3A_41], %mul3A_40 {strides = array<i32>} : memref<400x128xf32, #tpu.memory_space<vmem>>, vector<400x128xf32>,
    return
  }
  func.func @transform_0(%arg0: i32) -> (i32, i32) {
    %c0_i32 = arith.constant 0 : i32
    %c0_i32_0 = arith.constant 0 : i32
    return %arg0, %c0_i32 : i32, i32
  }
  func.func @transform_1(%arg0: i32) -> (i32, i32, i32) {
    %c0_i32 = arith.constant 0 : i32
    %c0_i32_0 = arith.constant 0 : i32
    %c0_i32_1 = arith.constant 0 : i32
    return %c0_i32, %arg0, %c0_i32_0 : i32, i32, i32
  }
  func.func @transform_2(%arg0: i32) -> (i32, i32, i32) {
    %c0_i32 = arith.constant 0 : i32
    %c0_i32_0 = arith.constant 0 : i32
    %c0_i32_1 = arith.constant 0 : i32
    return %c0_i32, %arg0, %c0_i32_0 : i32, i32, i32
  }
  func.func @transform_3(%arg0: i32) -> (i32, i32) {
    %c0_i32 = arith.constant 0 : i32
    %c0_i32_0 = arith.constant 0 : i32
    %c0_i32_1 = arith.constant 0 : i32
    return %c0_i32, %c0_i32_0 : i32, i32
  }
  func.func @transform_4(%arg0: i32) -> (i32, i32) {
    %c0_i32 = arith.constant 0 : i32
    %c0_i32_0 = arith.constant 0 : i32
    %c0_i32_1 = arith.constant 0 : i32
    return %c0_i32, %c0_i32_0 : i32, i32
  }
  func.func @transform_5(%arg0: i32) -> (i32, i32) {
    %c0_i32 = arith.constant 0 : i32
    %c0_i32_0 = arith.constant 0 : i32
    %c0_i32_1 = arith.constant 0 : i32
    return %c0_i32, %c0_i32_0 : i32, i32
  }
  func.func @transform_6(%arg0: i32) -> (i32, i32) {
    %c0_i32 = arith.constant 0 : i32
    %c0_i32_0 = arith.constant 0 : i32
    return %arg0, %c0_i32 : i32, i32
  }
}

module attributes {stable_mosaic.version = 14 : i64} {
  func.func @_attn_body(%arg0: i32, %arg1: memref<400x128xf32, #tpu.memory_space<vmem>>, %arg2: memref<400x128xf32, #tpu.memory_space<vmem>>, %arg3: memref<400x1xf32, #tpu.memory_space<vmem>>, %arg4: memref<8x128xf32, #tpu.memory_space<vmem>>, %arg5: memref<128x128xf32, #tpu.memory_space<vmem>>, %arg6: memref<128x128xf32, #tpu.memory_space<vmem>>, %arg7: memref<128x128xf32, #tpu.memory_space<vmem>>, %arg8: memref<1x128xf32, #tpu.memory_space<vmem>>, %arg9: memref<128x128xf32, #tpu.memory_space<vmem>>, %arg10: memref<1x128xf32, #tpu.memory_space<vmem>>, %arg11: memref<128x128xf32, #tpu.memory_space<vmem>>, %arg12: memref<128x128xf32, #tpu.memory_space<vmem>>, %arg13: memref<1x128xf32, #tpu.memory_space<vmem>>, %arg14: memref<128x128xf32, #tpu.memory_space<vmem>>, %arg15: memref<1x128xf32, #tpu.memory_space<vmem>>, %arg16: memref<1x128xf32, #tpu.memory_space<vmem>>, %arg17: memref<1x128xf32, #tpu.memory_space<vmem>>, %arg18: memref<1x128xf32, #tpu.memory_space<vmem>>, %arg19: memref<8x128xf32, #tpu.memory_space<vmem>>) attributes {dimension_semantics = [#tpu.dimension_semantics<arbitrary>], iteration_bounds = array<i64: 128>, scalar_prefetch = 0 : i64, scratch_operands = 0 : i64, tpu.core_type = #tpu.core_type<tc>, window_params = [{transform_indices = @transform_0, window_bounds = array<i64: 400, 128>}, {transform_indices = @transform_1, window_bounds = array<i64: 400, 128>}, {transform_indices = @transform_2, window_bounds = array<i64: 400, 1>}, {transform_indices = @transform_3, window_bounds = array<i64: 8, 128>}, {pipeline_mode = #tpu.pipeline_mode<synchronous>, transform_indices = @transform_4, window_bounds = array<i64: 128, 128>}, {pipeline_mode = #tpu.pipeline_mode<synchronous>, transform_indices = @transform_5, window_bounds = array<i64: 128, 128>}, {pipeline_mode = #tpu.pipeline_mode<synchronous>, transform_indices = @transform_6, window_bounds = array<i64: 128, 128>}, {pipeline_mode = #tpu.pipeline_mode<synchronous>, transform_indices = @transform_7, window_bounds = array<i64: 1, 128>}, {pipeline_mode = #tpu.pipeline_mode<synchronous>, transform_indices = @transform_8, window_bounds = array<i64: 128, 128>}, {pipeline_mode = #tpu.pipeline_mode<synchronous>, transform_indices = @transform_9, window_bounds = array<i64: 1, 128>}, {pipeline_mode = #tpu.pipeline_mode<synchronous>, transform_indices = @transform_10, window_bounds = array<i64: 128, 128>}, {pipeline_mode = #tpu.pipeline_mode<synchronous>, transform_indices = @transform_11, window_bounds = array<i64: 128, 128>}, {pipeline_mode = #tpu.pipeline_mode<synchronous>, transform_indices = @transform_12, window_bounds = array<i64: 1, 128>}, {pipeline_mode = #tpu.pipeline_mode<synchronous>, transform_indices = @transform_13, window_bounds = array<i64: 128, 128>}, {pipeline_mode = #tpu.pipeline_mode<synchronous>, transform_indices = @transform_14, window_bounds = array<i64: 1, 128>}, {pipeline_mode = #tpu.pipeline_mode<synchronous>, transform_indices = @transform_15, window_bounds = array<i64: 1, 128>}, {pipeline_mode = #tpu.pipeline_mode<synchronous>, transform_indices = @transform_16, window_bounds = array<i64: 1, 128>}, {pipeline_mode = #tpu.pipeline_mode<synchronous>, transform_indices = @transform_17, window_bounds = array<i64: 1, 128>}, {transform_indices = @transform_18, window_bounds = array<i64: 8, 128>}]} {
    %get3A = arith.constant 0 : index
    %get3A_0 = arith.constant 0 : index
    %get3A_1 = vector.load %arg1[%get3A, %get3A_0] : memref<400x128xf32, #tpu.memory_space<vmem>>, vector<400x128xf32>
    %get3A_2 = arith.constant 0 : index
    %get3A_3 = arith.constant 0 : index
    %get3A_4 = vector.load %arg2[%get3A_2, %get3A_3] : memref<400x128xf32, #tpu.memory_space<vmem>>, vector<400x128xf32>
    %get3A_5 = arith.constant 0 : index
    %get3A_6 = arith.constant 0 : index
    %get3A_7 = vector.load %arg3[%get3A_5, %get3A_6] : memref<400x1xf32, #tpu.memory_space<vmem>>, vector<400x1xf32>
    %get3A_8 = arith.constant 0 : index
    %get3A_9 = arith.constant 0 : index
    %get3A_10 = vector.load %arg4[%get3A_8, %get3A_9] : memref<8x128xf32, #tpu.memory_space<vmem>>, vector<8x128xf32>
    %iota3A = tpu.iota {dimensions = array<i32: 0>} : vector<400x8xi32>
    %jit3A = arith.constant 50 : i32
    %div3A = vector.broadcast %jit3A : i32 to vector<400x8xi32>
    %div3A_11 = arith.divsi %iota3A, %div3A : vector<400x8xi32>
    %sign3A = arith.constant 0 : i32
    %sign3A_12 = vector.broadcast %sign3A : i32 to vector<400x8xi32>
    %sign3A_13 = arith.cmpi sgt, %iota3A, %sign3A_12 : vector<400x8xi32>
    %sign3A_14 = arith.extui %sign3A_13 : vector<400x8xi1> to vector<400x8xi32>
    %sign3A_15 = arith.constant 0 : i32
    %sign3A_16 = vector.broadcast %sign3A_15 : i32 to vector<400x8xi32>
    %sign3A_17 = arith.cmpi slt, %iota3A, %sign3A_16 : vector<400x8xi32>
    %sign3A_18 = arith.extui %sign3A_17 : vector<400x8xi1> to vector<400x8xi32>
    %sign3A_19 = arith.subi %sign3A_14, %sign3A_18 : vector<400x8xi32>
    %sign3A_20 = arith.constant 0 : i32
    %sign3A_21 = arith.cmpi sgt, %jit3A, %sign3A_20 : i32
    %sign3A_22 = arith.extui %sign3A_21 : i1 to i32
    %sign3A_23 = arith.constant 0 : i32
    %sign3A_24 = arith.cmpi slt, %jit3A, %sign3A_23 : i32
    %sign3A_25 = arith.extui %sign3A_24 : i1 to i32
    %sign3A_26 = arith.subi %sign3A_22, %sign3A_25 : i32
    %ne3A = vector.broadcast %sign3A_26 : i32 to vector<400x8xi32>
    %ne3A_27 = arith.cmpi ne, %sign3A_19, %ne3A : vector<400x8xi32>
    %rem3A = vector.broadcast %jit3A : i32 to vector<400x8xi32>
    %rem3A_28 = arith.remsi %iota3A, %rem3A : vector<400x8xi32>
    %ne3A_29 = arith.constant 0 : i32
    %ne3A_30 = vector.broadcast %ne3A_29 : i32 to vector<400x8xi32>
    %ne3A_31 = arith.cmpi ne, %rem3A_28, %ne3A_30 : vector<400x8xi32>
    %and3A = arith.andi %ne3A_27, %ne3A_31 : vector<400x8xi1>
    %sub3A = arith.constant 1 : i32
    %sub3A_32 = vector.broadcast %sub3A : i32 to vector<400x8xi32>
    %sub3A_33 = arith.subi %div3A_11, %sub3A_32 : vector<400x8xi32>
    %select_n3A = arith.select %and3A, %sub3A_33, %div3A_11 : vector<400x8xi1>, vector<400x8xi32>
    %iota3A_34 = tpu.iota {dimensions = array<i32: 1>} : vector<400x8xi32>
    %eq3A = arith.cmpi eq, %select_n3A, %iota3A_34 : vector<400x8xi32>
    %convert_element_type3A = arith.extui %eq3A : vector<400x8xi1> to vector<400x8xi32>
    %convert_element_type3A_35 = arith.sitofp %convert_element_type3A : vector<400x8xi32> to vector<400x8xf32>
    %mul3A = vector.broadcast %get3A_7 : vector<400x1xf32> to vector<400x128xf32>
    %mul3A_36 = arith.mulf %get3A_1, %mul3A : vector<400x128xf32>
    %dot_general3A = arith.constant dense<0.000000e+00> : vector<8x128xf32>
    %dot_general3A_37 = tpu.matmul %convert_element_type3A_35, %mul3A_36, %dot_general3A {dimension_numbers = #tpu.dot_dimension_numbers<[0], [0], [1], [1], [0, 1, 1, 1], [], []>, transpose_lhs_hint = false} : vector<400x8xf32>, vector<400x128xf32>, vector<8x128xf32> -> vector<8x128xf32>
    %dot_general3A_38 = arith.constant dense<0.000000e+00> : vector<8x1xf32>
    %dot_general3A_39 = tpu.matmul %convert_element_type3A_35, %get3A_7, %dot_general3A_38 {dimension_numbers = #tpu.dot_dimension_numbers<[0], [0], [1], [1], [0, 1, 1, 1], [], []>, transpose_lhs_hint = false} : vector<400x8xf32>, vector<400x1xf32>, vector<8x1xf32> -> vector<8x1xf32>
    %div3A_40 = vector.broadcast %dot_general3A_39 : vector<8x1xf32> to vector<8x128xf32>
    %div3A_41 = arith.divf %dot_general3A_37, %div3A_40 : vector<8x128xf32>
    %get3A_42 = arith.constant 0 : index
    %get3A_43 = arith.constant 0 : index
    %get3A_44 = vector.load %arg9[%get3A_42, %get3A_43] : memref<128x128xf32, #tpu.memory_space<vmem>>, vector<128x128xf32>
    %dot_general3A_45 = arith.constant dense<0.000000e+00> : vector<8x128xf32>
    %dot_general3A_46 = tpu.matmul %div3A_41, %get3A_44, %dot_general3A_45 {dimension_numbers = #tpu.dot_dimension_numbers<[1], [0], [0], [1], [0, 0, 1, 1], [], []>, transpose_lhs_hint = false} : vector<8x128xf32>, vector<128x128xf32>, vector<8x128xf32> -> vector<8x128xf32>
    %dot_general3A_47 = arith.constant dense<0.000000e+00> : vector<400x128xf32>
    %dot_general3A_48 = tpu.matmul %convert_element_type3A_35, %dot_general3A_46, %dot_general3A_47 {dimension_numbers = #tpu.dot_dimension_numbers<[1], [0], [0], [1], [0, 0, 1, 1], [], []>, transpose_lhs_hint = false} : vector<400x8xf32>, vector<8x128xf32>, vector<400x128xf32> -> vector<400x128xf32>
    %get3A_49 = arith.constant 0 : index
    %get3A_50 = arith.constant 0 : index
    %get3A_51 = vector.load %arg5[%get3A_49, %get3A_50] : memref<128x128xf32, #tpu.memory_space<vmem>>, vector<128x128xf32>
    %dot_general3A_52 = arith.constant dense<0.000000e+00> : vector<400x128xf32>
    %dot_general3A_53 = tpu.matmul %get3A_4, %get3A_51, %dot_general3A_52 {dimension_numbers = #tpu.dot_dimension_numbers<[1], [0], [0], [1], [0, 0, 1, 1], [], []>, transpose_lhs_hint = false} : vector<400x128xf32>, vector<128x128xf32>, vector<400x128xf32> -> vector<400x128xf32>
    %get3A_54 = arith.constant 0 : index
    %get3A_55 = arith.constant 0 : index
    %get3A_56 = vector.load %arg6[%get3A_54, %get3A_55] : memref<128x128xf32, #tpu.memory_space<vmem>>, vector<128x128xf32>
    %dot_general3A_57 = arith.constant dense<0.000000e+00> : vector<400x128xf32>
    %dot_general3A_58 = tpu.matmul %get3A_1, %get3A_56, %dot_general3A_57 {dimension_numbers = #tpu.dot_dimension_numbers<[1], [0], [0], [1], [0, 0, 1, 1], [], []>, transpose_lhs_hint = false} : vector<400x128xf32>, vector<128x128xf32>, vector<400x128xf32> -> vector<400x128xf32>
    %add3A = arith.addf %dot_general3A_53, %dot_general3A_58 : vector<400x128xf32>
    %tanh3A = math.tanh %add3A : vector<400x128xf32>
    %get3A_59 = arith.constant 0 : index
    %get3A_60 = arith.constant 0 : index
    %get3A_61 = vector.load %arg7[%get3A_59, %get3A_60] : memref<128x128xf32, #tpu.memory_space<vmem>>, vector<128x128xf32>
    %dot_general3A_62 = arith.constant dense<0.000000e+00> : vector<400x128xf32>
    %dot_general3A_63 = tpu.matmul %tanh3A, %get3A_61, %dot_general3A_62 {dimension_numbers = #tpu.dot_dimension_numbers<[1], [0], [0], [1], [0, 0, 1, 1], [], []>, transpose_lhs_hint = false} : vector<400x128xf32>, vector<128x128xf32>, vector<400x128xf32> -> vector<400x128xf32>
    %get3A_64 = arith.constant 0 : index
    %get3A_65 = arith.constant 0 : index
    %get3A_66 = vector.load %arg8[%get3A_64, %get3A_65] : memref<1x128xf32, #tpu.memory_space<vmem>>, vector<1x128xf32>
    %add3A_67 = vector.broadcast %get3A_66 : vector<1x128xf32> to vector<400x128xf32>
    %add3A_68 = arith.addf %dot_general3A_63, %add3A_67 : vector<400x128xf32>
    %add3A_69 = arith.addf %add3A_68, %dot_general3A_48 : vector<400x128xf32>
    %logistic3A = arith.negf %add3A_69 : vector<400x128xf32>
    %logistic3A_70 = math.exp %logistic3A : vector<400x128xf32>
    %logistic3A_71 = arith.constant 1.000000e+00 : f32
    %logistic3A_72 = vector.broadcast %logistic3A_71 : f32 to vector<400x128xf32>
    %logistic3A_73 = arith.addf %logistic3A_72, %logistic3A_70 : vector<400x128xf32>
    %logistic3A_74 = arith.divf %logistic3A_72, %logistic3A_73 : vector<400x128xf32>
    %get3A_75 = arith.constant 0 : index
    %get3A_76 = arith.constant 0 : index
    %get3A_77 = vector.load %arg10[%get3A_75, %get3A_76] : memref<1x128xf32, #tpu.memory_space<vmem>>, vector<1x128xf32>
    %mul3A_78 = vector.broadcast %get3A_77 : vector<1x128xf32> to vector<400x128xf32>
    %mul3A_79 = arith.mulf %logistic3A_74, %mul3A_78 : vector<400x128xf32>
    %reduce_sum3A = arith.constant dense<0.000000e+00> : vector<400xf32>
    %reduce_sum3A_80 = vector.multi_reduction <add>, %mul3A_79, %reduce_sum3A [1] : vector<400x128xf32> to vector<400xf32>
    %broadcast_in_dim3A = vector.shape_cast %reduce_sum3A_80 : vector<400xf32> to vector<400x1xf32>
    %mul3A_81 = arith.mulf %broadcast_in_dim3A, %get3A_7 : vector<400x1xf32>
    %mul3A_82 = vector.broadcast %mul3A_81 : vector<400x1xf32> to vector<400x128xf32>
    %mul3A_83 = arith.mulf %mul3A_82, %get3A_1 : vector<400x128xf32>
    %dot_general3A_84 = arith.constant dense<0.000000e+00> : vector<8x128xf32>
    %dot_general3A_85 = tpu.matmul %convert_element_type3A_35, %mul3A_83, %dot_general3A_84 {dimension_numbers = #tpu.dot_dimension_numbers<[0], [0], [1], [1], [0, 1, 1, 1], [], []>, transpose_lhs_hint = false} : vector<400x8xf32>, vector<400x128xf32>, vector<8x128xf32> -> vector<8x128xf32>
    %get3A_86 = arith.constant 0 : index
    %get3A_87 = arith.constant 0 : index
    %get3A_88 = vector.load %arg14[%get3A_86, %get3A_87] : memref<128x128xf32, #tpu.memory_space<vmem>>, vector<128x128xf32>
    %dot_general3A_89 = arith.constant dense<0.000000e+00> : vector<8x128xf32>
    %dot_general3A_90 = tpu.matmul %get3A_10, %get3A_88, %dot_general3A_89 {dimension_numbers = #tpu.dot_dimension_numbers<[1], [0], [0], [1], [0, 0, 1, 1], [], []>, transpose_lhs_hint = false} : vector<8x128xf32>, vector<128x128xf32>, vector<8x128xf32> -> vector<8x128xf32>
    %dot_general3A_91 = arith.constant dense<0.000000e+00> : vector<400x128xf32>
    %dot_general3A_92 = tpu.matmul %convert_element_type3A_35, %dot_general3A_90, %dot_general3A_91 {dimension_numbers = #tpu.dot_dimension_numbers<[1], [0], [0], [1], [0, 0, 1, 1], [], []>, transpose_lhs_hint = false} : vector<400x8xf32>, vector<8x128xf32>, vector<400x128xf32> -> vector<400x128xf32>
    %get3A_93 = arith.constant 0 : index
    %get3A_94 = arith.constant 0 : index
    %get3A_95 = vector.load %arg11[%get3A_93, %get3A_94] : memref<128x128xf32, #tpu.memory_space<vmem>>, vector<128x128xf32>
    %dot_general3A_96 = arith.constant dense<0.000000e+00> : vector<400x128xf32>
    %dot_general3A_97 = tpu.matmul %get3A_1, %get3A_95, %dot_general3A_96 {dimension_numbers = #tpu.dot_dimension_numbers<[1], [0], [0], [1], [0, 0, 1, 1], [], []>, transpose_lhs_hint = false} : vector<400x128xf32>, vector<128x128xf32>, vector<400x128xf32> -> vector<400x128xf32>
    %tanh3A_98 = math.tanh %dot_general3A_97 : vector<400x128xf32>
    %get3A_99 = arith.constant 0 : index
    %get3A_100 = arith.constant 0 : index
    %get3A_101 = vector.load %arg12[%get3A_99, %get3A_100] : memref<128x128xf32, #tpu.memory_space<vmem>>, vector<128x128xf32>
    %dot_general3A_102 = arith.constant dense<0.000000e+00> : vector<400x128xf32>
    %dot_general3A_103 = tpu.matmul %tanh3A_98, %get3A_101, %dot_general3A_102 {dimension_numbers = #tpu.dot_dimension_numbers<[1], [0], [0], [1], [0, 0, 1, 1], [], []>, transpose_lhs_hint = false} : vector<400x128xf32>, vector<128x128xf32>, vector<400x128xf32> -> vector<400x128xf32>
    %get3A_104 = arith.constant 0 : index
    %get3A_105 = arith.constant 0 : index
    %get3A_106 = vector.load %arg13[%get3A_104, %get3A_105] : memref<1x128xf32, #tpu.memory_space<vmem>>, vector<1x128xf32>
    %add3A_107 = vector.broadcast %get3A_106 : vector<1x128xf32> to vector<400x128xf32>
    %add3A_108 = arith.addf %dot_general3A_103, %add3A_107 : vector<400x128xf32>
    %add3A_109 = arith.addf %add3A_108, %dot_general3A_92 : vector<400x128xf32>
    %logistic3A_110 = arith.negf %add3A_109 : vector<400x128xf32>
    %logistic3A_111 = math.exp %logistic3A_110 : vector<400x128xf32>
    %logistic3A_112 = arith.constant 1.000000e+00 : f32
    %logistic3A_113 = vector.broadcast %logistic3A_112 : f32 to vector<400x128xf32>
    %logistic3A_114 = arith.addf %logistic3A_113, %logistic3A_111 : vector<400x128xf32>
    %logistic3A_115 = arith.divf %logistic3A_113, %logistic3A_114 : vector<400x128xf32>
    %get3A_116 = arith.constant 0 : index
    %get3A_117 = arith.constant 0 : index
    %get3A_118 = vector.load %arg15[%get3A_116, %get3A_117] : memref<1x128xf32, #tpu.memory_space<vmem>>, vector<1x128xf32>
    %mul3A_119 = vector.broadcast %get3A_118 : vector<1x128xf32> to vector<400x128xf32>
    %mul3A_120 = arith.mulf %logistic3A_115, %mul3A_119 : vector<400x128xf32>
    %reduce_sum3A_121 = arith.constant dense<0.000000e+00> : vector<400xf32>
    %reduce_sum3A_122 = vector.multi_reduction <add>, %mul3A_120, %reduce_sum3A_121 [1] : vector<400x128xf32> to vector<400xf32>
    %broadcast_in_dim3A_123 = vector.shape_cast %reduce_sum3A_122 : vector<400xf32> to vector<400x1xf32>
    %mul3A_124 = arith.mulf %broadcast_in_dim3A_123, %get3A_7 : vector<400x1xf32>
    %mul3A_125 = vector.broadcast %mul3A_124 : vector<400x1xf32> to vector<400x128xf32>
    %mul3A_126 = arith.mulf %mul3A_125, %get3A_1 : vector<400x128xf32>
    %dot_general3A_127 = arith.constant dense<0.000000e+00> : vector<8x128xf32>
    %dot_general3A_128 = tpu.matmul %convert_element_type3A_35, %mul3A_126, %dot_general3A_127 {dimension_numbers = #tpu.dot_dimension_numbers<[0], [0], [1], [1], [0, 1, 1, 1], [], []>, transpose_lhs_hint = false} : vector<400x8xf32>, vector<400x128xf32>, vector<8x128xf32> -> vector<8x128xf32>
    %get3A_129 = arith.constant 0 : index
    %get3A_130 = arith.constant 0 : index
    %get3A_131 = vector.load %arg16[%get3A_129, %get3A_130] : memref<1x128xf32, #tpu.memory_space<vmem>>, vector<1x128xf32>
    %mul3A_132 = vector.broadcast %get3A_131 : vector<1x128xf32> to vector<8x128xf32>
    %mul3A_133 = arith.mulf %dot_general3A_85, %mul3A_132 : vector<8x128xf32>
    %reduce_sum3A_134 = arith.constant dense<0.000000e+00> : vector<8xf32>
    %reduce_sum3A_135 = vector.multi_reduction <add>, %mul3A_133, %reduce_sum3A_134 [1] : vector<8x128xf32> to vector<8xf32>
    %broadcast_in_dim3A_136 = vector.shape_cast %reduce_sum3A_135 : vector<8xf32> to vector<8x1xf32>
    %get3A_137 = arith.constant 0 : index
    %get3A_138 = arith.constant 0 : index
    %get3A_139 = vector.load %arg17[%get3A_137, %get3A_138] : memref<1x128xf32, #tpu.memory_space<vmem>>, vector<1x128xf32>
    %mul3A_140 = vector.broadcast %get3A_139 : vector<1x128xf32> to vector<8x128xf32>
    %mul3A_141 = arith.mulf %dot_general3A_128, %mul3A_140 : vector<8x128xf32>
    %reduce_sum3A_142 = arith.constant dense<0.000000e+00> : vector<8xf32>
    %reduce_sum3A_143 = vector.multi_reduction <add>, %mul3A_141, %reduce_sum3A_142 [1] : vector<8x128xf32> to vector<8xf32>
    %broadcast_in_dim3A_144 = vector.shape_cast %reduce_sum3A_143 : vector<8xf32> to vector<8x1xf32>
    %add3A_145 = arith.addf %broadcast_in_dim3A_136, %broadcast_in_dim3A_144 : vector<8x1xf32>
    %get3A_146 = arith.constant 0 : index
    %get3A_147 = arith.constant 0 : index
    %get3A_148 = vector.load %arg18[%get3A_146, %get3A_147] : memref<1x128xf32, #tpu.memory_space<vmem>>, vector<1x1xf32>
    %add3A_149 = vector.broadcast %get3A_148 : vector<1x1xf32> to vector<8x1xf32>
    %add3A_150 = arith.addf %add3A_145, %add3A_149 : vector<8x1xf32>
    %logistic3A_151 = arith.negf %add3A_150 : vector<8x1xf32>
    %logistic3A_152 = math.exp %logistic3A_151 : vector<8x1xf32>
    %logistic3A_153 = arith.constant 1.000000e+00 : f32
    %logistic3A_154 = vector.broadcast %logistic3A_153 : f32 to vector<8x1xf32>
    %logistic3A_155 = arith.addf %logistic3A_154, %logistic3A_152 : vector<8x1xf32>
    %logistic3A_156 = arith.divf %logistic3A_154, %logistic3A_155 : vector<8x1xf32>
    %mul3A_157 = vector.broadcast %logistic3A_156 : vector<8x1xf32> to vector<8x128xf32>
    %mul3A_158 = arith.mulf %mul3A_157, %dot_general3A_85 : vector<8x128xf32>
    %add3A_159 = arith.addf %get3A_10, %mul3A_158 : vector<8x128xf32>
    %sub3A_160 = arith.constant 1.000000e+00 : f32
    %sub3A_161 = vector.broadcast %sub3A_160 : f32 to vector<8x1xf32>
    %sub3A_162 = arith.subf %sub3A_161, %logistic3A_156 : vector<8x1xf32>
    %mul3A_163 = vector.broadcast %sub3A_162 : vector<8x1xf32> to vector<8x128xf32>
    %mul3A_164 = arith.mulf %mul3A_163, %dot_general3A_128 : vector<8x128xf32>
    %add3A_165 = arith.addf %add3A_159, %mul3A_164 : vector<8x128xf32>
    %swap3A = arith.constant 0 : index
    %swap3A_166 = arith.constant 0 : index
    %swap3A_167 = vector.load %arg19[%swap3A, %swap3A_166] : memref<8x128xf32, #tpu.memory_space<vmem>>, vector<8x128xf32>
    tpu.vector_store %arg19[%swap3A, %swap3A_166], %add3A_165 {strides = array<i32>} : memref<8x128xf32, #tpu.memory_space<vmem>>, vector<8x128xf32>,
    return
  }
  func.func @transform_0(%arg0: i32) -> (i32, i32) {
    %c0_i32 = arith.constant 0 : i32
    %c0_i32_0 = arith.constant 0 : i32
    return %arg0, %c0_i32 : i32, i32
  }
  func.func @transform_1(%arg0: i32) -> (i32, i32) {
    %c0_i32 = arith.constant 0 : i32
    %c0_i32_0 = arith.constant 0 : i32
    return %arg0, %c0_i32 : i32, i32
  }
  func.func @transform_2(%arg0: i32) -> (i32, i32) {
    %c0_i32 = arith.constant 0 : i32
    %c0_i32_0 = arith.constant 0 : i32
    return %arg0, %c0_i32 : i32, i32
  }
  func.func @transform_3(%arg0: i32) -> (i32, i32) {
    %c0_i32 = arith.constant 0 : i32
    %c0_i32_0 = arith.constant 0 : i32
    return %arg0, %c0_i32 : i32, i32
  }
  func.func @transform_4(%arg0: i32) -> (i32, i32) {
    %c0_i32 = arith.constant 0 : i32
    %c0_i32_0 = arith.constant 0 : i32
    %c0_i32_1 = arith.constant 0 : i32
    return %c0_i32, %c0_i32_0 : i32, i32
  }
  func.func @transform_5(%arg0: i32) -> (i32, i32) {
    %c0_i32 = arith.constant 0 : i32
    %c0_i32_0 = arith.constant 0 : i32
    %c0_i32_1 = arith.constant 0 : i32
    return %c0_i32, %c0_i32_0 : i32, i32
  }
  func.func @transform_6(%arg0: i32) -> (i32, i32) {
    %c0_i32 = arith.constant 0 : i32
    %c0_i32_0 = arith.constant 0 : i32
    %c0_i32_1 = arith.constant 0 : i32
    return %c0_i32, %c0_i32_0 : i32, i32
  }
  func.func @transform_7(%arg0: i32) -> (i32, i32) {
    %c0_i32 = arith.constant 0 : i32
    %c0_i32_0 = arith.constant 0 : i32
    %c0_i32_1 = arith.constant 0 : i32
    return %c0_i32, %c0_i32_0 : i32, i32
  }
  func.func @transform_8(%arg0: i32) -> (i32, i32) {
    %c0_i32 = arith.constant 0 : i32
    %c0_i32_0 = arith.constant 0 : i32
    %c0_i32_1 = arith.constant 0 : i32
    return %c0_i32, %c0_i32_0 : i32, i32
  }
  func.func @transform_9(%arg0: i32) -> (i32, i32) {
    %c0_i32 = arith.constant 0 : i32
    %c0_i32_0 = arith.constant 0 : i32
    %c0_i32_1 = arith.constant 0 : i32
    return %c0_i32, %c0_i32_0 : i32, i32
  }
  func.func @transform_10(%arg0: i32) -> (i32, i32) {
    %c0_i32 = arith.constant 0 : i32
    %c0_i32_0 = arith.constant 0 : i32
    %c0_i32_1 = arith.constant 0 : i32
    return %c0_i32, %c0_i32_0 : i32, i32
  }
  func.func @transform_11(%arg0: i32) -> (i32, i32) {
    %c0_i32 = arith.constant 0 : i32
    %c0_i32_0 = arith.constant 0 : i32
    %c0_i32_1 = arith.constant 0 : i32
    return %c0_i32, %c0_i32_0 : i32, i32
  }
  func.func @transform_12(%arg0: i32) -> (i32, i32) {
    %c0_i32 = arith.constant 0 : i32
    %c0_i32_0 = arith.constant 0 : i32
    %c0_i32_1 = arith.constant 0 : i32
    return %c0_i32, %c0_i32_0 : i32, i32
  }
  func.func @transform_13(%arg0: i32) -> (i32, i32) {
    %c0_i32 = arith.constant 0 : i32
    %c0_i32_0 = arith.constant 0 : i32
    %c0_i32_1 = arith.constant 0 : i32
    return %c0_i32, %c0_i32_0 : i32, i32
  }
  func.func @transform_14(%arg0: i32) -> (i32, i32) {
    %c0_i32 = arith.constant 0 : i32
    %c0_i32_0 = arith.constant 0 : i32
    %c0_i32_1 = arith.constant 0 : i32
    return %c0_i32, %c0_i32_0 : i32, i32
  }
  func.func @transform_15(%arg0: i32) -> (i32, i32) {
    %c0_i32 = arith.constant 0 : i32
    %c0_i32_0 = arith.constant 0 : i32
    %c0_i32_1 = arith.constant 0 : i32
    return %c0_i32, %c0_i32_0 : i32, i32
  }
  func.func @transform_16(%arg0: i32) -> (i32, i32) {
    %c0_i32 = arith.constant 0 : i32
    %c0_i32_0 = arith.constant 0 : i32
    %c0_i32_1 = arith.constant 0 : i32
    return %c0_i32, %c0_i32_0 : i32, i32
  }
  func.func @transform_17(%arg0: i32) -> (i32, i32) {
    %c0_i32 = arith.constant 0 : i32
    %c0_i32_0 = arith.constant 0 : i32
    %c0_i32_1 = arith.constant 0 : i32
    return %c0_i32, %c0_i32_0 : i32, i32
  }
  func.func @transform_18(%arg0: i32) -> (i32, i32) {
    %c0_i32 = arith.constant 0 : i32
    %c0_i32_0 = arith.constant 0 : i32
    return %arg0, %c0_i32 : i32, i32
  }
}

module attributes {stable_mosaic.version = 14 : i64} {
  func.func @_scores_body(%arg0: i32, %arg1: memref<1024x128xf32, #tpu.memory_space<vmem>>, %arg2: memref<1280x128xf32, #tpu.memory_space<vmem>>, %arg3: memref<1024x1280xf32, #tpu.memory_space<vmem>>) attributes {dimension_semantics = [#tpu.dimension_semantics<arbitrary>], iteration_bounds = array<i64: 8>, scalar_prefetch = 0 : i64, scratch_operands = 0 : i64, tpu.core_type = #tpu.core_type<tc>, window_params = [{pipeline_mode = #tpu.pipeline_mode<synchronous>, transform_indices = @transform_0, window_bounds = array<i64: 1024, 128>}, {transform_indices = @transform_1, window_bounds = array<i64: 1280, 128>}, {transform_indices = @transform_2, window_bounds = array<i64: 1024, 1280>}]} {
    %get3A = arith.constant 0 : index
    %get3A_0 = arith.constant 0 : index
    %get3A_1 = vector.load %arg1[%get3A, %get3A_0] : memref<1024x128xf32, #tpu.memory_space<vmem>>, vector<1024x128xf32>
    %get3A_2 = arith.constant 0 : index
    %get3A_3 = arith.constant 0 : index
    %get3A_4 = vector.load %arg2[%get3A_2, %get3A_3] : memref<1280x128xf32, #tpu.memory_space<vmem>>, vector<1280x128xf32>
    %dot_general3A = arith.constant dense<0.000000e+00> : vector<1024x1280xf32>
    %dot_general3A_5 = tpu.matmul %get3A_1, %get3A_4, %dot_general3A {dimension_numbers = #tpu.dot_dimension_numbers<[1], [1], [0], [0], [0, 0, 1, 0], [], []>, transpose_lhs_hint = false} : vector<1024x128xf32>, vector<1280x128xf32>, vector<1024x1280xf32> -> vector<1024x1280xf32>
    %swap3A = arith.constant 0 : index
    %swap3A_6 = arith.constant 0 : index
    %swap3A_7 = vector.load %arg3[%swap3A, %swap3A_6] : memref<1024x1280xf32, #tpu.memory_space<vmem>>, vector<1024x1280xf32>
    tpu.vector_store %arg3[%swap3A, %swap3A_6], %dot_general3A_5 {strides = array<i32>} : memref<1024x1280xf32, #tpu.memory_space<vmem>>, vector<1024x1280xf32>,
    return
  }
  func.func @transform_0(%arg0: i32) -> (i32, i32) {
    %c0_i32 = arith.constant 0 : i32
    %c0_i32_0 = arith.constant 0 : i32
    %c0_i32_1 = arith.constant 0 : i32
    return %c0_i32, %c0_i32_0 : i32, i32
  }
  func.func @transform_1(%arg0: i32) -> (i32, i32) {
    %c0_i32 = arith.constant 0 : i32
    %c0_i32_0 = arith.constant 0 : i32
    return %arg0, %c0_i32 : i32, i32
  }
  func.func @transform_2(%arg0: i32) -> (i32, i32) {
    %c0_i32 = arith.constant 0 : i32
    %c0_i32_0 = arith.constant 0 : i32
    return %c0_i32, %arg0 : i32, i32
  }
}

</mosaic_0001>

<sc_bundles>
// kernel: kernel.10.cloned.1.call-start
scs
__scs_entry_jumppad:
0x0: {  	(pc) =	sbr.rel $0x88, $3  }
0x1: {  	(tag) =	ssettag $0x0;
	lr =	simm.s32 $0x1  }
0x2: {  	[smem:$0x3F8B] =	sst lr;
	_ =	strace $0xD0000000  }
0x3: {  	_ = 	snop  }
0x4: {  	_ = 	snop  }
0x5: {  	_ = 	snop  }
0x6: {  	_ = 	snop  }
0x7: {  	_ = 	snop  }
__scs_overlays_trampoline_lowered:
0x8: {  	[smem:$0x3F9A] =	sst s0  }
0x9: {  	[smem:$0x3F9B] =	sst s1  }
0xa: {  	[smem:$0x3F9C] =	sst s2  }
0xb: {  	[smem:$0x3F9D] =	sst s3  }
0xc: {  	[smem:$0x3F9E] =	sst s4  }
0xd: {  	[smem:$0x3F9F] =	sst s5  }
0xe: {  	[smem:$0x3FA0] =	sst s6  }
0xf: {  	[smem:$0x3FA1] =	sst s7  }
0x10: {  	[smem:$0x3FA2] =	sst s8  }
0x11: {  	[smem:$0x3FA3] =	sst s9;
	s0 =	simm.s32 @!p0 $0x0  }
0x12: {  	s1 =	sld [smem:$0x3F89];
	s0 =	simm.s32 @p0 $0x1  }
0x13: {  	[smem:$0x3FA4] =	sst s0;
	s0 =	simm.s32 @!p1 $0x0  }
0x14: {  	s2 =	sld [smem:$0x3F88];
	s0 =	simm.s32 @p1 $0x1  }
0x15: {  	[smem:$0x3FA5] =	sst s0;
	s0 =	simm.s32 @!p2 $0x0  }
0x16: {  	s3 =	sld [smem:$0x3FDB];
	s0 =	simm.s32 @p2 $0x1  }
0x17: {  	s4 =	simm.s32 $0x1BF5;
	[smem:$0x3FA7] =	sst s0  }
0x18: {  	s0 =	sld [smem:$0x3F8A];
	_ =	swait.ge [sflag:s4], $0x0  }
0x19: {  	s7 =	sld [smem:$0x3F8B]  }
0x1a: {  	s8 =	sadd.s32 $0xFFFFE003, lr  }
0x1b: {  	s9 =	sadd.s32 $0xFFFFFEF7, lr;
	s5 =	simm.s32 $0xFFFFFFFF;
	p2 =	slt.u32 s8, $0xFFFFF086  }
0x1c: {  	p1 =	slt.u32 s9, $0xF7A;
	s5 =	simm.s32 @!p2 $0x0  }
0x1d: {  	s5 =	simm.s32 @p1 $0x1;
	p0 =	seq.s32 s7, s2  }
0x1e: {  	s7 =	smul.u32 @!p0 $0xF7A, s2;
	p2 =	seq.s32 @!p0 s5, $0x0  }
0x1f: {  	s9 =	smul.u32 $0xF7A, s1;
	s8 =	simm.s32 @!p0 $0x1BF5;
	p2 =	por !p2, p0  }
0x20: {  	[sflag:s8] =	ssyncset.s32 @!p0 $0xFFFFF086;
	s6 =	sadd.s32 @!p0 s3, s7;
	s7 =	simm.s32 @!p0 $0x108  }
0x21: {  	s3 =	sadd.s32 s3, s9;
	s6 =	sadd.s32 @!p0 $0x88, s6;
	s7 =	simm.s32 @p2 $0x1082  }
0x22: {  	[simem:s7], [sflag:s8] =	dma.local @!p0 [hbm:s6], $0xF7A  }
0x23: {  	s9 =	sor.u32 $0xD0000000, s2;
	s6 =	simm.s32 $0x108;
	_ =	swait.ge @!p0 [sflag:s8], $0x0  }
0x24: {  	s3 =	sadd.s32 $0x88, s3;
	s6 =	simm.s32 @!p1 $0x1082;
	[sflag:s4] =	ssyncset.s32 $0xFFFFF086  }
0x25: {  	[simem:s6], [sflag:s4] =	dma.local [hbm:s3], $0xF7A  }
0x26: {  	[smem:$0x3F8B] =	sst s1;
	(tag) =	ssettag s2;
	_ =	strace s9  }
0x27: {  	s1 =	sld [smem:$0x3F9B]  }
0x28: {  	s2 =	sld [smem:$0x3F9C]  }
0x29: {  	s4 =	sld [smem:$0x3F9E]  }
0x2a: {  	p0 =	seq.s32 s5, $0x0;
	s5 =	sld [smem:$0x3F9F]  }
0x2b: {  	s6 =	sld [smem:$0x3FA0]  }
0x2c: {  	s7 =	sld [smem:$0x3FA1]  }
0x2d: {  	s3 =	simm.s32 $0x108;
	s8 =	sld [smem:$0x3FA2]  }
0x2e: {  	s3 =	simm.s32 @!p0 $0x1082;
	s9 =	sld [smem:$0x3FA3]  }
0x2f: {  	lr =	sadd.s32 s0, s3;
	s0 =	sld [smem:$0x3F9A]  }
0x30: {  	s3 =	sld [smem:$0x3F9D]  }
0x31: {  	[smem:$0x3FA6] =	sst s10  }
0x32: {  	s10 =	sld [smem:$0x3FA4];
	_ =	sdelay $0x3  }
0x33: {  	p0 =	seq.s32 s10, $0x1;
	s10 =	sld [smem:$0x3FA6];
	_ =	sdelay $0x3  }
0x34: {  	[smem:$0x3FA6] =	sst s10  }
0x35: {  	s10 =	sld [smem:$0x3FA5];
	_ =	sdelay $0x3  }
0x36: {  	p1 =	seq.s32 s10, $0x1;
	s10 =	sld [smem:$0x3FA6];
	_ =	sdelay $0x3  }
0x37: {  	[smem:$0x3FA6] =	sst s10  }
0x38: {  	s10 =	sld [smem:$0x3FA7]  }
0x39: {  	_ = 	snop;
	(pc) =	sbr.ind lr, $3  }
0x3a: {  	_ = 	snop  }
0x3b: {  	_ = 	snop  }
0x3c: {  	p2 =	seq.s32 s10, $0x1;
	s10 =	sld [smem:$0x3FA6]  }
0x3d: {  	_ =	shalt  }
0x3e: {  	_ =	shalt  }
0x3f: {  	_ =	shalt  }
0x40: {  	_ =	shalt  }
0x41: {  	_ =	shalt  }
0x42: {  	_ =	shalt  }
0x43: {  	_ =	shalt  }
0x44: {  	_ =	shalt  }
0x45: {  	_ =	shalt  }
0x46: {  	_ =	shalt  }
0x47: {  	_ =	shalt  }
0x48: {  	_ =	shalt  }
0x49: {  	_ =	shalt  }
0x4a: {  	_ =	shalt  }
0x4b: {  	_ =	shalt  }
0x4c: {  	_ =	shalt  }
0x4d: {  	_ =	shalt  }
0x4e: {  	_ =	shalt  }
0x4f: {  	_ =	shalt  }
0x50: {  	_ =	shalt  }
0x51: {  	_ =	shalt  }
0x52: {  	_ =	shalt  }
0x53: {  	_ =	shalt  }
0x54: {  	_ =	shalt  }
0x55: {  	_ =	shalt  }
0x56: {  	_ =	shalt  }
0x57: {  	_ =	shalt  }
0x58: {  	_ =	shalt  }
0x59: {  	_ =	shalt  }
0x5a: {  	_ =	shalt  }
0x5b: {  	_ =	shalt  }
0x5c: {  	_ =	shalt  }
0x5d: {  	_ =	shalt  }
0x5e: {  	_ =	shalt  }
0x5f: {  	_ =	shalt  }
0x60: {  	_ =	shalt  }
0x61: {  	_ =	shalt  }
0x62: {  	_ =	shalt  }
0x63: {  	_ =	shalt  }
0x64: {  	_ =	shalt  }
0x65: {  	_ =	shalt  }
0x66: {  	_ =	shalt  }
0x67: {  	_ =	shalt  }
0x68: {  	_ =	shalt  }
0x69: {  	_ =	shalt  }
0x6a: {  	_ =	shalt  }
0x6b: {  	_ =	shalt  }
0x6c: {  	_ =	shalt  }
0x6d: {  	_ =	shalt  }
0x6e: {  	_ =	shalt  }
0x6f: {  	_ =	shalt  }
0x70: {  	_ =	shalt  }
0x71: {  	_ =	shalt  }
0x72: {  	_ =	shalt  }
0x73: {  	_ =	shalt  }
0x74: {  	_ =	shalt  }
0x75: {  	_ =	shalt  }
0x76: {  	_ =	shalt  }
0x77: {  	_ =	shalt  }
0x78: {  	_ =	shalt  }
0x79: {  	_ =	shalt  }
0x7a: {  	_ =	shalt  }
0x7b: {  	_ =	shalt  }
0x7c: {  	_ =	shalt  }
0x7d: {  	_ =	shalt  }
0x7e: {  	_ =	shalt  }
0x7f: {  	_ =	shalt  }
0x80: {  	_ =	shalt  }
0x81: {  	_ =	shalt  }
0x82: {  	_ =	shalt  }
0x83: {  	_ =	shalt  }
0x84: {  	_ =	shalt  }
0x85: {  	_ =	shalt  }
0x86: {  	_ =	shalt  }
0x87: {  	_ =	shalt  }
.Lfunc_end0:
.L_simem_size_0:
called_computation.1_lowered:
.L_overlay_start_0:
0x88: {  	s2 =	sld [smem:$0x3FD9]  }
0x89: {  	s3 =	sld [smem:$0x3FFE];
	_ =	sdelay $0x1  }
0x8a: {  	s1 =	srdreg.scid  }
0x8b: {  	s0 =	sand.u32 $0x1, s1  }
0x8c: {  	s17 =	sshll.u32 s0, $0xA;
	s2 =	sadd.s32 s3, s2  }
0x8d: {  	s2 =	sadd.s32 s2, s17  }
0x8e: {  	[smem:$0x3FB2] =	sst s2  }
0x8f: {  	_ = 	snop  }
0x90: {  	s2 =	sld [smem:$0x3FC3];
	(tm) =	ssettm $0x1  }
0x91: {  	s18 =	sld [smem:$0x3FFB];
	_ =	sdelay $0x3  }
0x92: {  	_ =	strace s18  }
0x93: {  	s3 =	sld [smem:$0x3FFC];
	_ =	sdelay $0x3  }
0x94: {  	_ =	strace s3  }
0x95: {  	s3 =	sld [smem:$0x3FFD];
	_ =	sdelay $0x3  }
0x96: {  	_ =	strace s3  }
0x97: {  	_ =	strace $0x8FFFFFFF  }
0x98: {  	s19 =	sld [smem:$0x3FDB];
	_ =	sdelay $0x1  }
0x99: {  	s4 =	simm.s32 $_scs_section_size  }
0x9a: {  	s5 =	simm.s32 $_size__tile_overlayer_lowered;
	s6 =	simm.s32 $_tile_overlayer_lowered  }
0x9b: {  	s22 =	simm.s32 $0x1BFF;
	s21 =	sshll.u32 s6, $0x1;
	s3 =	sadd.s32 s4, s19  }
0x9c: {  	s7 =	simm.s32 $0x0;
	s20 =	sshll.u32 s5, $0x1;
	s5 =	sadd.s32 s21, s3  }
0x9d: {  	[timem:s7], [sflag:s22] =	dma.local [hbm:s5], s20  }
0x9e: {  	_ =	swait.ge [sflag:s22], s20  }
0x9f: {  	s4 =	ssub.s32 $0x0, s20;
	[sflag:s22] =	ssyncset.done $0x0  }
0xa0: {  	[sflag:s22] =	ssyncadd.s32 s4;
	_ =	sdelay $0x1  }
0xa1: {  	s23 =	simm.s32 $0x1B8B  }
0xa2: {  	_ =	swait.ge [sflag:s23], $0x1  }
0xa3: {  	[sflag:s23] =	ssyncset.done $0x0  }
0xa4: {  	s25 =	simm.s32 $0x1B8E;
	s24 =	sld [smem:$0x3FFE];
	[sflag:s23] =	ssyncadd.s32 $0xFFFFFFFF  }
0xa5: {  	s26 =	simm.s32 $execute0_lowered;
	[smem:$0x3FD2] =	sst s25  }
0xa6: {  	s5 =	sshll.u32 s26, $0x1;
	_ =	strace $0x80000049;
	[dreg:$0x1] =	wrdreg $0xFFFFFFFF  }
0xa7: {  	s28 =	simm.s32 $_size_execute0_lowered;
	s3 =	sadd.s32 s3, s5;
	[dreg:$0x0] =	wrdreg $0x0  }
0xa8: {  	s5 =	sshll.u32 s28, $0x1;
	[dreg:$0x2] =	wrdreg s3  }
0xa9: {  	[dreg:$0x3] =	wrdreg s5  }
0xaa: {  	[dreg:$0x4] =	wrdreg $0xC0  }
0xab: {  	_ =	task [dreg:s7], $0x5FFFF  }
0xac: {  	[dreg:$0x1] =	wrdreg $0xFFFFFFFF  }
0xad: {  	[dreg:$0x0] =	wrdreg $0x60  }
0xae: {  	[dreg:$0x2] =	wrdreg s24  }
0xaf: {  	[dreg:$0x3] =	wrdreg s2  }
0xb0: {  	[dreg:$0x4] =	wrdreg $0x9  }
0xb1: {  	_ =	task.clear_ibuf [dreg:s7], $0x5FFFF;
	_ =	strace $0x90000049  }
0xb2: {  	s29 =	simm.s32 $0x9;
	_ =	strace $0x8000004B  }
0xb3: {  	_ =	swait.ge [sflag:s29], $0x1  }
0xb4: {  	[sflag:s29] =	ssyncadd.s32 $0xFFFFFFFF  }
0xb5: {  	_ =	strace $0x9000004B  }
0xb6: {  	_ =	sfence  }
0xb7: {  	s30 =	sld [smem:$0x0];
	_ =	sdelay $0x2  }
0xb8: {  	s31 =	sshll.u32 s1, $0xD;
	s1 =	sshrl.u32 s1, $0x2  }
0xb9: {  	s3 =	sand.u32 $0x4000, s31;
	s1 =	sadd.s32 s1, s30  }
0xba: {  	s0 =	sor.u32 s3, s0;
	s1 =	sshll.u32 s1, $0x11  }
0xbb: {  	s0 =	sor.u32 s1, s0  }
0xbc: {  	s0 =	sadd.s32 $0x8F2B, s0  }
0xbd: {  	[sflag:s0] =	ssyncadd.remote.s32 $0x1  }
0xbe: {  	_ =	sfence.sel $0xFFFF  }
0xbf: {  	[dreg:$0x0] =	wrdreg $0xFFFFFFFF;
	(pc) =	sbr.abs _section_cstart, $3  }
0xc0: {  	[dreg:$0x1] =	wrdreg $0xFFFFFFFF  }
0xc1: {  	_ =	task.clear_ibuf [dreg:s7], $0x2FFFF;
	_ =	strace $0x9FFFFFFF  }
0xc2: {  	(tm) =	ssettm $0x7FFFFFFF  }
0xc3: {  	_ =	shalt  }
tec
execute0_lowered:
.L_overlay_start_1:
0x0: {  	(tag) =	ssettag $0x1  }
0x1: {  	s0 =	rddreg [dreg:$0x0]  }
0x2: {  	s2 =	rddreg [dreg:$0x1]  }
0x3: {  	s3 =	simm.s32 $0x0;
	s1 =	srdreg.scid;
	s17 =	stileid.u32  }
0x4: {  	s28 =	simm.s32 $0x100;
	s29 =	simm.s32 $0x1;
	s30 =	simm.s32 $0x50  }
0x5: {  	s31 =	simm.s32 $0x200;
	[smem:$0x7FF] =	sst s3;
	s14 =	smul.u32 $0xC80, s17  }
0x6: {  	s1 =	sand.u32 $0x1, s1;
	s4 =	sshll.u32 s17, $0x1;
	s22 =	smul.u32 $0xC800, s17  }
0x7: {  	s5 =	sadd.s32 $0x22A00, s0;
	s4 =	sor.u32 s1, s4;
	s16 =	smul.u32 $0x640, s1  }
0x8: {  	s6 =	sadd.s32 $0x24400, s0;
	s8 =	sadd.s32 $0x4D200, s0;
	s7 =	smul.u32 $0x640, s4  }
0x9: {  	s11 =	sadd.s32 $0x115200, s0;
	s9 =	ssub.s32 $0x2, s1;
	s10 =	smul.u32 $0x6400, s4  }
0xa: {  	_ =	strace $0x8000004A;
	s12 =	sshrl.u32 s9, $0x1;
	s13 =	smul.u32 $0x32000, s4  }
0xb: {  	s9 =	ssub.s32 s9, s12;
	s14 =	sadd.s32 s16, s14;
	s16 =	simm.s32 $0x6  }
0xc: {  	s12 =	sshrl.u32 s7, $0x3;
	s23 =	sadd.s32 $0x50, s7;
	s18 =	sadd.s32 s8, s10  }
0xd: {  	s10 =	sadd.s32 s11, s10;
	s13 =	sshrl.u32 s13, $0x3;
	s25 =	sadd.s32 $0x140, s14  }
0xe: {  	s7 =	sadd.s32 $0x5F0, s7;
	s15 =	sadd.s32 s5, s12;
	[dreg:$0x8] =	wrdreg s18  }
0xf: {  	[dreg:$0x9] =	wrdreg s10;
	s10 =	sshrl.u32 s23, $0x3;
	s13 =	sadd.s32 $0x5A00, s13  }
0x10: {  	s18 =	sshrl.u32 s25, $0x3;
	[dreg:$0x7] =	wrdreg s15;
	s26 =	sadd.s32 s8, s13  }
0x11: {  	s20 =	sshll.u32 s7, $0x4;
	s13 =	sadd.s32 s11, s13;
	[dreg:$0xc] =	wrdreg s26  }
0x12: {  	s7 =	sshrl.u32 s7, $0x3;
	s19 =	sadd.s32 s18, s6;
	[dreg:$0xd] =	wrdreg s13  }
0x13: {  	s15 =	sshll.u32 s23, $0x4;
	s21 =	sadd.s32 s18, s5;
	[dreg:$0x3] =	wrdreg s19  }
0x14: {  	s23 =	sadd.s32 $0xF0, s14;
	s25 =	sadd.s32 s11, s20;
	[dreg:$0x4] =	wrdreg s21  }
0x15: {  	s17 =	sadd.s32 s6, s10;
	s18 =	sadd.s32 s6, s12;
	[dreg:$0xf] =	wrdreg s25  }
0x16: {  	s24 =	sadd.s32 s8, s15;
	s15 =	sadd.s32 s11, s15;
	[dreg:$0x13] =	wrdreg s17  }
0x17: {  	s26 =	sshrl.u32 s23, $0x3;
	s13 =	sadd.s32 s22, s11;
	[dreg:$0x14] =	wrdreg s18  }
0x18: {  	s19 =	sadd.s32 $0x14, s12;
	s21 =	sadd.s32 s5, s7;
	[dreg:$0xa] =	wrdreg s24  }
0x19: {  	s11 =	simm.s32 $0x7A00;
	s12 =	simm.s32 $0x9;
	[dreg:$0xb] =	wrdreg s15  }
0x1a: {  	s17 =	simm.s32 $0x8;
	s24 =	sadd.s32 s8, s20;
	[dreg:$0x11] =	wrdreg s13  }
0x1b: {  	s8 =	sadd.s32 s22, s8;
	s14 =	sadd.s32 s26, s6;
	[dreg:$0x18] =	wrdreg s21  }
0x1c: {  	s15 =	sadd.s32 s5, s10;
	s20 =	sadd.s32 s5, s19;
	[dreg:$0xe] =	wrdreg s24  }
0x1d: {  	s5 =	sadd.s32 s26, s5;
	s22 =	sshll.u32 s4, $0x2;
	[dreg:$0x10] =	wrdreg s8  }
0x1e: {  	s4 =	sshll.u32 s4, $0x9;
	s26 =	smax.u32 s9, $0x1;
	[dreg:$0x5] =	wrdreg s14  }
0x1f: {  	s9 =	simm.s32 $0x2A00;
	s10 =	simm.s32 $0x4;
	[dreg:$0x12] =	wrdreg s15  }
0x20: {  	[dreg:$0x15] =	wrdreg s20;
	s8 =	sadd.s32 s6, s19;
	s6 =	sadd.s32 s6, s7  }
0x21: {  	[dreg:$0x6] =	wrdreg s5;
	s23 =	sadd.s32 s22, s0;
	s4 =	sadd.s32 s4, s0  }
0x22: {  	s22 =	sadd.s32 $0x26000, s0;
	[dreg:$0x1b] =	wrdreg s26;
	s26 =	smul.u32 $0x6400, s1  }
0x23: {  	s0 =	simm.s32 $0x3;
	s1 =	simm.s32 $0x5200;
	s5 =	simm.s32 $0x7  }
0x24: {  	s7 =	simm.s32 $0x180;
	s15 =	simm.s32 $0xA;
	[dreg:$0x16] =	wrdreg s8  }
0x25: {  	s14 =	simm.s32 $0x0;
	[dreg:$0x17] =	wrdreg s6;
	s24 =	sadd.s32 $0x25E00, s23  }
0x26: {  	s25 =	sadd.s32 $0x4800, s4;
	s4 =	simm.s32 $0x5;
	[dreg:$0x19] =	wrdreg s24  }
0x27: {  	s6 =	simm.s32 $0x80;
	s8 =	simm.s32 $0x2;
	[dreg:$0x1a] =	wrdreg s25  }
.LBB2_1:
0x28: {  	[dreg:$0x1c] =	wrdreg s14  }
0x29: {  	s13 =	rddreg [dreg:$0x7]  }
0x2a: {  	[tilespmem:s3], [sflag:$0x1] =	stream.linear.gather [hbm4b:s13+s3], $0x50, $0x38;
	[tilespmem:$0xB280] =	vst v63  }
0x2b: {  	s18 =	rddreg [dreg:$0x14]  }
0x2c: {  	[tilespmem:s28], [sflag:$0x3] =	stream.linear.gather [hbm4b:s18+s3], $0x50, $0x38;
	[tilespmem:$0xB280] =	vst v63  }
0x2d: {  	_ =	swait.ge [sflag:s29], $0x50  }
0x2e: {  	[sflag:s29] =	ssyncset.done $0x0  }
0x2f: {  	[sflag:s29] =	ssyncadd.s32 $0xFFFFFFB0  }
0x30: {  	[tilespmem:s31], [sflag:$0x5] =	stream.indirect.gather [hbm4b:s22+s30], $0x80, s3, s30, $0xb8;
	[tilespmem:$0xB280] =	vst v63  }
0x31: {  	_ =	swait.ge [sflag:s0], $0x50  }
0x32: {  	[sflag:s0] =	ssyncset.done $0x0  }
0x33: {  	[sflag:s0] =	ssyncadd.s32 $0xFFFFFFB0  }
0x34: {  	[tilespmem:s1], [sflag:$0x7] =	stream.indirect.gather [hbm4b:s2+s30], $0x80, s28, s30, $0xb8;
	[tilespmem:$0xB280] =	vst v63  }
0x35: {  	_ =	swait.ge [sflag:s4], $0x2800  }
0x36: {  	[sflag:s4] =	ssyncset.done $0x0  }
0x37: {  	s19 =	rddreg [dreg:$0x8];
	[sflag:s4] =	ssyncadd.s32 $0xFFFFD800  }
0x38: {  	[hbm4b:s19+s3] =	stream.linear.scatter [tilespmem:s31], [sflag:$0x9], $0x2800, $0x38;
	[tilespmem:$0xB280] =	vst v63  }
0x39: {  	_ =	swait.ge [sflag:s5], $0x2800  }
0x3a: {  	[sflag:s5] =	ssyncset.done $0x0  }
0x3b: {  	s20 =	rddreg [dreg:$0x9];
	[sflag:s5] =	ssyncadd.s32 $0xFFFFD800  }
0x3c: {  	[hbm4b:s20+s3] =	stream.linear.scatter [tilespmem:s1], [sflag:$0xA], $0x2800, $0x38;
	[tilespmem:$0xB280] =	vst v63  }
0x3d: {  	s21 =	rddreg [dreg:$0x12]  }
0x3e: {  	[tilespmem:s6], [sflag:$0x2] =	stream.linear.gather [hbm4b:s21+s3], $0x50, $0x38;
	[tilespmem:$0xB280] =	vst v63  }
0x3f: {  	s23 =	rddreg [dreg:$0x13]  }
0x40: {  	[tilespmem:s7], [sflag:$0x4] =	stream.linear.gather [hbm4b:s23+s3], $0x50, $0x38;
	[tilespmem:$0xB280] =	vst v63  }
0x41: {  	_ =	swait.ge [sflag:s8], $0x50  }
0x42: {  	[sflag:s8] =	ssyncset.done $0x0  }
0x43: {  	[sflag:s8] =	ssyncadd.s32 $0xFFFFFFB0  }
0x44: {  	[tilespmem:s9], [sflag:$0x6] =	stream.indirect.gather [hbm4b:s22+s30], $0x80, s6, s30, $0xb8;
	[tilespmem:$0xB280] =	vst v63  }
0x45: {  	_ =	swait.ge [sflag:s10], $0x50  }
0x46: {  	[sflag:s10] =	ssyncset.done $0x0  }
0x47: {  	[sflag:s10] =	ssyncadd.s32 $0xFFFFFFB0  }
0x48: {  	[tilespmem:s11], [sflag:$0x8] =	stream.indirect.gather [hbm4b:s2+s30], $0x80, s7, s30, $0xb8;
	[tilespmem:$0xB280] =	vst v63  }
0x49: {  	_ =	swait.ge [sflag:s12], $0x2800  }
0x4a: {  	[sflag:s12] =	ssyncset.done $0x0  }
0x4b: {  	[sflag:s12] =	ssyncadd.s32 $0xFFFFD800  }
0x4c: {  	_ =	swait.ge [sflag:s15], $0x2800  }
0x4d: {  	[sflag:s15] =	ssyncset.done $0x0  }
0x4e: {  	[sflag:s15] =	ssyncadd.s32 $0xFFFFD800  }
0x4f: {  	_ =	swait.ge [sflag:s16], $0x2800  }
0x50: {  	[sflag:s16] =	ssyncset.done $0x0  }
0x51: {  	s24 =	rddreg [dreg:$0xa];
	[sflag:s16] =	ssyncadd.s32 $0xFFFFD800  }
0x52: {  	[hbm4b:s24+s3] =	stream.linear.scatter [tilespmem:s9], [sflag:$0x9], $0x2800, $0x38;
	[tilespmem:$0xB280] =	vst v63  }
0x53: {  	_ =	swait.ge [sflag:s17], $0x2800  }
0x54: {  	[sflag:s17] =	ssyncset.done $0x0  }
0x55: {  	s25 =	rddreg [dreg:$0xb];
	[sflag:s17] =	ssyncadd.s32 $0xFFFFD800  }
0x56: {  	[hbm4b:s25+s3] =	stream.linear.scatter [tilespmem:s11], [sflag:$0xA], $0x2800, $0x38;
	[tilespmem:$0xB280] =	vst v63  }
0x57: {  	s14 =	rddreg [dreg:$0x15]  }
0x58: {  	[tilespmem:s3], [sflag:$0x1] =	stream.linear.gather [hbm4b:s14+s3], $0x50, $0x38;
	[tilespmem:$0xB280] =	vst v63  }
0x59: {  	s18 =	rddreg [dreg:$0x16]  }
0x5a: {  	[tilespmem:s28], [sflag:$0x3] =	stream.linear.gather [hbm4b:s18+s3], $0x50, $0x38;
	[tilespmem:$0xB280] =	vst v63  }
0x5b: {  	_ =	swait.ge [sflag:s29], $0x50  }
0x5c: {  	[sflag:s29] =	ssyncset.done $0x0  }
0x5d: {  	[sflag:s29] =	ssyncadd.s32 $0xFFFFFFB0  }
0x5e: {  	[tilespmem:s31], [sflag:$0x5] =	stream.indirect.gather [hbm4b:s22+s30], $0x80, s3, s30, $0xb8;
	[tilespmem:$0xB280] =	vst v63  }
0x5f: {  	_ =	swait.ge [sflag:s0], $0x50  }
0x60: {  	[sflag:s0] =	ssyncset.done $0x0  }
0x61: {  	[sflag:s0] =	ssyncadd.s32 $0xFFFFFFB0  }
0x62: {  	[tilespmem:s1], [sflag:$0x7] =	stream.indirect.gather [hbm4b:s2+s30], $0x80, s28, s30, $0xb8;
	[tilespmem:$0xB280] =	vst v63  }
0x63: {  	_ =	swait.ge [sflag:s12], $0x2800  }
0x64: {  	[sflag:s12] =	ssyncset.done $0x0  }
0x65: {  	[sflag:s12] =	ssyncadd.s32 $0xFFFFD800  }
0x66: {  	_ =	swait.ge [sflag:s15], $0x2800  }
0x67: {  	[sflag:s15] =	ssyncset.done $0x0  }
0x68: {  	[sflag:s15] =	ssyncadd.s32 $0xFFFFD800  }
0x69: {  	_ =	swait.ge [sflag:s4], $0x2800  }
0x6a: {  	s13 =	rddreg [dreg:$0x10]  }
0x6b: {  	[sflag:s4] =	ssyncset.done $0x0;
	s18 =	sadd.s32 s13, s26  }
0x6c: {  	[sflag:s4] =	ssyncadd.s32 $0xFFFFD800;
	s20 =	sadd.s32 $0xA00, s18  }
0x6d: {  	[hbm4b:s20+s3] =	stream.linear.scatter [tilespmem:s31], [sflag:$0x9], $0x2800, $0x38;
	[tilespmem:$0xB280] =	vst v63  }
0x6e: {  	_ =	swait.ge [sflag:s5], $0x2800  }
0x6f: {  	s14 =	rddreg [dreg:$0x11]  }
0x70: {  	[sflag:s5] =	ssyncset.done $0x0;
	s19 =	sadd.s32 s14, s26  }
0x71: {  	s24 =	rddreg [dreg:$0x6];
	[sflag:s5] =	ssyncadd.s32 $0xFFFFD800;
	s25 =	sadd.s32 $0xA00, s19  }
0x72: {  	[hbm4b:s25+s3] =	stream.linear.scatter [tilespmem:s1], [sflag:$0xA], $0x2800, $0x38;
	[tilespmem:$0xB280] =	vst v63  }
0x73: {  	s21 =	rddreg [dreg:$0x5];
	s24 =	sadd.s32 $0x0, s24  }
0x74: {  	[tilespmem:s6], [sflag:$0x2] =	stream.linear.gather [hbm4b:s24+s3], $0x50, $0x38;
	[tilespmem:$0xB280] =	vst v63  }
0x75: {  	s23 =	sadd.s32 $0x0, s21  }
0x76: {  	[tilespmem:s7], [sflag:$0x4] =	stream.linear.gather [hbm4b:s23+s3], $0x50, $0x38;
	[tilespmem:$0xB280] =	vst v63  }
0x77: {  	_ =	swait.ge [sflag:s8], $0x50  }
0x78: {  	[sflag:s8] =	ssyncset.done $0x0  }
0x79: {  	[sflag:s8] =	ssyncadd.s32 $0xFFFFFFB0  }
0x7a: {  	[tilespmem:s9], [sflag:$0x6] =	stream.indirect.gather [hbm4b:s22+s30], $0x80, s6, s30, $0xb8;
	[tilespmem:$0xB280] =	vst v63  }
0x7b: {  	_ =	swait.ge [sflag:s10], $0x50  }
0x7c: {  	[sflag:s10] =	ssyncset.done $0x0  }
0x7d: {  	[sflag:s10] =	ssyncadd.s32 $0xFFFFFFB0  }
0x7e: {  	[tilespmem:s11], [sflag:$0x8] =	stream.indirect.gather [hbm4b:s2+s30], $0x80, s7, s30, $0xb8;
	[tilespmem:$0xB280] =	vst v63  }
0x7f: {  	_ =	swait.ge [sflag:s12], $0x2800  }
0x80: {  	[sflag:s12] =	ssyncset.done $0x0  }
0x81: {  	[sflag:s12] =	ssyncadd.s32 $0xFFFFD800  }
0x82: {  	_ =	swait.ge [sflag:s15], $0x2800  }
0x83: {  	[sflag:s15] =	ssyncset.done $0x0  }
0x84: {  	[sflag:s15] =	ssyncadd.s32 $0xFFFFD800  }
0x85: {  	_ =	swait.ge [sflag:s16], $0x2800  }
0x86: {  	[sflag:s16] =	ssyncset.done $0x0  }
0x87: {  	s18 =	sadd.s32 $0xF00, s18;
	[sflag:s16] =	ssyncadd.s32 $0xFFFFD800  }
0x88: {  	[hbm4b:s18+s3] =	stream.linear.scatter [tilespmem:s9], [sflag:$0x9], $0x2800, $0x38;
	[tilespmem:$0xB280] =	vst v63  }
0x89: {  	_ =	swait.ge [sflag:s17], $0x2800  }
0x8a: {  	[sflag:s17] =	ssyncset.done $0x0  }
0x8b: {  	s20 =	sadd.s32 $0xF00, s19;
	s24 =	rddreg [dreg:$0x4];
	[sflag:s17] =	ssyncadd.s32 $0xFFFFD800  }
0x8c: {  	[hbm4b:s20+s3] =	stream.linear.scatter [tilespmem:s11], [sflag:$0xA], $0x2800, $0x38;
	[tilespmem:$0xB280] =	vst v63  }
0x8d: {  	s25 =	rddreg [dreg:$0x3];
	s18 =	sadd.s32 $0x0, s24;
	s24 =	simm.s32 $0x14  }
0x8e: {  	[tilespmem:s3], [sflag:$0x1] =	stream.linear.gather [hbm4b:s18+s3], $0x50, $0x38;
	[tilespmem:$0xB280] =	vst v63  }
0x8f: {  	s20 =	sadd.s32 $0x0, s25;
	s25 =	sadd.s32 $0xA00, s13;
	s18 =	sadd.s32 $0xA00, s14  }
.LBB2_2:
0x90: {  	[tilespmem:s28], [sflag:$0x3] =	stream.linear.gather [hbm4b:s20+s3], $0x50, $0x38;
	[tilespmem:$0xB280] =	vst v63  }
0x91: {  	_ =	swait.ge [sflag:s29], $0x50  }
0x92: {  	[sflag:s29] =	ssyncset.done $0x0  }
0x93: {  	[sflag:s29] =	ssyncadd.s32 $0xFFFFFFB0  }
0x94: {  	[tilespmem:s31], [sflag:$0x5] =	stream.indirect.gather [hbm4b:s22+s30], $0x80, s3, s30, $0xb8;
	[tilespmem:$0xB280] =	vst v63  }
0x95: {  	_ =	swait.ge [sflag:s0], $0x50  }
0x96: {  	[sflag:s0] =	ssyncset.done $0x0  }
0x97: {  	[sflag:s0] =	ssyncadd.s32 $0xFFFFFFB0  }
0x98: {  	[tilespmem:s1], [sflag:$0x7] =	stream.indirect.gather [hbm4b:s2+s30], $0x80, s28, s30, $0xb8;
	[tilespmem:$0xB280] =	vst v63  }
0x99: {  	_ =	swait.ge [sflag:s12], $0x2800  }
0x9a: {  	[sflag:s12] =	ssyncset.done $0x0  }
0x9b: {  	[sflag:s12] =	ssyncadd.s32 $0xFFFFD800  }
0x9c: {  	_ =	swait.ge [sflag:s15], $0x2800  }
0x9d: {  	[sflag:s15] =	ssyncset.done $0x0  }
0x9e: {  	[sflag:s15] =	ssyncadd.s32 $0xFFFFD800  }
0x9f: {  	_ =	swait.ge [sflag:s4], $0x2800  }
0xa0: {  	s21 =	sadd.s32 s25, s26;
	[sflag:s4] =	ssyncset.done $0x0  }
0xa1: {  	s13 =	sadd.s32 $0xA00, s21;
	[sflag:s4] =	ssyncadd.s32 $0xFFFFD800  }
0xa2: {  	[hbm4b:s13+s3] =	stream.linear.scatter [tilespmem:s31], [sflag:$0x9], $0x2800, $0x38;
	[tilespmem:$0xB280] =	vst v63  }
0xa3: {  	_ =	swait.ge [sflag:s5], $0x2800  }
0xa4: {  	s20 =	smov.u32 s24;
	s13 =	sadd.s32 s18, s26;
	[sflag:s5] =	ssyncset.done $0x0  }
0xa5: {  	s19 =	sadd.s32 $0xA00, s13;
	s14 =	rddreg [dreg:$0x6];
	[sflag:s5] =	ssyncadd.s32 $0xFFFFD800  }
0xa6: {  	[hbm4b:s19+s3] =	stream.linear.scatter [tilespmem:s1], [sflag:$0xA], $0x2800, $0x38;
	[tilespmem:$0xB280] =	vst v63  }
0xa7: {  	s23 =	rddreg [dreg:$0x5];
	s14 =	sadd.s32 s20, s14  }
0xa8: {  	[tilespmem:s6], [sflag:$0x2] =	stream.linear.gather [hbm4b:s14+s3], $0x50, $0x38;
	[tilespmem:$0xB280] =	vst v63  }
0xa9: {  	s19 =	sadd.s32 s20, s23  }
0xaa: {  	[tilespmem:s7], [sflag:$0x4] =	stream.linear.gather [hbm4b:s19+s3], $0x50, $0x38;
	[tilespmem:$0xB280] =	vst v63  }
0xab: {  	_ =	swait.ge [sflag:s8], $0x50  }
0xac: {  	[sflag:s8] =	ssyncset.done $0x0  }
0xad: {  	[sflag:s8] =	ssyncadd.s32 $0xFFFFFFB0  }
0xae: {  	[tilespmem:s9], [sflag:$0x6] =	stream.indirect.gather [hbm4b:s22+s30], $0x80, s6, s30, $0xb8;
	[tilespmem:$0xB280] =	vst v63  }
0xaf: {  	_ =	swait.ge [sflag:s10], $0x50  }
0xb0: {  	[sflag:s10] =	ssyncset.done $0x0  }
0xb1: {  	[sflag:s10] =	ssyncadd.s32 $0xFFFFFFB0  }
0xb2: {  	[tilespmem:s11], [sflag:$0x8] =	stream.indirect.gather [hbm4b:s2+s30], $0x80, s7, s30, $0xb8;
	[tilespmem:$0xB280] =	vst v63  }
0xb3: {  	_ =	swait.ge [sflag:s12], $0x2800  }
0xb4: {  	[sflag:s12] =	ssyncset.done $0x0  }
0xb5: {  	[sflag:s12] =	ssyncadd.s32 $0xFFFFD800  }
0xb6: {  	_ =	swait.ge [sflag:s15], $0x2800  }
0xb7: {  	[sflag:s15] =	ssyncset.done $0x0  }
0xb8: {  	[sflag:s15] =	ssyncadd.s32 $0xFFFFD800  }
0xb9: {  	_ =	swait.ge [sflag:s16], $0x2800  }
0xba: {  	[sflag:s16] =	ssyncset.done $0x0  }
0xbb: {  	p0 =	sne.s32 s24, $0x8C;
	s23 =	sadd.s32 $0xF00, s21;
	[sflag:s16] =	ssyncadd.s32 $0xFFFFD800  }
0xbc: {  	[hbm4b:s23+s3] =	stream.linear.scatter [tilespmem:s9], [sflag:$0x9], $0x2800, $0x38;
	[tilespmem:$0xB280] =	vst v63  }
0xbd: {  	s24 =	sadd.s32 $0x14, s24;
	s25 =	sadd.s32 $0xA00, s25;
	_ =	swait.ge [sflag:s17], $0x2800  }
.Ltmp0:
0xbe: {  	[sflag:s17] =	ssyncset.done $0x0;
	s19 =	rddreg [dreg:$0x4];
	(pc) =	sbr.rel @p0 .LBB2_2-.Ltmp0, $4  }
0xbf: {  	s13 =	sadd.s32 $0xF00, s13;
	s21 =	rddreg [dreg:$0x3];
	[sflag:s17] =	ssyncadd.s32 $0xFFFFD800  }
0xc0: {  	[hbm4b:s13+s3] =	stream.linear.scatter [tilespmem:s11], [sflag:$0xA], $0x2800, $0x38;
	[tilespmem:$0xB280] =	vst v63  }
0xc1: {  	s18 =	sadd.s32 $0xA00, s18;
	s23 =	sadd.s32 s20, s19;
	s20 =	sadd.s32 s20, s21  }
0xc2: {  	[tilespmem:s3], [sflag:$0x1] =	stream.linear.gather [hbm4b:s23+s3], $0x50, $0x38;
	[tilespmem:$0xB280] =	vst v63  }
0xc3: {  	[tilespmem:s28], [sflag:$0x3] =	stream.linear.gather [hbm4b:s20+s3], $0x50, $0x38;
	[tilespmem:$0xB280] =	vst v63  }
0xc4: {  	_ =	swait.ge [sflag:s29], $0x50  }
0xc5: {  	[sflag:s29] =	ssyncset.done $0x0  }
0xc6: {  	[sflag:s29] =	ssyncadd.s32 $0xFFFFFFB0  }
0xc7: {  	[tilespmem:s31], [sflag:$0x5] =	stream.indirect.gather [hbm4b:s22+s30], $0x80, s3, s30, $0xb8;
	[tilespmem:$0xB280] =	vst v63  }
0xc8: {  	_ =	swait.ge [sflag:s0], $0x50  }
0xc9: {  	[sflag:s0] =	ssyncset.done $0x0  }
0xca: {  	[sflag:s0] =	ssyncadd.s32 $0xFFFFFFB0  }
0xcb: {  	[tilespmem:s1], [sflag:$0x7] =	stream.indirect.gather [hbm4b:s2+s30], $0x80, s28, s30, $0xb8;
	[tilespmem:$0xB280] =	vst v63  }
0xcc: {  	_ =	swait.ge [sflag:s12], $0x2800  }
0xcd: {  	[sflag:s12] =	ssyncset.done $0x0  }
0xce: {  	[sflag:s12] =	ssyncadd.s32 $0xFFFFD800  }
0xcf: {  	_ =	swait.ge [sflag:s15], $0x2800  }
0xd0: {  	[sflag:s15] =	ssyncset.done $0x0  }
0xd1: {  	[sflag:s15] =	ssyncadd.s32 $0xFFFFD800  }
0xd2: {  	_ =	swait.ge [sflag:s4], $0x2800  }
0xd3: {  	[sflag:s4] =	ssyncset.done $0x0  }
0xd4: {  	s13 =	rddreg [dreg:$0xc];
	[sflag:s4] =	ssyncadd.s32 $0xFFFFD800  }
0xd5: {  	[hbm4b:s13+s3] =	stream.linear.scatter [tilespmem:s31], [sflag:$0x9], $0x2800, $0x38;
	[tilespmem:$0xB280] =	vst v63  }
0xd6: {  	_ =	swait.ge [sflag:s5], $0x2800  }
0xd7: {  	[sflag:s5] =	ssyncset.done $0x0  }
0xd8: {  	s23 =	rddreg [dreg:$0xd];
	[sflag:s5] =	ssyncadd.s32 $0xFFFFD800  }
0xd9: {  	[hbm4b:s23+s3] =	stream.linear.scatter [tilespmem:s1], [sflag:$0xA], $0x2800, $0x38;
	[tilespmem:$0xB280] =	vst v63  }
0xda: {  	s24 =	rddreg [dreg:$0x18]  }
0xdb: {  	[tilespmem:s6], [sflag:$0x2] =	stream.linear.gather [hbm4b:s24+s3], $0x50, $0x38;
	[tilespmem:$0xB280] =	vst v63  }
0xdc: {  	s25 =	rddreg [dreg:$0x17]  }
0xdd: {  	[tilespmem:s7], [sflag:$0x4] =	stream.linear.gather [hbm4b:s25+s3], $0x50, $0x38;
	[tilespmem:$0xB280] =	vst v63  }
0xde: {  	_ =	swait.ge [sflag:s8], $0x50  }
0xdf: {  	[sflag:s8] =	ssyncset.done $0x0  }
0xe0: {  	[sflag:s8] =	ssyncadd.s32 $0xFFFFFFB0  }
0xe1: {  	[tilespmem:s9], [sflag:$0x6] =	stream.indirect.gather [hbm4b:s22+s30], $0x80, s6, s30, $0xb8;
	[tilespmem:$0xB280] =	vst v63  }
0xe2: {  	_ =	swait.ge [sflag:s10], $0x50  }
0xe3: {  	[sflag:s10] =	ssyncset.done $0x0  }
0xe4: {  	[sflag:s10] =	ssyncadd.s32 $0xFFFFFFB0  }
0xe5: {  	[tilespmem:s11], [sflag:$0x8] =	stream.indirect.gather [hbm4b:s2+s30], $0x80, s7, s30, $0xb8;
	[tilespmem:$0xB280] =	vst v63  }
0xe6: {  	_ =	swait.ge [sflag:s12], $0x2800  }
0xe7: {  	[sflag:s12] =	ssyncset.done $0x0  }
0xe8: {  	[sflag:s12] =	ssyncadd.s32 $0xFFFFD800  }
0xe9: {  	_ =	swait.ge [sflag:s15], $0x2800  }
0xea: {  	[sflag:s15] =	ssyncset.done $0x0  }
0xeb: {  	[sflag:s15] =	ssyncadd.s32 $0xFFFFD800  }
0xec: {  	_ =	swait.ge [sflag:s16], $0x2800  }
0xed: {  	[sflag:s16] =	ssyncset.done $0x0  }
0xee: {  	s14 =	rddreg [dreg:$0xe];
	[sflag:s16] =	ssyncadd.s32 $0xFFFFD800  }
0xef: {  	[hbm4b:s14+s3] =	stream.linear.scatter [tilespmem:s9], [sflag:$0x9], $0x2800, $0x38;
	[tilespmem:$0xB280] =	vst v63  }
0xf0: {  	_ =	swait.ge [sflag:s17], $0x2800  }
0xf1: {  	[sflag:s17] =	ssyncset.done $0x0  }
0xf2: {  	s18 =	rddreg [dreg:$0xf];
	[sflag:s17] =	ssyncadd.s32 $0xFFFFD800  }
0xf3: {  	[hbm4b:s18+s3] =	stream.linear.scatter [tilespmem:s11], [sflag:$0xA], $0x2800, $0x38;
	[tilespmem:$0xB280] =	vst v63  }
0xf4: {  	_ =	swait.ge [sflag:s12], $0x2800  }
0xf5: {  	[sflag:s12] =	ssyncset.done $0x0  }
0xf6: {  	[sflag:s12] =	ssyncadd.s32 $0xFFFFD800  }
0xf7: {  	_ =	swait.ge [sflag:s15], $0x2800  }
0xf8: {  	s14 =	simm.s32 $0xA200;
	[sflag:s15] =	ssyncset.done $0x0  }
0xf9: {  	s18 =	simm.s32 $0xC;
	s19 =	rddreg [dreg:$0x19];
	[sflag:s15] =	ssyncadd.s32 $0xFFFFD800  }
0xfa: {  	[tilespmem:s14], [sflag:$0xC] =	stream.linear.gather [hbm4b:s19+s3], $0x20, $0x38;
	[tilespmem:$0xB280] =	vst v63  }
0xfb: {  	_ =	swait.ge [sflag:s18], $0x20  }
0xfc: {  	s20 =	simm.s32 $0x20;
	[sflag:s18] =	ssyncset.done $0x0  }
0xfd: {  	s21 =	simm.s32 $0xB;
	s19 =	simm.s32 $0xA280;
	[sflag:s18] =	ssyncadd.s32 $0xFFFFFFE0  }
0xfe: {  	[tilespmem:s19], [sflag:$0xB] =	stream.indirect.gather [hbm4b:s22+s20], $0x80, s14, s20, $0xb8;
	[tilespmem:$0xB280] =	vst v63  }
0xff: {  	_ =	swait.ge [sflag:s21], $0x1000  }
0x100: {  	[sflag:s21] =	ssyncset.done $0x0  }
0x101: {  	s23 =	rddreg [dreg:$0x1a];
	[sflag:s21] =	ssyncadd.s32 $0xFFFFF000  }
0x102: {  	[hbm4b:s23+s3] =	stream.linear.scatter [tilespmem:s19], [sflag:$0xC], $0x1000, $0x38;
	[tilespmem:$0xB280] =	vst v63  }
0x103: {  	_ =	swait.ge [sflag:s18], $0x1000  }
0x104: {  	s24 =	rddreg [dreg:$0x1c]  }
0x105: {  	s25 =	rddreg [dreg:$0x1b];
	s14 =	sadd.s32 $0x1, s24  }
0x106: {  	p0 =	sne.s32 s14, s25  }
.Ltmp1:
0x107: {  	_ = 	snop;
	(pc) =	sbr.rel @p0 .LBB2_1-.Ltmp1, $3  }
0x108: {  	_ =	sdelay $0x1  }
0x109: {  	[sflag:s18] =	ssyncset.done $0x0  }
0x10a: {  	[sflag:s18] =	ssyncadd.s32 $0xFFFFF000  }
0x10b: {  	_ =	sfence.sel $0x180000  }
0x10c: {  	[bflag:$0x0] =	sbarrier.arrive $0xFFFF  }
0x10d: {  	_ =	strace $0x9000004A  }
0x10e: {  	s0 =	stileid.u32;
	[bflag:$0x2] =	sbarrier.arrive $0xFFFF  }
0x10f: {  	p0 =	sne.s32 s0, $0x0;
	s0 =	rddreg [dreg:$0x2]  }
0x110: {  	s0 =	sadd.s32 @!p0 $0x100000, s0  }
0x111: {  	[sflag:s0] =	ssyncadd.tile.s32 @!p0 $0x1;
	_ =	shalt  }
.Lfunc_end2:
_tile_overlayer_lowered:
.L_overlay_start_2:
0x112: {  	(tag) =	ssettag $0x2  }
0x113: {  	s0 =	rddreg [dreg:$0x0];
	s2 =	stileid.u32  }
0x114: {  	s1 =	rddreg [dreg:$0x1];
	p0 =	sne.s32 s2, $0x0  }
0x115: {  	s3 =	rddreg [dreg:$0x2];
	[bflag:$0x3] =	sbarrier.arrive $0xFFFF;
	s2 =	simm.s32 @!p0 $0x1C0C  }
0x116: {  	[timem:s3], [sflag:s2] =	dma.local @!p0 [hbm:s0], s1  }
0x117: {  	s0 =	simm.s32 @!p0 $0xC  }
0x118: {  	_ =	swait.ge @!p0 [sflag:s0], s1  }
0x119: {  	s1 =	ssub.s32 @!p0 $0x0, s1;
	[sflag:s0] =	ssyncset.done @!p0 $0x0  }
0x11a: {  	[sflag:s0] =	ssyncadd.s32 @!p0 s1  }
0x11b: {  	[bflag:$0x3] =	sbarrier.arrive $0xFFFF  }
0x11c: {  	_ =	shalt  }

// kernel: kernel.7.cloned.1.call-start
scs
__scs_entry_jumppad:
0x0: {  	(pc) =	sbr.rel $0x88, $3  }
0x1: {  	(tag) =	ssettag $0x0;
	lr =	simm.s32 $0x1  }
0x2: {  	[smem:$0x3F8B] =	sst lr;
	_ =	strace $0xD0000000  }
0x3: {  	_ = 	snop  }
0x4: {  	_ = 	snop  }
0x5: {  	_ = 	snop  }
0x6: {  	_ = 	snop  }
0x7: {  	_ = 	snop  }
__scs_overlays_trampoline_lowered:
0x8: {  	[smem:$0x3F9A] =	sst s0  }
0x9: {  	[smem:$0x3F9B] =	sst s1  }
0xa: {  	[smem:$0x3F9C] =	sst s2  }
0xb: {  	[smem:$0x3F9D] =	sst s3  }
0xc: {  	[smem:$0x3F9E] =	sst s4  }
0xd: {  	[smem:$0x3F9F] =	sst s5  }
0xe: {  	[smem:$0x3FA0] =	sst s6  }
0xf: {  	[smem:$0x3FA1] =	sst s7  }
0x10: {  	[smem:$0x3FA2] =	sst s8  }
0x11: {  	[smem:$0x3FA3] =	sst s9;
	s0 =	simm.s32 @!p0 $0x0  }
0x12: {  	s1 =	sld [smem:$0x3F89];
	s0 =	simm.s32 @p0 $0x1  }
0x13: {  	[smem:$0x3FA4] =	sst s0;
	s0 =	simm.s32 @!p1 $0x0  }
0x14: {  	s2 =	sld [smem:$0x3F88];
	s0 =	simm.s32 @p1 $0x1  }
0x15: {  	[smem:$0x3FA5] =	sst s0;
	s0 =	simm.s32 @!p2 $0x0  }
0x16: {  	s3 =	sld [smem:$0x3FDB];
	s0 =	simm.s32 @p2 $0x1  }
0x17: {  	s4 =	simm.s32 $0x1BF5;
	[smem:$0x3FA7] =	sst s0  }
0x18: {  	s0 =	sld [smem:$0x3F8A];
	_ =	swait.ge [sflag:s4], $0x0  }
0x19: {  	s7 =	sld [smem:$0x3F8B]  }
0x1a: {  	s8 =	sadd.s32 $0xFFFFE003, lr  }
0x1b: {  	s9 =	sadd.s32 $0xFFFFFEF7, lr;
	s5 =	simm.s32 $0xFFFFFFFF;
	p2 =	slt.u32 s8, $0xFFFFF086  }
0x1c: {  	p1 =	slt.u32 s9, $0xF7A;
	s5 =	simm.s32 @!p2 $0x0  }
0x1d: {  	s5 =	simm.s32 @p1 $0x1;
	p0 =	seq.s32 s7, s2  }
0x1e: {  	s7 =	smul.u32 @!p0 $0xF7A, s2;
	p2 =	seq.s32 @!p0 s5, $0x0  }
0x1f: {  	s9 =	smul.u32 $0xF7A, s1;
	s8 =	simm.s32 @!p0 $0x1BF5;
	p2 =	por !p2, p0  }
0x20: {  	[sflag:s8] =	ssyncset.s32 @!p0 $0xFFFFF086;
	s6 =	sadd.s32 @!p0 s3, s7;
	s7 =	simm.s32 @!p0 $0x108  }
0x21: {  	s3 =	sadd.s32 s3, s9;
	s6 =	sadd.s32 @!p0 $0x88, s6;
	s7 =	simm.s32 @p2 $0x1082  }
0x22: {  	[simem:s7], [sflag:s8] =	dma.local @!p0 [hbm:s6], $0xF7A  }
0x23: {  	s9 =	sor.u32 $0xD0000000, s2;
	s6 =	simm.s32 $0x108;
	_ =	swait.ge @!p0 [sflag:s8], $0x0  }
0x24: {  	s3 =	sadd.s32 $0x88, s3;
	s6 =	simm.s32 @!p1 $0x1082;
	[sflag:s4] =	ssyncset.s32 $0xFFFFF086  }
0x25: {  	[simem:s6], [sflag:s4] =	dma.local [hbm:s3], $0xF7A  }
0x26: {  	[smem:$0x3F8B] =	sst s1;
	(tag) =	ssettag s2;
	_ =	strace s9  }
0x27: {  	s1 =	sld [smem:$0x3F9B]  }
0x28: {  	s2 =	sld [smem:$0x3F9C]  }
0x29: {  	s4 =	sld [smem:$0x3F9E]  }
0x2a: {  	p0 =	seq.s32 s5, $0x0;
	s5 =	sld [smem:$0x3F9F]  }
0x2b: {  	s6 =	sld [smem:$0x3FA0]  }
0x2c: {  	s7 =	sld [smem:$0x3FA1]  }
0x2d: {  	s3 =	simm.s32 $0x108;
	s8 =	sld [smem:$0x3FA2]  }
0x2e: {  	s3 =	simm.s32 @!p0 $0x1082;
	s9 =	sld [smem:$0x3FA3]  }
0x2f: {  	lr =	sadd.s32 s0, s3;
	s0 =	sld [smem:$0x3F9A]  }
0x30: {  	s3 =	sld [smem:$0x3F9D]  }
0x31: {  	[smem:$0x3FA6] =	sst s10  }
0x32: {  	s10 =	sld [smem:$0x3FA4];
	_ =	sdelay $0x3  }
0x33: {  	p0 =	seq.s32 s10, $0x1;
	s10 =	sld [smem:$0x3FA6];
	_ =	sdelay $0x3  }
0x34: {  	[smem:$0x3FA6] =	sst s10  }
0x35: {  	s10 =	sld [smem:$0x3FA5];
	_ =	sdelay $0x3  }
0x36: {  	p1 =	seq.s32 s10, $0x1;
	s10 =	sld [smem:$0x3FA6];
	_ =	sdelay $0x3  }
0x37: {  	[smem:$0x3FA6] =	sst s10  }
0x38: {  	s10 =	sld [smem:$0x3FA7]  }
0x39: {  	_ = 	snop;
	(pc) =	sbr.ind lr, $3  }
0x3a: {  	_ = 	snop  }
0x3b: {  	_ = 	snop  }
0x3c: {  	p2 =	seq.s32 s10, $0x1;
	s10 =	sld [smem:$0x3FA6]  }
0x3d: {  	_ =	shalt  }
0x3e: {  	_ =	shalt  }
0x3f: {  	_ =	shalt  }
0x40: {  	_ =	shalt  }
0x41: {  	_ =	shalt  }
0x42: {  	_ =	shalt  }
0x43: {  	_ =	shalt  }
0x44: {  	_ =	shalt  }
0x45: {  	_ =	shalt  }
0x46: {  	_ =	shalt  }
0x47: {  	_ =	shalt  }
0x48: {  	_ =	shalt  }
0x49: {  	_ =	shalt  }
0x4a: {  	_ =	shalt  }
0x4b: {  	_ =	shalt  }
0x4c: {  	_ =	shalt  }
0x4d: {  	_ =	shalt  }
0x4e: {  	_ =	shalt  }
0x4f: {  	_ =	shalt  }
0x50: {  	_ =	shalt  }
0x51: {  	_ =	shalt  }
0x52: {  	_ =	shalt  }
0x53: {  	_ =	shalt  }
0x54: {  	_ =	shalt  }
0x55: {  	_ =	shalt  }
0x56: {  	_ =	shalt  }
0x57: {  	_ =	shalt  }
0x58: {  	_ =	shalt  }
0x59: {  	_ =	shalt  }
0x5a: {  	_ =	shalt  }
0x5b: {  	_ =	shalt  }
0x5c: {  	_ =	shalt  }
0x5d: {  	_ =	shalt  }
0x5e: {  	_ =	shalt  }
0x5f: {  	_ =	shalt  }
0x60: {  	_ =	shalt  }
0x61: {  	_ =	shalt  }
0x62: {  	_ =	shalt  }
0x63: {  	_ =	shalt  }
0x64: {  	_ =	shalt  }
0x65: {  	_ =	shalt  }
0x66: {  	_ =	shalt  }
0x67: {  	_ =	shalt  }
0x68: {  	_ =	shalt  }
0x69: {  	_ =	shalt  }
0x6a: {  	_ =	shalt  }
0x6b: {  	_ =	shalt  }
0x6c: {  	_ =	shalt  }
0x6d: {  	_ =	shalt  }
0x6e: {  	_ =	shalt  }
0x6f: {  	_ =	shalt  }
0x70: {  	_ =	shalt  }
0x71: {  	_ =	shalt  }
0x72: {  	_ =	shalt  }
0x73: {  	_ =	shalt  }
0x74: {  	_ =	shalt  }
0x75: {  	_ =	shalt  }
0x76: {  	_ =	shalt  }
0x77: {  	_ =	shalt  }
0x78: {  	_ =	shalt  }
0x79: {  	_ =	shalt  }
0x7a: {  	_ =	shalt  }
0x7b: {  	_ =	shalt  }
0x7c: {  	_ =	shalt  }
0x7d: {  	_ =	shalt  }
0x7e: {  	_ =	shalt  }
0x7f: {  	_ =	shalt  }
0x80: {  	_ =	shalt  }
0x81: {  	_ =	shalt  }
0x82: {  	_ =	shalt  }
0x83: {  	_ =	shalt  }
0x84: {  	_ =	shalt  }
0x85: {  	_ =	shalt  }
0x86: {  	_ =	shalt  }
0x87: {  	_ =	shalt  }
.Lfunc_end0:
.L_simem_size_0:
called_computation_lowered:
.L_overlay_start_0:
0x88: {  	s2 =	sld [smem:$0x3FD9]  }
0x89: {  	s3 =	sld [smem:$0x3FFE];
	_ =	sdelay $0x1  }
0x8a: {  	s1 =	srdreg.scid  }
0x8b: {  	s0 =	sand.u32 $0x1, s1  }
0x8c: {  	s17 =	sshll.u32 s0, $0xA;
	s2 =	sadd.s32 s3, s2  }
0x8d: {  	s2 =	sadd.s32 s2, s17  }
0x8e: {  	[smem:$0x3FB2] =	sst s2  }
0x8f: {  	_ = 	snop  }
0x90: {  	s2 =	sld [smem:$0x3FC4]  }
0x91: {  	s18 =	sld [smem:$0x3FD0];
	(tm) =	ssettm $0x1  }
0x92: {  	s4 =	sld [smem:$0x3FFB];
	_ =	sdelay $0x3  }
0x93: {  	_ =	strace s4  }
0x94: {  	s4 =	sld [smem:$0x3FFC];
	_ =	sdelay $0x3  }
0x95: {  	_ =	strace s4  }
0x96: {  	s4 =	sld [smem:$0x3FFD];
	_ =	sdelay $0x3  }
0x97: {  	_ =	strace s4  }
0x98: {  	_ =	strace $0x8FFFFFFF  }
0x99: {  	s19 =	sld [smem:$0x3FDB];
	_ =	sdelay $0x1  }
0x9a: {  	s5 =	simm.s32 $_scs_section_size  }
0x9b: {  	s6 =	simm.s32 $_size__tile_overlayer_lowered;
	s7 =	simm.s32 $_tile_overlayer_lowered  }
0x9c: {  	s22 =	simm.s32 $0x1BFF;
	s21 =	sshll.u32 s7, $0x1;
	s4 =	sadd.s32 s5, s19  }
0x9d: {  	s8 =	simm.s32 $0x0;
	s20 =	sshll.u32 s6, $0x1;
	s6 =	sadd.s32 s21, s4  }
0x9e: {  	[timem:s8], [sflag:s22] =	dma.local [hbm:s6], s20  }
0x9f: {  	_ =	swait.ge [sflag:s22], s20  }
0xa0: {  	s5 =	ssub.s32 $0x0, s20;
	[sflag:s22] =	ssyncset.done $0x0  }
0xa1: {  	[sflag:s22] =	ssyncadd.s32 s5;
	_ =	sdelay $0x1  }
0xa2: {  	s23 =	simm.s32 $0x1B8B  }
0xa3: {  	_ =	swait.ge [sflag:s23], $0x1  }
0xa4: {  	[sflag:s23] =	ssyncset.done $0x0  }
0xa5: {  	s25 =	simm.s32 $0x1B8E;
	s24 =	sld [smem:$0x3FFE];
	[sflag:s23] =	ssyncadd.s32 $0xFFFFFFFF  }
0xa6: {  	s26 =	simm.s32 $execute0_lowered;
	[smem:$0x3FD2] =	sst s25  }
0xa7: {  	s6 =	sshll.u32 s26, $0x1;
	_ =	strace $0x80000046;
	[dreg:$0x1] =	wrdreg $0xFFFFFFFF  }
0xa8: {  	s28 =	simm.s32 $_size_execute0_lowered;
	s4 =	sadd.s32 s4, s6;
	[dreg:$0x0] =	wrdreg $0x0  }
0xa9: {  	s6 =	sshll.u32 s28, $0x1;
	[dreg:$0x2] =	wrdreg s4  }
0xaa: {  	[dreg:$0x3] =	wrdreg s6  }
0xab: {  	[dreg:$0x4] =	wrdreg $0xC0  }
0xac: {  	_ =	task [dreg:s8], $0x5FFFF  }
0xad: {  	[dreg:$0x1] =	wrdreg $0xFFFFFFFF  }
0xae: {  	[dreg:$0x0] =	wrdreg $0x60  }
0xaf: {  	[dreg:$0x2] =	wrdreg s24  }
0xb0: {  	[dreg:$0x3] =	wrdreg s2  }
0xb1: {  	[dreg:$0x4] =	wrdreg s18  }
0xb2: {  	[dreg:$0x5] =	wrdreg $0xA4800  }
0xb3: {  	[dreg:$0x6] =	wrdreg $0x9  }
0xb4: {  	_ =	task.clear_ibuf [dreg:s8], $0x7FFFF;
	_ =	strace $0x90000046  }
0xb5: {  	s29 =	simm.s32 $0x9;
	_ =	strace $0x80000048  }
0xb6: {  	_ =	swait.ge [sflag:s29], $0x1  }
0xb7: {  	[sflag:s29] =	ssyncadd.s32 $0xFFFFFFFF  }
0xb8: {  	_ =	strace $0x90000048  }
0xb9: {  	_ =	sfence  }
0xba: {  	s30 =	sld [smem:$0x0];
	_ =	sdelay $0x2  }
0xbb: {  	s31 =	sshll.u32 s1, $0xD;
	s1 =	sshrl.u32 s1, $0x2  }
0xbc: {  	s3 =	sand.u32 $0x4000, s31;
	s1 =	sadd.s32 s1, s30  }
0xbd: {  	s0 =	sor.u32 s3, s0;
	s1 =	sshll.u32 s1, $0x11  }
0xbe: {  	s0 =	sor.u32 s1, s0  }
0xbf: {  	s0 =	sadd.s32 $0x8F2B, s0  }
0xc0: {  	[sflag:s0] =	ssyncadd.remote.s32 $0x1  }
0xc1: {  	_ =	sfence.sel $0xFFFF  }
0xc2: {  	[dreg:$0x0] =	wrdreg $0xFFFFFFFF;
	(pc) =	sbr.abs _section_cstart, $3  }
0xc3: {  	[dreg:$0x1] =	wrdreg $0xFFFFFFFF  }
0xc4: {  	_ =	task.clear_ibuf [dreg:s8], $0x2FFFF;
	_ =	strace $0x9FFFFFFF  }
0xc5: {  	(tm) =	ssettm $0x7FFFFFFF  }
tec
execute0_lowered:
.L_overlay_start_1:
0x0: {  	(tag) =	ssettag $0x1  }
0x1: {  	s0 =	rddreg [dreg:$0x0]  }
0x2: {  	s1 =	rddreg [dreg:$0x1]  }
0x3: {  	s2 =	rddreg [dreg:$0x2]  }
0x4: {  	s3 =	rddreg [dreg:$0x3]  }
0x5: {  	s5 =	srdreg.scid;
	s11 =	stileid.u32  }
0x6: {  	s4 =	simm.s32 $0x0;
	s28 =	simm.s32 $0x6;
	s5 =	sand.u32 $0x1, s5  }
0x7: {  	s6 =	sshll.u32 s11, $0x1;
	[smem:$0x7FF] =	sst s4;
	s26 =	smul.u32 $0x280, s11  }
0x8: {  	s12 =	sadd.s32 $0xE600, s0;
	s13 =	sadd.s32 $0x4800, s0;
	s22 =	smul.u32 $0x50000, s11  }
0x9: {  	s9 =	sadd.s32 $0x18400, s0;
	s23 =	smul.u32 $0x4E20, s11;
	s6 =	sor.u32 s5, s6  }
0xa: {  	_ =	strace $0x80000047;
	[dreg:$0x7] =	wrdreg s9;
	s21 =	smul.u32 $0x2800, s5  }
0xb: {  	s8 =	ssub.s32 $0x2, s5;
	[dreg:$0x5] =	wrdreg s12;
	s7 =	smul.u32 $0x500, s6  }
0xc: {  	[dreg:$0x6] =	wrdreg s13;
	s6 =	smul.u32 $0x2710, s6;
	s24 =	sshrl.u32 s8, $0x1  }
0xd: {  	s25 =	ssub.s32 s8, s24;
	s8 =	sadd.s32 s26, s21;
	s21 =	simm.s32 $0x0  }
0xe: {  	s6 =	sshrl.u32 s6, $0x3;
	s24 =	smax.u32 s25, $0x1;
	[smem:$0x7FD] =	sst s21  }
0xf: {  	s5 =	smul.u32 $0x2710, s5;
	s14 =	sadd.s32 s12, s6;
	[dreg:$0x14] =	wrdreg s24  }
0x10: {  	s0 =	sadd.s32 s7, s0;
	s10 =	sadd.s32 s13, s6;
	[dreg:$0x8] =	wrdreg s14  }
0x11: {  	s25 =	sshll.u32 s8, $0x4;
	s0 =	sadd.s32 $0x18A00, s0;
	[dreg:$0x9] =	wrdreg s10  }
0x12: {  	s15 =	sadd.s32 $0xA, s6;
	s26 =	sadd.s32 s2, s25;
	[dreg:$0x12] =	wrdreg s0  }
0x13: {  	s5 =	sadd.s32 s5, s23;
	s16 =	sadd.s32 s12, s15;
	[dreg:$0x16] =	wrdreg s26  }
0x14: {  	s17 =	sadd.s32 $0x14, s6;
	s9 =	sadd.s32 s13, s15;
	[dreg:$0xa] =	wrdreg s16  }
0x15: {  	s7 =	sadd.s32 $0x1E0, s5;
	s18 =	sadd.s32 s12, s17;
	[dreg:$0xb] =	wrdreg s9  }
0x16: {  	s19 =	sadd.s32 $0x1E, s6;
	s10 =	sadd.s32 s13, s17;
	[dreg:$0xc] =	wrdreg s18  }
0x17: {  	s6 =	sadd.s32 $0x4D8, s6;
	s20 =	sadd.s32 s12, s19;
	[dreg:$0xd] =	wrdreg s10  }
0x18: {  	s8 =	sadd.s32 $0x190, s5;
	s12 =	sadd.s32 s12, s6;
	[dreg:$0xe] =	wrdreg s20  }
0x19: {  	s23 =	sshrl.u32 s7, $0x3;
	s6 =	sadd.s32 s13, s6;
	[dreg:$0x10] =	wrdreg s12  }
0x1a: {  	s24 =	sshrl.u32 s8, $0x3;
	s11 =	sadd.s32 $0xA00, s26;
	[dreg:$0x11] =	wrdreg s6  }
0x1b: {  	s2 =	simm.s32 $0x100;
	s14 =	sadd.s32 $0x1400, s26;
	[dreg:$0x1e] =	wrdreg s11  }
0x1c: {  	s8 =	simm.s32 $0x2;
	s9 =	sadd.s32 s13, s19;
	[smem:$0x7F9] =	sst s14  }
0x1d: {  	s10 =	sadd.s32 $0x500, s26;
	s13 =	sadd.s32 $0xF00, s26;
	[dreg:$0xf] =	wrdreg s9  }
0x1e: {  	s16 =	sadd.s32 $0x1900, s26;
	s18 =	sadd.s32 $0x1E00, s26;
	[dreg:$0x1d] =	wrdreg s10  }
0x1f: {  	s20 =	sadd.s32 $0x2300, s26;
	s14 =	simm.s32 $0x8;
	[dreg:$0x1f] =	wrdreg s13  }
0x20: {  	s11 =	simm.s32 $0x7C80;
	s6 =	simm.s32 $0x5480;
	[smem:$0x7FA] =	sst s16  }
0x21: {  	s26 =	simm.s32 $0x7;
	s9 =	sshrl.u32 s22, $0x2;
	[smem:$0x7FB] =	sst s18  }
0x22: {  	[smem:$0x7FC] =	sst s20;
	s13 =	simm.s32 $0x480;
	s19 =	sadd.s32 s9, s3  }
0x23: {  	s16 =	simm.s32 $0x80;
	s30 =	sadd.s32 $0x2800, s19;
	[dreg:$0x13] =	wrdreg s19  }
0x24: {  	s18 =	simm.s32 $0x1;
	s31 =	sadd.s32 $0x5000, s19;
	[dreg:$0x15] =	wrdreg s30  }
0x25: {  	s20 =	simm.s32 $0x50;
	s7 =	sadd.s32 $0x7800, s19;
	[dreg:$0x17] =	wrdreg s31  }
0x26: {  	s10 =	simm.s32 $0x4;
	s15 =	sadd.s32 $0xA000, s19;
	[dreg:$0x18] =	wrdreg s7  }
0x27: {  	s22 =	simm.s32 $0x5;
	s17 =	sadd.s32 $0xC800, s19;
	[dreg:$0x19] =	wrdreg s15  }
0x28: {  	s9 =	sadd.s32 $0x140, s5;
	s29 =	sadd.s32 $0xF000, s19;
	[dreg:$0x1a] =	wrdreg s17  }
0x29: {  	s5 =	simm.s32 $0x3;
	s12 =	sadd.s32 $0x11800, s19;
	[dreg:$0x1b] =	wrdreg s29  }
0x2a: {  	v0 =	vimm.f32 $0.0e+00;
	v1 =	vimm.f32 $1.000000000e+00;
	s25 =	sshrl.u32 s9, $0x3;
	s9 =	simm.s32 $0x2C80;
	[dreg:$0x1c] =	wrdreg s12  }
.LBB2_1:
0x2b: {  	s0 =	rddreg [dreg:$0x7]  }
0x2c: {  	[tilespmem:s13], [sflag:$0x8] =	stream.linear.gather [hbm4b:s0+s4], $0x2800, $0x38;
	[tilespmem:$0x1E480] =	vst v63  }
0x2d: {  	_ =	swait.ge [sflag:s14], $0x2800  }
0x2e: {  	[sflag:s14] =	ssyncset.done $0x0  }
0x2f: {  	[sflag:s14] =	ssyncadd.s32 $0xFFFFD800  }
0x30: {  	[spmem:s19] =	stream.linear.scatter [tilespmem:s13], [sflag:$0x8], $0x2800, $0x38;
	[tilespmem:$0x1E480] =	vst v63  }
0x31: {  	_ =	swait.ge [sflag:s14], $0x2800  }
0x32: {  	[sflag:s14] =	ssyncset.done $0x0  }
0x33: {  	[sflag:s14] =	ssyncadd.s32 $0xFFFFD800  }
0x34: {  	[spmem:s30] =	stream.linear.scatter [tilespmem:s13], [sflag:$0x8], $0x2800, $0x38;
	[tilespmem:$0x1E480] =	vst v63  }
0x35: {  	_ =	swait.ge [sflag:s14], $0x2800  }
0x36: {  	[sflag:s14] =	ssyncset.done $0x0  }
0x37: {  	[sflag:s14] =	ssyncadd.s32 $0xFFFFD800  }
0x38: {  	[spmem:s31] =	stream.linear.scatter [tilespmem:s13], [sflag:$0x8], $0x2800, $0x38;
	[tilespmem:$0x1E480] =	vst v63  }
0x39: {  	_ =	swait.ge [sflag:s14], $0x2800  }
0x3a: {  	[sflag:s14] =	ssyncset.done $0x0  }
0x3b: {  	[sflag:s14] =	ssyncadd.s32 $0xFFFFD800  }
0x3c: {  	[spmem:s7] =	stream.linear.scatter [tilespmem:s13], [sflag:$0x8], $0x2800, $0x38;
	[tilespmem:$0x1E480] =	vst v63  }
0x3d: {  	_ =	swait.ge [sflag:s14], $0x2800  }
0x3e: {  	[sflag:s14] =	ssyncset.done $0x0  }
0x3f: {  	[sflag:s14] =	ssyncadd.s32 $0xFFFFD800  }
0x40: {  	[spmem:s15] =	stream.linear.scatter [tilespmem:s13], [sflag:$0x8], $0x2800, $0x38;
	[tilespmem:$0x1E480] =	vst v63  }
0x41: {  	_ =	swait.ge [sflag:s14], $0x2800  }
0x42: {  	[sflag:s14] =	ssyncset.done $0x0  }
0x43: {  	[sflag:s14] =	ssyncadd.s32 $0xFFFFD800  }
0x44: {  	[spmem:s17] =	stream.linear.scatter [tilespmem:s13], [sflag:$0x8], $0x2800, $0x38;
	[tilespmem:$0x1E480] =	vst v63  }
0x45: {  	_ =	swait.ge [sflag:s14], $0x2800  }
0x46: {  	[sflag:s14] =	ssyncset.done $0x0  }
0x47: {  	[sflag:s14] =	ssyncadd.s32 $0xFFFFD800  }
0x48: {  	[spmem:s29] =	stream.linear.scatter [tilespmem:s13], [sflag:$0x8], $0x2800, $0x38;
	[tilespmem:$0x1E480] =	vst v63  }
0x49: {  	_ =	swait.ge [sflag:s14], $0x2800  }
0x4a: {  	[sflag:s14] =	ssyncset.done $0x0  }
0x4b: {  	[sflag:s14] =	ssyncadd.s32 $0xFFFFD800  }
0x4c: {  	[spmem:s12] =	stream.linear.scatter [tilespmem:s13], [sflag:$0x8], $0x2800, $0x38;
	[tilespmem:$0x1E480] =	vst v63  }
0x4d: {  	_ =	swait.ge [sflag:s14], $0x2800  }
0x4e: {  	[sflag:s14] =	ssyncset.done $0x0  }
0x4f: {  	s0 =	simm.s32 $0x40;
	s19 =	simm.s32 $0x0;
	[sflag:s14] =	ssyncadd.s32 $0xFFFFD800  }
.LBB2_2:
0x50: {  	p0 =	sne.s32 s0, $0x9FC0;
	[tilespmem:s19+$0x7C80] =	vst v0;
	s19 =	smov.u32 s0;
	s0 =	sadd.s32 $0x40, s0  }
.Ltmp0:
0x51: {  	(pc) =	sbr.rel @p0 .LBB2_2-.Ltmp0, $2  }
0x52: {  	_ =	sdelay $0x2  }
0x53: {  	s19 =	sshra.s32 s19, $0x2  }
0x54: {  	[tilespmem:s19+$0x7C80] =	vst v0  }
0x55: {  	[bflag:$0x0] =	sbarrier.arrive $0xFFFF  }
0x56: {  	s0 =	rddreg [dreg:$0x8]  }
0x57: {  	[tilespmem:s4], [sflag:$0x1] =	stream.linear.gather [hbm4b:s0+s4], $0x50, $0x38;
	[tilespmem:$0x1E480] =	vst v63  }
0x58: {  	s7 =	simm.s32 $0x180;
	s30 =	rddreg [dreg:$0x9]  }
0x59: {  	[tilespmem:s7], [sflag:$0x1] =	stream.linear.gather [hbm4b:s30+s4], $0x50, $0x38;
	[tilespmem:$0x1E480] =	vst v63  }
0x5a: {  	s12 =	rddreg [dreg:$0xa]  }
0x5b: {  	[tilespmem:s16], [sflag:$0x2] =	stream.linear.gather [hbm4b:s12+s4], $0x50, $0x38;
	[tilespmem:$0x1E480] =	vst v63  }
0x5c: {  	s15 =	rddreg [dreg:$0xb];
	s12 =	simm.s32 $0x200  }
0x5d: {  	[tilespmem:s12], [sflag:$0x2] =	stream.linear.gather [hbm4b:s15+s4], $0x50, $0x38;
	[tilespmem:$0x1E480] =	vst v63  }
0x5e: {  	_ =	swait.ge [sflag:s18], $0x50  }
0x5f: {  	[sflag:s18] =	ssyncset.done $0x0  }
0x60: {  	[sflag:s18] =	ssyncadd.s32 $0xFFFFFFB0  }
0x61: {  	_ =	swait.ge [sflag:s18], $0x50  }
0x62: {  	[sflag:s18] =	ssyncset.done $0x0  }
0x63: {  	[sflag:s18] =	ssyncadd.s32 $0xFFFFFFB0  }
0x64: {  	[tilespmem:s13], [sflag:$0x4] =	stream.indirect.gather [hbm4b:s1+s20], $0x80, s4, s20, $0xb8;
	[tilespmem:$0x1E480] =	vst v63  }
0x65: {  	s17 =	rddreg [dreg:$0xc]  }
0x66: {  	[tilespmem:s2], [sflag:$0x3] =	stream.linear.gather [hbm4b:s17+s4], $0x50, $0x38;
	[tilespmem:$0x1E480] =	vst v63  }
0x67: {  	s15 =	simm.s32 $0x280;
	s19 =	rddreg [dreg:$0xd]  }
0x68: {  	[tilespmem:s15], [sflag:$0x3] =	stream.linear.gather [hbm4b:s19+s4], $0x50, $0x38;
	[tilespmem:$0x1E480] =	vst v63  }
0x69: {  	_ =	swait.ge [sflag:s8], $0x50  }
0x6a: {  	[sflag:s8] =	ssyncset.done $0x0  }
0x6b: {  	[sflag:s8] =	ssyncadd.s32 $0xFFFFFFB0  }
0x6c: {  	_ =	swait.ge [sflag:s8], $0x50  }
0x6d: {  	[sflag:s8] =	ssyncset.done $0x0  }
0x6e: {  	[sflag:s8] =	ssyncadd.s32 $0xFFFFFFB0  }
0x6f: {  	[tilespmem:s9], [sflag:$0x5] =	stream.indirect.gather [hbm4b:s1+s20], $0x80, s16, s20, $0xb8;
	[tilespmem:$0x1E480] =	vst v63  }
0x70: {  	_ =	swait.ge [sflag:s10], $0x2800  }
0x71: {  	[sflag:s10] =	ssyncset.done $0x0  }
0x72: {  	[sflag:s10] =	ssyncadd.s32 $0xFFFFD800  }
0x73: {  	v2 =	vld [tilespmem:$0x180];
	_ =	sdelay $0x6  }
0x74: {  	[tilespmem:$0x300] =	vst v2  }
0x75: {  	[tilespmem:v2+s11+$0x0] =	vst.idx.add.f32.msk $0xffff, v1  }
0x76: {  	v2 =	vld [tilespmem:$0x190];
	_ =	sdelay $0x6  }
0x77: {  	[tilespmem:$0x310] =	vst v2  }
0x78: {  	[tilespmem:v2+s11+$0x0] =	vst.idx.add.f32.msk $0xffff, v1  }
0x79: {  	v2 =	vld [tilespmem:$0x1A0];
	_ =	sdelay $0x6  }
0x7a: {  	[tilespmem:$0x320] =	vst v2  }
0x7b: {  	[tilespmem:v2+s11+$0x0] =	vst.idx.add.f32.msk $0xffff, v1  }
0x7c: {  	v2 =	vld [tilespmem:$0x1B0];
	_ =	sdelay $0x6  }
0x7d: {  	[tilespmem:$0x330] =	vst v2  }
0x7e: {  	[tilespmem:v2+s11+$0x0] =	vst.idx.add.f32.msk $0xffff, v1  }
0x7f: {  	v2 =	vld [tilespmem:$0x1C0];
	_ =	sdelay $0x6  }
0x80: {  	[tilespmem:$0x340] =	vst v2  }
0x81: {  	s17 =	simm.s32 $0x300;
	[tilespmem:v2+s11+$0x0] =	vst.idx.add.f32.msk $0xffff, v1  }
0x82: {  	[spmem:s3] =	stream.indirect.scatter.add.f32 [tilespmem:s13], [sflag:$0x7], $0x80, s17, s20, $0xb8;
	[tilespmem:$0x1E480] =	vst v63  }
0x83: {  	s21 =	rddreg [dreg:$0xe]  }
0x84: {  	[tilespmem:s4], [sflag:$0x1] =	stream.linear.gather [hbm4b:s21+s4], $0x50, $0x38;
	[tilespmem:$0x1E480] =	vst v63  }
0x85: {  	s30 =	rddreg [dreg:$0xf]  }
0x86: {  	[tilespmem:s7], [sflag:$0x1] =	stream.linear.gather [hbm4b:s30+s4], $0x50, $0x38;
	[tilespmem:$0x1E480] =	vst v63  }
0x87: {  	_ =	swait.ge [sflag:s5], $0x50  }
0x88: {  	[sflag:s5] =	ssyncset.done $0x0  }
0x89: {  	[sflag:s5] =	ssyncadd.s32 $0xFFFFFFB0  }
0x8a: {  	_ =	swait.ge [sflag:s5], $0x50  }
0x8b: {  	[sflag:s5] =	ssyncset.done $0x0  }
0x8c: {  	[sflag:s5] =	ssyncadd.s32 $0xFFFFFFB0  }
0x8d: {  	[tilespmem:s6], [sflag:$0x6] =	stream.indirect.gather [hbm4b:s1+s20], $0x80, s2, s20, $0xb8;
	[tilespmem:$0x1E480] =	vst v63  }
0x8e: {  	_ =	swait.ge [sflag:s22], $0x2800  }
0x8f: {  	[sflag:s22] =	ssyncset.done $0x0  }
0x90: {  	[sflag:s22] =	ssyncadd.s32 $0xFFFFD800  }
0x91: {  	v2 =	vld [tilespmem:$0x200];
	_ =	sdelay $0x6  }
0x92: {  	[tilespmem:$0x380] =	vst v2  }
0x93: {  	[tilespmem:v2+s11+$0x0] =	vst.idx.add.f32.msk $0xffff, v1  }
0x94: {  	v2 =	vld [tilespmem:$0x210];
	_ =	sdelay $0x6  }
0x95: {  	[tilespmem:$0x390] =	vst v2  }
0x96: {  	[tilespmem:v2+s11+$0x0] =	vst.idx.add.f32.msk $0xffff, v1  }
0x97: {  	v2 =	vld [tilespmem:$0x220];
	_ =	sdelay $0x6  }
0x98: {  	[tilespmem:$0x3A0] =	vst v2  }
0x99: {  	[tilespmem:v2+s11+$0x0] =	vst.idx.add.f32.msk $0xffff, v1  }
0x9a: {  	v2 =	vld [tilespmem:$0x230];
	_ =	sdelay $0x6  }
0x9b: {  	[tilespmem:$0x3B0] =	vst v2  }
0x9c: {  	[tilespmem:v2+s11+$0x0] =	vst.idx.add.f32.msk $0xffff, v1  }
0x9d: {  	v2 =	vld [tilespmem:$0x240];
	_ =	sdelay $0x6  }
0x9e: {  	s31 =	simm.s32 $0x28;
	s0 =	rddreg [dreg:$0x5];
	[tilespmem:$0x3C0] =	vst v2  }
0x9f: {  	s29 =	simm.s32 $0x400;
	s21 =	simm.s32 $0x380;
	s19 =	rddreg [dreg:$0x6];
	[tilespmem:v2+s11+$0x0] =	vst.idx.add.f32.msk $0xffff, v1  }
0xa0: {  	[spmem:s3] =	stream.indirect.scatter.add.f32 [tilespmem:s9], [sflag:$0x7], $0x80, s21, s20, $0xb8;
	[tilespmem:$0x1E480] =	vst v63  }
.LBB2_4:
0xa1: {  	_ =	swait.ge [sflag:s26], $0x2800  }
0xa2: {  	[sflag:s26] =	ssyncset.done $0x0  }
0xa3: {  	s30 =	sadd.s32 s0, s25;
	[sflag:s26] =	ssyncadd.s32 $0xFFFFD800  }
0xa4: {  	[tilespmem:s16], [sflag:$0x2] =	stream.linear.gather [hbm4b:s30+s4], $0x50, $0x38;
	[tilespmem:$0x1E480] =	vst v63  }
0xa5: {  	s30 =	sadd.s32 s19, s25  }
0xa6: {  	[tilespmem:s12], [sflag:$0x2] =	stream.linear.gather [hbm4b:s30+s4], $0x50, $0x38;
	[tilespmem:$0x1E480] =	vst v63  }
0xa7: {  	_ =	swait.ge [sflag:s18], $0x50  }
0xa8: {  	[sflag:s18] =	ssyncset.done $0x0  }
0xa9: {  	[sflag:s18] =	ssyncadd.s32 $0xFFFFFFB0  }
0xaa: {  	_ =	swait.ge [sflag:s18], $0x50  }
0xab: {  	[sflag:s18] =	ssyncset.done $0x0  }
0xac: {  	[sflag:s18] =	ssyncadd.s32 $0xFFFFFFB0  }
0xad: {  	[tilespmem:s13], [sflag:$0x4] =	stream.indirect.gather [hbm4b:s1+s20], $0x80, s4, s20, $0xb8;
	[tilespmem:$0x1E480] =	vst v63  }
0xae: {  	_ =	swait.ge [sflag:s28], $0x2800  }
0xaf: {  	[sflag:s28] =	ssyncset.done $0x0  }
0xb0: {  	[sflag:s28] =	ssyncadd.s32 $0xFFFFD800  }
0xb1: {  	v2 =	vld [tilespmem:$0x280];
	_ =	sdelay $0x6  }
0xb2: {  	[tilespmem:$0x400] =	vst v2  }
0xb3: {  	[tilespmem:v2+s11+$0x0] =	vst.idx.add.f32.msk $0xffff, v1  }
0xb4: {  	v2 =	vld [tilespmem:$0x290];
	_ =	sdelay $0x6  }
0xb5: {  	[tilespmem:$0x410] =	vst v2  }
0xb6: {  	[tilespmem:v2+s11+$0x0] =	vst.idx.add.f32.msk $0xffff, v1  }
0xb7: {  	v2 =	vld [tilespmem:$0x2A0];
	_ =	sdelay $0x6  }
0xb8: {  	[tilespmem:$0x420] =	vst v2  }
0xb9: {  	[tilespmem:v2+s11+$0x0] =	vst.idx.add.f32.msk $0xffff, v1  }
0xba: {  	v2 =	vld [tilespmem:$0x2B0];
	_ =	sdelay $0x6  }
0xbb: {  	[tilespmem:$0x430] =	vst v2  }
0xbc: {  	[tilespmem:v2+s11+$0x0] =	vst.idx.add.f32.msk $0xffff, v1  }
0xbd: {  	v2 =	vld [tilespmem:$0x2C0];
	_ =	sdelay $0x6  }
0xbe: {  	[tilespmem:$0x440] =	vst v2  }
0xbf: {  	[tilespmem:v2+s11+$0x0] =	vst.idx.add.f32.msk $0xffff, v1  }
0xc0: {  	[spmem:s3] =	stream.indirect.scatter.add.f32 [tilespmem:s6], [sflag:$0x7], $0x80, s29, s20, $0xb8;
	[tilespmem:$0x1E480] =	vst v63  }
0xc1: {  	_ =	swait.ge [sflag:s26], $0x2800  }
0xc2: {  	[sflag:s26] =	ssyncset.done $0x0  }
0xc3: {  	s30 =	sadd.s32 s0, s24;
	[sflag:s26] =	ssyncadd.s32 $0xFFFFD800  }
0xc4: {  	[tilespmem:s2], [sflag:$0x3] =	stream.linear.gather [hbm4b:s30+s4], $0x50, $0x38;
	[tilespmem:$0x1E480] =	vst v63  }
0xc5: {  	s30 =	sadd.s32 s19, s24  }
0xc6: {  	[tilespmem:s15], [sflag:$0x3] =	stream.linear.gather [hbm4b:s30+s4], $0x50, $0x38;
	[tilespmem:$0x1E480] =	vst v63  }
0xc7: {  	_ =	swait.ge [sflag:s8], $0x50  }
0xc8: {  	[sflag:s8] =	ssyncset.done $0x0  }
0xc9: {  	[sflag:s8] =	ssyncadd.s32 $0xFFFFFFB0  }
0xca: {  	_ =	swait.ge [sflag:s8], $0x50  }
0xcb: {  	[sflag:s8] =	ssyncset.done $0x0  }
0xcc: {  	[sflag:s8] =	ssyncadd.s32 $0xFFFFFFB0  }
0xcd: {  	[tilespmem:s9], [sflag:$0x5] =	stream.indirect.gather [hbm4b:s1+s20], $0x80, s16, s20, $0xb8;
	[tilespmem:$0x1E480] =	vst v63  }
0xce: {  	_ =	swait.ge [sflag:s10], $0x2800  }
0xcf: {  	[sflag:s10] =	ssyncset.done $0x0  }
0xd0: {  	[sflag:s10] =	ssyncadd.s32 $0xFFFFD800  }
0xd1: {  	v2 =	vld [tilespmem:$0x180];
	_ =	sdelay $0x6  }
0xd2: {  	[tilespmem:$0x300] =	vst v2  }
0xd3: {  	[tilespmem:v2+s11+$0x0] =	vst.idx.add.f32.msk $0xffff, v1  }
0xd4: {  	v2 =	vld [tilespmem:$0x190];
	_ =	sdelay $0x6  }
0xd5: {  	[tilespmem:$0x310] =	vst v2  }
0xd6: {  	[tilespmem:v2+s11+$0x0] =	vst.idx.add.f32.msk $0xffff, v1  }
0xd7: {  	v2 =	vld [tilespmem:$0x1A0];
	_ =	sdelay $0x6  }
0xd8: {  	[tilespmem:$0x320] =	vst v2  }
0xd9: {  	[tilespmem:v2+s11+$0x0] =	vst.idx.add.f32.msk $0xffff, v1  }
0xda: {  	v2 =	vld [tilespmem:$0x1B0];
	_ =	sdelay $0x6  }
0xdb: {  	[tilespmem:$0x330] =	vst v2  }
0xdc: {  	[tilespmem:v2+s11+$0x0] =	vst.idx.add.f32.msk $0xffff, v1  }
0xdd: {  	v2 =	vld [tilespmem:$0x1C0];
	_ =	sdelay $0x6  }
0xde: {  	[tilespmem:$0x340] =	vst v2  }
0xdf: {  	[tilespmem:v2+s11+$0x0] =	vst.idx.add.f32.msk $0xffff, v1  }
0xe0: {  	[spmem:s3] =	stream.indirect.scatter.add.f32 [tilespmem:s13], [sflag:$0x7], $0x80, s17, s20, $0xb8;
	[tilespmem:$0x1E480] =	vst v63  }
0xe1: {  	_ =	swait.ge [sflag:s26], $0x2800  }
0xe2: {  	[sflag:s26] =	ssyncset.done $0x0  }
0xe3: {  	s30 =	sadd.s32 s0, s23;
	[sflag:s26] =	ssyncadd.s32 $0xFFFFD800  }
0xe4: {  	[tilespmem:s4], [sflag:$0x1] =	stream.linear.gather [hbm4b:s30+s4], $0x50, $0x38;
	[tilespmem:$0x1E480] =	vst v63  }
0xe5: {  	s30 =	sadd.s32 s19, s23  }
0xe6: {  	[tilespmem:s7], [sflag:$0x1] =	stream.linear.gather [hbm4b:s30+s4], $0x50, $0x38;
	[tilespmem:$0x1E480] =	vst v63  }
0xe7: {  	_ =	swait.ge [sflag:s5], $0x50  }
0xe8: {  	[sflag:s5] =	ssyncset.done $0x0  }
0xe9: {  	[sflag:s5] =	ssyncadd.s32 $0xFFFFFFB0  }
0xea: {  	_ =	swait.ge [sflag:s5], $0x50  }
0xeb: {  	[sflag:s5] =	ssyncset.done $0x0  }
0xec: {  	[sflag:s5] =	ssyncadd.s32 $0xFFFFFFB0  }
0xed: {  	[tilespmem:s6], [sflag:$0x6] =	stream.indirect.gather [hbm4b:s1+s20], $0x80, s2, s20, $0xb8;
	[tilespmem:$0x1E480] =	vst v63  }
0xee: {  	_ =	swait.ge [sflag:s22], $0x2800  }
0xef: {  	[sflag:s22] =	ssyncset.done $0x0  }
0xf0: {  	[sflag:s22] =	ssyncadd.s32 $0xFFFFD800  }
0xf1: {  	v2 =	vld [tilespmem:$0x200];
	_ =	sdelay $0x6  }
0xf2: {  	[tilespmem:$0x380] =	vst v2  }
0xf3: {  	[tilespmem:v2+s11+$0x0] =	vst.idx.add.f32.msk $0xffff, v1  }
0xf4: {  	v2 =	vld [tilespmem:$0x210];
	_ =	sdelay $0x6  }
0xf5: {  	[tilespmem:$0x390] =	vst v2  }
0xf6: {  	[tilespmem:v2+s11+$0x0] =	vst.idx.add.f32.msk $0xffff, v1  }
0xf7: {  	v2 =	vld [tilespmem:$0x220];
	_ =	sdelay $0x6  }
0xf8: {  	[tilespmem:$0x3A0] =	vst v2  }
0xf9: {  	[tilespmem:v2+s11+$0x0] =	vst.idx.add.f32.msk $0xffff, v1  }
0xfa: {  	v2 =	vld [tilespmem:$0x230];
	_ =	sdelay $0x6  }
0xfb: {  	[tilespmem:$0x3B0] =	vst v2  }
0xfc: {  	[tilespmem:v2+s11+$0x0] =	vst.idx.add.f32.msk $0xffff, v1  }
0xfd: {  	v2 =	vld [tilespmem:$0x240];
	_ =	sdelay $0x3  }
0xfe: {  	p0 =	sne.s32 s31, $0x1  }
.Ltmp1:
0xff: {  	_ = 	snop;
	(pc) =	sbr.rel @p0 .LBB2_4-.Ltmp1, $4  }
0x100: {  	_ = 	snop  }
0x101: {  	[tilespmem:$0x3C0] =	vst v2  }
0x102: {  	s31 =	sadd.s32 $0xFFFFFFFF, s31;
	s0 =	sadd.s32 $0x1E, s0;
	s19 =	sadd.s32 $0x1E, s19;
	[tilespmem:v2+s11+$0x0] =	vst.idx.add.f32.msk $0xffff, v1  }
0x103: {  	[spmem:s3] =	stream.indirect.scatter.add.f32 [tilespmem:s9], [sflag:$0x7], $0x80, s21, s20, $0xb8;
	[tilespmem:$0x1E480] =	vst v63  }
0x104: {  	_ =	swait.ge [sflag:s26], $0x2800  }
0x105: {  	[sflag:s26] =	ssyncset.done $0x0  }
0x106: {  	s0 =	rddreg [dreg:$0x10];
	[sflag:s26] =	ssyncadd.s32 $0xFFFFD800  }
0x107: {  	[tilespmem:s16], [sflag:$0x2] =	stream.linear.gather [hbm4b:s0+s4], $0x50, $0x38;
	[tilespmem:$0x1E480] =	vst v63  }
0x108: {  	s19 =	rddreg [dreg:$0x11]  }
0x109: {  	[tilespmem:s12], [sflag:$0x2] =	stream.linear.gather [hbm4b:s19+s4], $0x50, $0x38;
	[tilespmem:$0x1E480] =	vst v63  }
0x10a: {  	_ =	swait.ge [sflag:s18], $0x50  }
0x10b: {  	[sflag:s18] =	ssyncset.done $0x0  }
0x10c: {  	[sflag:s18] =	ssyncadd.s32 $0xFFFFFFB0  }
0x10d: {  	_ =	swait.ge [sflag:s18], $0x50  }
0x10e: {  	[sflag:s18] =	ssyncset.done $0x0  }
0x10f: {  	[sflag:s18] =	ssyncadd.s32 $0xFFFFFFB0  }
0x110: {  	[tilespmem:s13], [sflag:$0x4] =	stream.indirect.gather [hbm4b:s1+s20], $0x80, s4, s20, $0xb8;
	[tilespmem:$0x1E480] =	vst v63  }
0x111: {  	_ =	swait.ge [sflag:s28], $0x2800  }
0x112: {  	[sflag:s28] =	ssyncset.done $0x0  }
0x113: {  	[sflag:s28] =	ssyncadd.s32 $0xFFFFD800  }
0x114: {  	v2 =	vld [tilespmem:$0x280];
	_ =	sdelay $0x6  }
0x115: {  	[tilespmem:$0x400] =	vst v2  }
0x116: {  	[tilespmem:v2+s11+$0x0] =	vst.idx.add.f32.msk $0xffff, v1  }
0x117: {  	v2 =	vld [tilespmem:$0x290];
	_ =	sdelay $0x6  }
0x118: {  	[tilespmem:$0x410] =	vst v2  }
0x119: {  	[tilespmem:v2+s11+$0x0] =	vst.idx.add.f32.msk $0xffff, v1  }
0x11a: {  	v2 =	vld [tilespmem:$0x2A0];
	_ =	sdelay $0x6  }
0x11b: {  	[tilespmem:$0x420] =	vst v2  }
0x11c: {  	[tilespmem:v2+s11+$0x0] =	vst.idx.add.f32.msk $0xffff, v1  }
0x11d: {  	v2 =	vld [tilespmem:$0x2B0];
	_ =	sdelay $0x6  }
0x11e: {  	[tilespmem:$0x430] =	vst v2  }
0x11f: {  	[tilespmem:v2+s11+$0x0] =	vst.idx.add.f32.msk $0xffff, v1  }
0x120: {  	v2 =	vld [tilespmem:$0x2C0];
	_ =	sdelay $0x6  }
0x121: {  	[tilespmem:$0x440] =	vst v2  }
0x122: {  	[tilespmem:v2+s11+$0x0] =	vst.idx.add.f32.msk $0xffff, v1  }
0x123: {  	[spmem:s3] =	stream.indirect.scatter.add.f32 [tilespmem:s6], [sflag:$0x7], $0x80, s29, s20, $0xb8;
	[tilespmem:$0x1E480] =	vst v63  }
0x124: {  	_ =	swait.ge [sflag:s26], $0x2800  }
0x125: {  	[sflag:s26] =	ssyncset.done $0x0  }
0x126: {  	[sflag:s26] =	ssyncadd.s32 $0xFFFFD800  }
0x127: {  	_ =	swait.ge [sflag:s8], $0x50  }
0x128: {  	[sflag:s8] =	ssyncset.done $0x0  }
0x129: {  	[sflag:s8] =	ssyncadd.s32 $0xFFFFFFB0  }
0x12a: {  	_ =	swait.ge [sflag:s8], $0x50  }
0x12b: {  	[sflag:s8] =	ssyncset.done $0x0  }
0x12c: {  	[sflag:s8] =	ssyncadd.s32 $0xFFFFFFB0  }
0x12d: {  	[tilespmem:s9], [sflag:$0x5] =	stream.indirect.gather [hbm4b:s1+s20], $0x80, s16, s20, $0xb8;
	[tilespmem:$0x1E480] =	vst v63  }
0x12e: {  	_ =	swait.ge [sflag:s10], $0x2800  }
0x12f: {  	[sflag:s10] =	ssyncset.done $0x0  }
0x130: {  	[sflag:s10] =	ssyncadd.s32 $0xFFFFD800  }
0x131: {  	v2 =	vld [tilespmem:$0x180];
	_ =	sdelay $0x6  }
0x132: {  	[tilespmem:$0x300] =	vst v2  }
0x133: {  	[tilespmem:v2+s11+$0x0] =	vst.idx.add.f32.msk $0xffff, v1  }
0x134: {  	v2 =	vld [tilespmem:$0x190];
	_ =	sdelay $0x6  }
0x135: {  	[tilespmem:$0x310] =	vst v2  }
0x136: {  	[tilespmem:v2+s11+$0x0] =	vst.idx.add.f32.msk $0xffff, v1  }
0x137: {  	v2 =	vld [tilespmem:$0x1A0];
	_ =	sdelay $0x6  }
0x138: {  	[tilespmem:$0x320] =	vst v2  }
0x139: {  	[tilespmem:v2+s11+$0x0] =	vst.idx.add.f32.msk $0xffff, v1  }
0x13a: {  	v2 =	vld [tilespmem:$0x1B0];
	_ =	sdelay $0x6  }
0x13b: {  	[tilespmem:$0x330] =	vst v2  }
0x13c: {  	[tilespmem:v2+s11+$0x0] =	vst.idx.add.f32.msk $0xffff, v1  }
0x13d: {  	v2 =	vld [tilespmem:$0x1C0];
	_ =	sdelay $0x6  }
0x13e: {  	[tilespmem:$0x340] =	vst v2  }
0x13f: {  	[tilespmem:v2+s11+$0x0] =	vst.idx.add.f32.msk $0xffff, v1  }
0x140: {  	[spmem:s3] =	stream.indirect.scatter.add.f32 [tilespmem:s13], [sflag:$0x7], $0x80, s17, s20, $0xb8;
	[tilespmem:$0x1E480] =	vst v63  }
0x141: {  	_ =	swait.ge [sflag:s26], $0x2800  }
0x142: {  	[sflag:s26] =	ssyncset.done $0x0  }
0x143: {  	[sflag:s26] =	ssyncadd.s32 $0xFFFFD800  }
0x144: {  	_ =	swait.ge [sflag:s22], $0x2800  }
0x145: {  	[sflag:s22] =	ssyncset.done $0x0  }
0x146: {  	[sflag:s22] =	ssyncadd.s32 $0xFFFFD800  }
0x147: {  	v2 =	vld [tilespmem:$0x200];
	_ =	sdelay $0x6  }
0x148: {  	[tilespmem:$0x380] =	vst v2  }
0x149: {  	[tilespmem:v2+s11+$0x0] =	vst.idx.add.f32.msk $0xffff, v1  }
0x14a: {  	v2 =	vld [tilespmem:$0x210];
	_ =	sdelay $0x6  }
0x14b: {  	[tilespmem:$0x390] =	vst v2  }
0x14c: {  	[tilespmem:v2+s11+$0x0] =	vst.idx.add.f32.msk $0xffff, v1  }
0x14d: {  	v2 =	vld [tilespmem:$0x220];
	_ =	sdelay $0x6  }
0x14e: {  	[tilespmem:$0x3A0] =	vst v2  }
0x14f: {  	[tilespmem:v2+s11+$0x0] =	vst.idx.add.f32.msk $0xffff, v1  }
0x150: {  	v2 =	vld [tilespmem:$0x230];
	_ =	sdelay $0x6  }
0x151: {  	[tilespmem:$0x3B0] =	vst v2  }
0x152: {  	[tilespmem:v2+s11+$0x0] =	vst.idx.add.f32.msk $0xffff, v1  }
0x153: {  	v2 =	vld [tilespmem:$0x240];
	_ =	sdelay $0x6  }
0x154: {  	[tilespmem:$0x3C0] =	vst v2  }
0x155: {  	[tilespmem:v2+s11+$0x0] =	vst.idx.add.f32.msk $0xffff, v1  }
0x156: {  	[spmem:s3] =	stream.indirect.scatter.add.f32 [tilespmem:s9], [sflag:$0x7], $0x80, s21, s20, $0xb8;
	[tilespmem:$0x1E480] =	vst v63  }
0x157: {  	_ =	swait.ge [sflag:s26], $0x2800  }
0x158: {  	[sflag:s26] =	ssyncset.done $0x0  }
0x159: {  	[sflag:s26] =	ssyncadd.s32 $0xFFFFD800  }
0x15a: {  	_ =	swait.ge [sflag:s26], $0x2800  }
0x15b: {  	[sflag:s26] =	ssyncset.done $0x0  }
0x15c: {  	[sflag:s26] =	ssyncadd.s32 $0xFFFFD800  }
0x15d: {  	[bflag:$0x0] =	sbarrier.arrive $0xFFFF  }
0x15e: {  	s19 =	rddreg [dreg:$0x13]  }
0x15f: {  	[tilespmem:s13], [sflag:$0x8] =	stream.linear.gather [spmem:s19], $0x2800, $0x38;
	[tilespmem:$0x1E480] =	vst v63  }
0x160: {  	_ =	swait.ge [sflag:s14], $0x2800  }
0x161: {  	[sflag:s14] =	ssyncset.done $0x0  }
0x162: {  	s21 =	rddreg [dreg:$0x16];
	[sflag:s14] =	ssyncadd.s32 $0xFFFFD800  }
0x163: {  	[hbm4b:s21+s4] =	stream.linear.scatter [tilespmem:s13], [sflag:$0x8], $0x2800, $0x38;
	[tilespmem:$0x1E480] =	vst v63  }
0x164: {  	_ =	swait.ge [sflag:s14], $0x2800  }
0x165: {  	[sflag:s14] =	ssyncset.done $0x0  }
0x166: {  	s30 =	rddreg [dreg:$0x15];
	[sflag:s14] =	ssyncadd.s32 $0xFFFFD800  }
0x167: {  	[tilespmem:s13], [sflag:$0x8] =	stream.linear.gather [spmem:s30], $0x2800, $0x38;
	[tilespmem:$0x1E480] =	vst v63  }
0x168: {  	_ =	swait.ge [sflag:s14], $0x2800  }
0x169: {  	[sflag:s14] =	ssyncset.done $0x0  }
0x16a: {  	s7 =	rddreg [dreg:$0x1d];
	[sflag:s14] =	ssyncadd.s32 $0xFFFFD800  }
0x16b: {  	[hbm4b:s7+s4] =	stream.linear.scatter [tilespmem:s13], [sflag:$0x8], $0x2800, $0x38;
	[tilespmem:$0x1E480] =	vst v63  }
0x16c: {  	_ =	swait.ge [sflag:s14], $0x2800  }
0x16d: {  	[sflag:s14] =	ssyncset.done $0x0  }
0x16e: {  	s31 =	rddreg [dreg:$0x17];
	[sflag:s14] =	ssyncadd.s32 $0xFFFFD800  }
0x16f: {  	[tilespmem:s13], [sflag:$0x8] =	stream.linear.gather [spmem:s31], $0x2800, $0x38;
	[tilespmem:$0x1E480] =	vst v63  }
0x170: {  	_ =	swait.ge [sflag:s14], $0x2800  }
0x171: {  	[sflag:s14] =	ssyncset.done $0x0  }
0x172: {  	s12 =	rddreg [dreg:$0x1e];
	[sflag:s14] =	ssyncadd.s32 $0xFFFFD800  }
0x173: {  	[hbm4b:s12+s4] =	stream.linear.scatter [tilespmem:s13], [sflag:$0x8], $0x2800, $0x38;
	[tilespmem:$0x1E480] =	vst v63  }
0x174: {  	_ =	swait.ge [sflag:s14], $0x2800  }
0x175: {  	[sflag:s14] =	ssyncset.done $0x0  }
0x176: {  	s7 =	rddreg [dreg:$0x18];
	[sflag:s14] =	ssyncadd.s32 $0xFFFFD800  }
0x177: {  	[tilespmem:s13], [sflag:$0x8] =	stream.linear.gather [spmem:s7], $0x2800, $0x38;
	[tilespmem:$0x1E480] =	vst v63  }
0x178: {  	_ =	swait.ge [sflag:s14], $0x2800  }
0x179: {  	[sflag:s14] =	ssyncset.done $0x0  }
0x17a: {  	s15 =	rddreg [dreg:$0x1f];
	[sflag:s14] =	ssyncadd.s32 $0xFFFFD800  }
0x17b: {  	[hbm4b:s15+s4] =	stream.linear.scatter [tilespmem:s13], [sflag:$0x8], $0x2800, $0x38;
	[tilespmem:$0x1E480] =	vst v63  }
0x17c: {  	_ =	swait.ge [sflag:s14], $0x2800  }
0x17d: {  	[sflag:s14] =	ssyncset.done $0x0  }
0x17e: {  	s15 =	rddreg [dreg:$0x19];
	[sflag:s14] =	ssyncadd.s32 $0xFFFFD800  }
0x17f: {  	[tilespmem:s13], [sflag:$0x8] =	stream.linear.gather [spmem:s15], $0x2800, $0x38;
	[tilespmem:$0x1E480] =	vst v63  }
0x180: {  	_ =	swait.ge [sflag:s14], $0x2800  }
0x181: {  	s17 =	sld [smem:$0x7F9]  }
0x182: {  	[sflag:s14] =	ssyncset.done $0x0  }
0x183: {  	[sflag:s14] =	ssyncadd.s32 $0xFFFFD800  }
0x184: {  	[hbm4b:s17+s4] =	stream.linear.scatter [tilespmem:s13], [sflag:$0x8], $0x2800, $0x38;
	[tilespmem:$0x1E480] =	vst v63  }
0x185: {  	_ =	swait.ge [sflag:s14], $0x2800  }
0x186: {  	[sflag:s14] =	ssyncset.done $0x0  }
0x187: {  	s17 =	rddreg [dreg:$0x1a];
	[sflag:s14] =	ssyncadd.s32 $0xFFFFD800  }
0x188: {  	[tilespmem:s13], [sflag:$0x8] =	stream.linear.gather [spmem:s17], $0x2800, $0x38;
	[tilespmem:$0x1E480] =	vst v63  }
0x189: {  	_ =	swait.ge [sflag:s14], $0x2800  }
0x18a: {  	s21 =	sld [smem:$0x7FA]  }
0x18b: {  	[sflag:s14] =	ssyncset.done $0x0  }
0x18c: {  	[sflag:s14] =	ssyncadd.s32 $0xFFFFD800  }
0x18d: {  	[hbm4b:s21+s4] =	stream.linear.scatter [tilespmem:s13], [sflag:$0x8], $0x2800, $0x38;
	[tilespmem:$0x1E480] =	vst v63  }
0x18e: {  	_ =	swait.ge [sflag:s14], $0x2800  }
0x18f: {  	[sflag:s14] =	ssyncset.done $0x0  }
0x190: {  	s29 =	rddreg [dreg:$0x1b];
	[sflag:s14] =	ssyncadd.s32 $0xFFFFD800  }
0x191: {  	[tilespmem:s13], [sflag:$0x8] =	stream.linear.gather [spmem:s29], $0x2800, $0x38;
	[tilespmem:$0x1E480] =	vst v63  }
0x192: {  	_ =	swait.ge [sflag:s14], $0x2800  }
0x193: {  	s12 =	sld [smem:$0x7FB]  }
0x194: {  	[sflag:s14] =	ssyncset.done $0x0  }
0x195: {  	[sflag:s14] =	ssyncadd.s32 $0xFFFFD800  }
0x196: {  	[hbm4b:s12+s4] =	stream.linear.scatter [tilespmem:s13], [sflag:$0x8], $0x2800, $0x38;
	[tilespmem:$0x1E480] =	vst v63  }
0x197: {  	_ =	swait.ge [sflag:s14], $0x2800  }
0x198: {  	[sflag:s14] =	ssyncset.done $0x0  }
0x199: {  	s12 =	rddreg [dreg:$0x1c];
	[sflag:s14] =	ssyncadd.s32 $0xFFFFD800  }
0x19a: {  	[tilespmem:s13], [sflag:$0x8] =	stream.linear.gather [spmem:s12], $0x2800, $0x38;
	[tilespmem:$0x1E480] =	vst v63  }
0x19b: {  	_ =	swait.ge [sflag:s14], $0x2800  }
0x19c: {  	s21 =	sld [smem:$0x7FC]  }
0x19d: {  	[sflag:s14] =	ssyncset.done $0x0  }
0x19e: {  	[sflag:s14] =	ssyncadd.s32 $0xFFFFD800  }
0x19f: {  	[hbm4b:s21+s4] =	stream.linear.scatter [tilespmem:s13], [sflag:$0x8], $0x2800, $0x38;
	[tilespmem:$0x1E480] =	vst v63  }
0x1a0: {  	_ =	swait.ge [sflag:s14], $0x2800  }
0x1a1: {  	[sflag:s14] =	ssyncset.done $0x0  }
0x1a2: {  	s21 =	rddreg [dreg:$0x12];
	[sflag:s14] =	ssyncadd.s32 $0xFFFFD800  }
0x1a3: {  	[hbm4b:s21+s4] =	stream.linear.scatter [tilespmem:s11], [sflag:$0x8], $0x2800, $0x38;
	[tilespmem:$0x1E480] =	vst v63  }
0x1a4: {  	_ =	swait.ge [sflag:s14], $0x2800  }
0x1a5: {  	s0 =	sld [smem:$0x7FD];
	_ =	sdelay $0x2  }
0x1a6: {  	s21 =	sadd.s32 $0x1, s0;
	s0 =	rddreg [dreg:$0x14]  }
0x1a7: {  	p0 =	sne.s32 s21, s0  }
.Ltmp2:
0x1a8: {  	_ = 	snop;
	(pc) =	sbr.rel @p0 .LBB2_1-.Ltmp2, $3  }
0x1a9: {  	_ =	sdelay $0x1  }
0x1aa: {  	[sflag:s14] =	ssyncset.done $0x0  }
0x1ab: {  	[sflag:s14] =	ssyncadd.s32 $0xFFFFD800;
	[smem:$0x7FD] =	sst s21  }
0x1ac: {  	_ =	sfence.sel $0x180000  }
0x1ad: {  	[bflag:$0x0] =	sbarrier.arrive $0xFFFF  }
0x1ae: {  	_ =	strace $0x90000047  }
0x1af: {  	s0 =	stileid.u32;
	[bflag:$0x2] =	sbarrier.arrive $0xFFFF  }
0x1b0: {  	p0 =	sne.s32 s0, $0x0;
	s0 =	rddreg [dreg:$0x4]  }
0x1b1: {  	s0 =	sadd.s32 @!p0 $0x100000, s0  }
0x1b2: {  	[sflag:s0] =	ssyncadd.tile.s32 @!p0 $0x1;
	_ =	shalt  }
.Lfunc_end2:
_tile_overlayer_lowered:
.L_overlay_start_2:
0x1b3: {  	(tag) =	ssettag $0x2  }
0x1b4: {  	s0 =	rddreg [dreg:$0x0];
	s2 =	stileid.u32  }
0x1b5: {  	s1 =	rddreg [dreg:$0x1];
	p0 =	sne.s32 s2, $0x0  }
0x1b6: {  	s3 =	rddreg [dreg:$0x2];
	[bflag:$0x3] =	sbarrier.arrive $0xFFFF;
	s2 =	simm.s32 @!p0 $0x1C08  }
0x1b7: {  	[timem:s3], [sflag:s2] =	dma.local @!p0 [hbm:s0], s1  }
0x1b8: {  	s0 =	simm.s32 @!p0 $0x8  }
0x1b9: {  	_ =	swait.ge @!p0 [sflag:s0], s1  }
0x1ba: {  	s1 =	ssub.s32 @!p0 $0x0, s1;
	[sflag:s0] =	ssyncset.done @!p0 $0x0  }
0x1bb: {  	[sflag:s0] =	ssyncadd.s32 @!p0 s1  }
0x1bc: {  	[bflag:$0x3] =	sbarrier.arrive $0xFFFF  }
0x1bd: {  	_ =	shalt  }

</sc_bundles>
